<compile_context>
chip_gen: v7x
topology: tpu7x:2x2x1
jax: 0.10.2.dev20260603
libtpu: 0.0.44.dev20260713+nightly
codegen_flags: <defaults>
</compile_context>

<pallas_src>
import functools

import jax
import jax.numpy as jnp
from jax import lax
from jax.experimental import pallas as pl
from jax.experimental.pallas import tpu as pltpu
from jax.experimental.pallas import tpu_sc as plsc

N = 1024
D = 512
E = 16
BN = 16384
BE = 65536

NC = 2
NS = 16
NW = NC * NS
L = 16

BN_W = BN // NW
NF_CHUNK = 64
NF_STEPS = BN_W // NF_CHUNK

BN_S = BN // NS
ROWS_W = N // NW

BE_W = BE // NW
EF_CHUNK = 512
EF_STEPS = BE_W // EF_CHUNK


def _body(nodes_h, edges_h, updates_h, nidx_h, src_h, tgt_h,
          nf_out, ef_out, nn_out,
          lp_idx, lp_local, lp_shared, merge_v, g_ref, t_ref,
          nbuf, ubuf, nf_idx, nf_buf, sbuf, tbuf, fbuf, ebuf,
          sem0, sem1):
    c = lax.axis_index("c")
    s = lax.axis_index("s")
    wid = c * NS + s

    iota = lax.iota(jnp.int32, L)
    masks = [iota == l for l in range(L)]

    pltpu.sync_copy(nidx_h.at[pl.ds(s * BN_S, BN_S)], lp_idx)
    neg1 = jnp.full((L,), -1, jnp.int32)
    for i in range(BN_S // L):
        lp_local[pl.ds(i * L, L)] = neg1

    base_j = s * BN_S

    def scan_step(i, carry):
        idxv = lp_idx[pl.ds(i * L, L)]
        jv = jnp.full((L,), base_j, jnp.int32) + i * L + iota
        for l in range(L):
            plsc.store_scatter(lp_local, [idxv], jv, mask=masks[l])
        return carry

    lax.fori_loop(0, BN_S // L, scan_step, 0)

    pltpu.sync_copy(lp_local, lp_shared.at[pl.ds(s * N, N)])
    plsc.subcore_barrier()

    col0 = wid * ROWS_W
    for r in range(NS):
        pltpu.sync_copy(lp_shared.at[pl.ds(r * N + col0, ROWS_W)],
                        merge_v.at[pl.ds(r * ROWS_W, ROWS_W)])

    acc0 = neg1
    acc1 = neg1
    for r in range(NS):
        acc0 = jnp.maximum(acc0, merge_v[pl.ds(r * ROWS_W, L)])
        acc1 = jnp.maximum(acc1, merge_v[pl.ds(r * ROWS_W + L, L)])

    zero = jnp.zeros((L,), jnp.int32)
    g0 = jnp.maximum(acc0, zero)
    g1 = jnp.maximum(acc1, zero)
    dummy = jnp.full((L,), N + wid, jnp.int32)
    n0 = jnp.full((L,), col0, jnp.int32) + iota
    n1 = jnp.full((L,), col0 + L, jnp.int32) + iota
    t0 = jnp.where(acc0 >= 0, n0, dummy)
    t1 = jnp.where(acc1 >= 0, n1, dummy)
    g_ref[pl.ds(0, L)] = g0
    g_ref[pl.ds(L, L)] = g1
    t_ref[pl.ds(0, L)] = t0
    t_ref[pl.ds(L, L)] = t1

    pltpu.sync_copy(nodes_h.at[pl.ds(col0, ROWS_W)], nbuf)
    pltpu.sync_copy(nbuf, nn_out.at[pl.ds(col0, ROWS_W)])
    pltpu.async_copy(updates_h.at[g_ref], ubuf, sem0).wait()
    pltpu.async_copy(ubuf, nn_out.at[t_ref], sem0).wait()

    nf0 = wid * BN_W
    pltpu.sync_copy(nidx_h.at[pl.ds(nf0, BN_W)], nf_idx)

    def nf_gather(g, b):
        return pltpu.async_copy(
            nodes_h.at[nf_idx.at[pl.ds(g * NF_CHUNK, NF_CHUNK)]],
            nf_buf.at[b], sem0 if b == 0 else sem1)

    d = nf_gather(0, 0)
    for g in range(NF_STEPS):
        b = g % 2
        d.wait()
        if g + 1 < NF_STEPS:
            d = nf_gather(g + 1, 1 - b)
        pltpu.sync_copy(nf_buf.at[b], nf_out.at[pl.ds(nf0 + g * NF_CHUNK, NF_CHUNK)])

    for t in range(EF_STEPS):
        base = wid * BE_W + t * EF_CHUNK
        pltpu.sync_copy(src_h.at[pl.ds(base, EF_CHUNK)], sbuf)
        pltpu.sync_copy(tgt_h.at[pl.ds(base, EF_CHUNK)], tbuf)

        def flat_step(i, carry):
            fbuf[pl.ds(i * L, L)] = sbuf[pl.ds(i * L, L)] * N + tbuf[pl.ds(i * L, L)]
            return carry

        lax.fori_loop(0, EF_CHUNK // L, flat_step, 0)
        pltpu.async_copy(edges_h.at[fbuf], ebuf, sem0).wait()
        pltpu.sync_copy(ebuf, ef_out.at[pl.ds(base, EF_CHUNK)])


@jax.jit
def _run(nodes, edges_flat, updates, node_indices, src_indices, tgt_indices):
    mesh = plsc.VectorSubcoreMesh(core_axis_name="c", subcore_axis_name="s")
    f = pl.kernel(
        _body,
        out_type=(
            jax.ShapeDtypeStruct((BN, D), jnp.float32),
            jax.ShapeDtypeStruct((BE, E), jnp.float32),
            jax.ShapeDtypeStruct((N + NW, D), jnp.float32),
        ),
        mesh=mesh,
        compiler_params=pltpu.CompilerParams(
            needs_layout_passes=False,
            use_tc_tiling_on_sc=False,
        ),
        scratch_types=[
            pltpu.VMEM((BN_S,), jnp.int32),
            pltpu.VMEM((N,), jnp.int32),
            pltpu.VMEM_SHARED((NS * N,), jnp.int32),
            pltpu.VMEM((NS * ROWS_W,), jnp.int32),
            pltpu.VMEM((ROWS_W,), jnp.int32),
            pltpu.VMEM((ROWS_W,), jnp.int32),
            pltpu.VMEM((ROWS_W, D), jnp.float32),
            pltpu.VMEM((ROWS_W, D), jnp.float32),
            pltpu.VMEM((BN_W,), jnp.int32),
            pltpu.VMEM((2, NF_CHUNK, D), jnp.float32),
            pltpu.VMEM((EF_CHUNK,), jnp.int32),
            pltpu.VMEM((EF_CHUNK,), jnp.int32),
            pltpu.VMEM((EF_CHUNK,), jnp.int32),
            pltpu.VMEM((EF_CHUNK, E), jnp.float32),
            pltpu.SemaphoreType.DMA,
            pltpu.SemaphoreType.DMA,
        ],
    )
    return f(nodes, edges_flat, updates, node_indices, src_indices, tgt_indices)


def kernel(nodes, edges, updates, node_indices, src_indices, tgt_indices):
    edges_flat = edges.reshape(N * N, E)
    nf, ef, nn_ext = _run(nodes, edges_flat, updates,
                          node_indices.astype(jnp.int32),
                          src_indices.astype(jnp.int32),
                          tgt_indices.astype(jnp.int32))
    return (nf, ef, nn_ext[:N])

# --- scband reference (transcript-rebuilt; emitter-appended) ---
"""Pipeline reference for scband-memory-graph-24713241821694 (READ-ONLY COPY).

The authoritative reference and input builder live on the scoring server;
editing this copy changes nothing except your own understanding.
"""

import jax, jax.numpy as jnp
import numpy as np

NUM_NODES = 1024
NODE_DIM = 512
EDGE_DIM = 16
B_NODE = 16384
B_EDGE = 65536


def _xavier(key, shape):
    fan_in, fan_out = shape[0], shape[-1]
    if len(shape) == 3:
        fan_in = shape[0] * shape[1]
    a = float(np.sqrt(6.0 / (fan_in + fan_out)))
    return jax.random.uniform(key, shape, dtype=jnp.float32, minval=-a, maxval=a)


def setup_inputs(seed: int = 0) -> dict:
    key = jax.random.key(seed)
    k1, k2, k3, k4, k5, k6 = jax.random.split(key, 6)
    # learned parameters (xavier_uniform init, as in the torch module)
    nodes = _xavier(k1, (NUM_NODES, NODE_DIM))
    edges = _xavier(k2, (NUM_NODES, NUM_NODES, EDGE_DIM))
    # forward args
    node_indices = jax.random.randint(k3, (B_NODE,), 0, NUM_NODES, dtype=jnp.int64 if jax.config.jax_enable_x64 else jnp.int32)
    updates = jax.random.normal(k4, (B_NODE, NODE_DIM), dtype=jnp.float32)
    src_indices = jax.random.randint(k5, (B_EDGE,), 0, NUM_NODES, dtype=jnp.int64 if jax.config.jax_enable_x64 else jnp.int32)
    tgt_indices = jax.random.randint(k6, (B_EDGE,), 0, NUM_NODES, dtype=jnp.int64 if jax.config.jax_enable_x64 else jnp.int32)
    return {
        "nodes": nodes,
        "edges": edges,
        "updates": updates,
        "node_indices": node_indices,
        "src_indices": src_indices,
        "tgt_indices": tgt_indices,
    }


def reference(nodes, edges, updates, node_indices, src_indices, tgt_indices):
    # get_node_features(node_indices): gather rows of node memory
    node_feats = jnp.take(nodes, node_indices, axis=0)
    # get_edge_features(src, tgt): gather from dense N x N x edge_dim edge memory
    edge_feats = edges[src_indices, tgt_indices]
    # update_nodes(node_indices, updates): scatter-overwrite node memory
    new_nodes = nodes.at[node_indices].set(updates)
    return (node_feats, edge_feats, new_nodes)

if __name__ == "__main__":
    import jax
    _d = setup_inputs()
    print(jax.jit(kernel)(*tuple(_d.values())))

</pallas_src>

<mosaic_0001>
#map = affine_map<(d0, d1) -> (0, 0)>
#map1 = affine_map<(d0, d1) -> (0)>
module attributes {stable_mosaic.version = 14 : i64} {
  func.func @_body(%arg0: i32, %arg1: i32, %arg2: memref<1024x512xf32, #tpu.memory_space<hbm>>, %arg3: memref<1048576x16xf32, #tpu.memory_space<hbm>>, %arg4: memref<16384x512xf32, #tpu.memory_space<hbm>>, %arg5: memref<16384xi32, #tpu.memory_space<hbm>>, %arg6: memref<65536xi32, #tpu.memory_space<hbm>>, %arg7: memref<65536xi32, #tpu.memory_space<hbm>>, %arg8: memref<16384x512xf32, #tpu.memory_space<hbm>>, %arg9: memref<65536x16xf32, #tpu.memory_space<hbm>>, %arg10: memref<1056x512xf32, #tpu.memory_space<hbm>>, %arg11: memref<1024xi32, #tpu.memory_space<vmem>>, %arg12: memref<1024xi32, #tpu.memory_space<vmem>>, %arg13: memref<16384xi32, #tpu.memory_space<vmem_shared>>, %arg14: memref<512xi32, #tpu.memory_space<vmem>>, %arg15: memref<32xi32, #tpu.memory_space<vmem>>, %arg16: memref<32xi32, #tpu.memory_space<vmem>>, %arg17: memref<32x512xf32, #tpu.memory_space<vmem>>, %arg18: memref<32x512xf32, #tpu.memory_space<vmem>>, %arg19: memref<512xi32, #tpu.memory_space<vmem>>, %arg20: memref<2x64x512xf32, #tpu.memory_space<vmem>>, %arg21: memref<512xi32, #tpu.memory_space<vmem>>, %arg22: memref<512xi32, #tpu.memory_space<vmem>>, %arg23: memref<512xi32, #tpu.memory_space<vmem>>, %arg24: memref<512x16xf32, #tpu.memory_space<vmem>>, %arg25: memref<!tpu.dma_semaphore, #tpu.memory_space<semaphore_mem>>, %arg26: memref<!tpu.dma_semaphore, #tpu.memory_space<semaphore_mem>>) attributes {dimension_semantics = [#tpu.dimension_semantics<core_parallel>, #tpu.dimension_semantics<subcore_parallel>], iteration_bounds = array<i64: 2, 16>, scalar_prefetch = 0 : i64, scratch_operands = 16 : i64, tpu.core_type = #tpu.core_type<sc_vector_subcore>, window_params = [{transform_indices = #map}, {transform_indices = #map}, {transform_indices = #map}, {transform_indices = #map1}, {transform_indices = #map1}, {transform_indices = #map1}, {transform_indices = #map}, {transform_indices = #map}, {transform_indices = #map}]} {
    %mul3A = arith.constant 16 : i32
    %mul3A_0 = arith.muli %arg0, %mul3A : i32
    %add3A = arith.addi %mul3A_0, %arg1 : i32
    %iota3A = tpu.iota {dimensions = array<i32: 0>} : vector<16xi32>
    %eq3A = arith.constant 0 : i32
    %eq3A_1 = vector.broadcast %eq3A : i32 to vector<16xi32>
    %eq3A_2 = arith.cmpi eq, %iota3A, %eq3A_1 : vector<16xi32>
    %eq3A_3 = arith.constant 1 : i32
    %eq3A_4 = vector.broadcast %eq3A_3 : i32 to vector<16xi32>
    %eq3A_5 = arith.cmpi eq, %iota3A, %eq3A_4 : vector<16xi32>
    %eq3A_6 = arith.constant 2 : i32
    %eq3A_7 = vector.broadcast %eq3A_6 : i32 to vector<16xi32>
    %eq3A_8 = arith.cmpi eq, %iota3A, %eq3A_7 : vector<16xi32>
    %eq3A_9 = arith.constant 3 : i32
    %eq3A_10 = vector.broadcast %eq3A_9 : i32 to vector<16xi32>
    %eq3A_11 = arith.cmpi eq, %iota3A, %eq3A_10 : vector<16xi32>
    %eq3A_12 = arith.constant 4 : i32
    %eq3A_13 = vector.broadcast %eq3A_12 : i32 to vector<16xi32>
    %eq3A_14 = arith.cmpi eq, %iota3A, %eq3A_13 : vector<16xi32>
    %eq3A_15 = arith.constant 5 : i32
    %eq3A_16 = vector.broadcast %eq3A_15 : i32 to vector<16xi32>
    %eq3A_17 = arith.cmpi eq, %iota3A, %eq3A_16 : vector<16xi32>
    %eq3A_18 = arith.constant 6 : i32
    %eq3A_19 = vector.broadcast %eq3A_18 : i32 to vector<16xi32>
    %eq3A_20 = arith.cmpi eq, %iota3A, %eq3A_19 : vector<16xi32>
    %eq3A_21 = arith.constant 7 : i32
    %eq3A_22 = vector.broadcast %eq3A_21 : i32 to vector<16xi32>
    %eq3A_23 = arith.cmpi eq, %iota3A, %eq3A_22 : vector<16xi32>
    %eq3A_24 = arith.constant 8 : i32
    %eq3A_25 = vector.broadcast %eq3A_24 : i32 to vector<16xi32>
    %eq3A_26 = arith.cmpi eq, %iota3A, %eq3A_25 : vector<16xi32>
    %eq3A_27 = arith.constant 9 : i32
    %eq3A_28 = vector.broadcast %eq3A_27 : i32 to vector<16xi32>
    %eq3A_29 = arith.cmpi eq, %iota3A, %eq3A_28 : vector<16xi32>
    %eq3A_30 = arith.constant 10 : i32
    %eq3A_31 = vector.broadcast %eq3A_30 : i32 to vector<16xi32>
    %eq3A_32 = arith.cmpi eq, %iota3A, %eq3A_31 : vector<16xi32>
    %eq3A_33 = arith.constant 11 : i32
    %eq3A_34 = vector.broadcast %eq3A_33 : i32 to vector<16xi32>
    %eq3A_35 = arith.cmpi eq, %iota3A, %eq3A_34 : vector<16xi32>
    %eq3A_36 = arith.constant 12 : i32
    %eq3A_37 = vector.broadcast %eq3A_36 : i32 to vector<16xi32>
    %eq3A_38 = arith.cmpi eq, %iota3A, %eq3A_37 : vector<16xi32>
    %eq3A_39 = arith.constant 13 : i32
    %eq3A_40 = vector.broadcast %eq3A_39 : i32 to vector<16xi32>
    %eq3A_41 = arith.cmpi eq, %iota3A, %eq3A_40 : vector<16xi32>
    %eq3A_42 = arith.constant 14 : i32
    %eq3A_43 = vector.broadcast %eq3A_42 : i32 to vector<16xi32>
    %eq3A_44 = arith.cmpi eq, %iota3A, %eq3A_43 : vector<16xi32>
    %eq3A_45 = arith.constant 15 : i32
    %eq3A_46 = vector.broadcast %eq3A_45 : i32 to vector<16xi32>
    %eq3A_47 = arith.cmpi eq, %iota3A, %eq3A_46 : vector<16xi32>
    %mul3A_48 = arith.constant 1024 : i32
    %mul3A_49 = arith.muli %arg1, %mul3A_48 : i32
    "tpu.region"() ({
      %run_scoped3A_601 = tpu.sem_alloc : memref<!tpu.dma_semaphore, #tpu.memory_space<semaphore_mem>>
      %dma_start3A_602 = tpu.memref_slice %arg5[%mul3A_49] : memref<16384xi32, #tpu.memory_space<hbm>> -> memref<1024xi32, #tpu.memory_space<hbm>>
      %dma_start3A_603 = tpu.memref_slice %arg5[%mul3A_49] : memref<16384xi32, #tpu.memory_space<hbm>> -> memref<1024xi32, #tpu.memory_space<hbm>>
      tpu.enqueue_dma source(%dma_start3A_603 : memref<1024xi32, #tpu.memory_space<hbm>>) target(%arg11 : memref<1024xi32, #tpu.memory_space<vmem>>) target_semaphore(%run_scoped3A_601 : memref<!tpu.dma_semaphore, #tpu.memory_space<semaphore_mem>>)
      %dma_wait3A_604 = tpu.memref_slice %arg5[%mul3A_49] : memref<16384xi32, #tpu.memory_space<hbm>> -> memref<1024xi32, #tpu.memory_space<hbm>>
      %dma_wait3A_605 = tpu.memref_slice %arg5[%mul3A_49] : memref<16384xi32, #tpu.memory_space<hbm>> -> memref<1024xi32, #tpu.memory_space<hbm>>
      tpu.wait_dma2 semaphore(%run_scoped3A_601 : memref<!tpu.dma_semaphore, #tpu.memory_space<semaphore_mem>>) src(%dma_wait3A_605 : memref<1024xi32, #tpu.memory_space<hbm>>) dst(%arg11 : memref<1024xi32, #tpu.memory_space<vmem>>)
      tpu.yield
    }) : () -> ()
    %broadcast_in_dim3A = arith.constant -1 : i32
    %broadcast_in_dim3A_50 = vector.broadcast %broadcast_in_dim3A : i32 to vector<16xi32>
    %swap3A = arith.constant 0 : index
    %swap3A_51 = tpu.vector_load %arg12[%swap3A] {strides = array<i32>} : memref<1024xi32, #tpu.memory_space<vmem>>, vector<16xi32>,
    tpu.vector_store %arg12[%swap3A], %broadcast_in_dim3A_50 {strides = array<i32>} : memref<1024xi32, #tpu.memory_space<vmem>>, vector<16xi32>,
    %swap3A_52 = arith.constant 16 : index
    %swap3A_53 = tpu.vector_load %arg12[%swap3A_52] {strides = array<i32>} : memref<1024xi32, #tpu.memory_space<vmem>>, vector<16xi32>,
    tpu.vector_store %arg12[%swap3A_52], %broadcast_in_dim3A_50 {strides = array<i32>} : memref<1024xi32, #tpu.memory_space<vmem>>, vector<16xi32>,
    %swap3A_54 = arith.constant 32 : index
    %swap3A_55 = tpu.vector_load %arg12[%swap3A_54] {strides = array<i32>} : memref<1024xi32, #tpu.memory_space<vmem>>, vector<16xi32>,
    tpu.vector_store %arg12[%swap3A_54], %broadcast_in_dim3A_50 {strides = array<i32>} : memref<1024xi32, #tpu.memory_space<vmem>>, vector<16xi32>,
    %swap3A_56 = arith.constant 48 : index
    %swap3A_57 = tpu.vector_load %arg12[%swap3A_56] {strides = array<i32>} : memref<1024xi32, #tpu.memory_space<vmem>>, vector<16xi32>,
    tpu.vector_store %arg12[%swap3A_56], %broadcast_in_dim3A_50 {strides = array<i32>} : memref<1024xi32, #tpu.memory_space<vmem>>, vector<16xi32>,
    %swap3A_58 = arith.constant 64 : index
    %swap3A_59 = tpu.vector_load %arg12[%swap3A_58] {strides = array<i32>} : memref<1024xi32, #tpu.memory_space<vmem>>, vector<16xi32>,
    tpu.vector_store %arg12[%swap3A_58], %broadcast_in_dim3A_50 {strides = array<i32>} : memref<1024xi32, #tpu.memory_space<vmem>>, vector<16xi32>,
    %swap3A_60 = arith.constant 80 : index
    %swap3A_61 = tpu.vector_load %arg12[%swap3A_60] {strides = array<i32>} : memref<1024xi32, #tpu.memory_space<vmem>>, vector<16xi32>,
    tpu.vector_store %arg12[%swap3A_60], %broadcast_in_dim3A_50 {strides = array<i32>} : memref<1024xi32, #tpu.memory_space<vmem>>, vector<16xi32>,
    %swap3A_62 = arith.constant 96 : index
    %swap3A_63 = tpu.vector_load %arg12[%swap3A_62] {strides = array<i32>} : memref<1024xi32, #tpu.memory_space<vmem>>, vector<16xi32>,
    tpu.vector_store %arg12[%swap3A_62], %broadcast_in_dim3A_50 {strides = array<i32>} : memref<1024xi32, #tpu.memory_space<vmem>>, vector<16xi32>,
    %swap3A_64 = arith.constant 112 : index
    %swap3A_65 = tpu.vector_load %arg12[%swap3A_64] {strides = array<i32>} : memref<1024xi32, #tpu.memory_space<vmem>>, vector<16xi32>,
    tpu.vector_store %arg12[%swap3A_64], %broadcast_in_dim3A_50 {strides = array<i32>} : memref<1024xi32, #tpu.memory_space<vmem>>, vector<16xi32>,
    %swap3A_66 = arith.constant 128 : index
    %swap3A_67 = tpu.vector_load %arg12[%swap3A_66] {strides = array<i32>} : memref<1024xi32, #tpu.memory_space<vmem>>, vector<16xi32>,
    tpu.vector_store %arg12[%swap3A_66], %broadcast_in_dim3A_50 {strides = array<i32>} : memref<1024xi32, #tpu.memory_space<vmem>>, vector<16xi32>,
    %swap3A_68 = arith.constant 144 : index
    %swap3A_69 = tpu.vector_load %arg12[%swap3A_68] {strides = array<i32>} : memref<1024xi32, #tpu.memory_space<vmem>>, vector<16xi32>,
    tpu.vector_store %arg12[%swap3A_68], %broadcast_in_dim3A_50 {strides = array<i32>} : memref<1024xi32, #tpu.memory_space<vmem>>, vector<16xi32>,
    %swap3A_70 = arith.constant 160 : index
    %swap3A_71 = tpu.vector_load %arg12[%swap3A_70] {strides = array<i32>} : memref<1024xi32, #tpu.memory_space<vmem>>, vector<16xi32>,
    tpu.vector_store %arg12[%swap3A_70], %broadcast_in_dim3A_50 {strides = array<i32>} : memref<1024xi32, #tpu.memory_space<vmem>>, vector<16xi32>,
    %swap3A_72 = arith.constant 176 : index
    %swap3A_73 = tpu.vector_load %arg12[%swap3A_72] {strides = array<i32>} : memref<1024xi32, #tpu.memory_space<vmem>>, vector<16xi32>,
    tpu.vector_store %arg12[%swap3A_72], %broadcast_in_dim3A_50 {strides = array<i32>} : memref<1024xi32, #tpu.memory_space<vmem>>, vector<16xi32>,
    %swap3A_74 = arith.constant 192 : index
    %swap3A_75 = tpu.vector_load %arg12[%swap3A_74] {strides = array<i32>} : memref<1024xi32, #tpu.memory_space<vmem>>, vector<16xi32>,
    tpu.vector_store %arg12[%swap3A_74], %broadcast_in_dim3A_50 {strides = array<i32>} : memref<1024xi32, #tpu.memory_space<vmem>>, vector<16xi32>,
    %swap3A_76 = arith.constant 208 : index
    %swap3A_77 = tpu.vector_load %arg12[%swap3A_76] {strides = array<i32>} : memref<1024xi32, #tpu.memory_space<vmem>>, vector<16xi32>,
    tpu.vector_store %arg12[%swap3A_76], %broadcast_in_dim3A_50 {strides = array<i32>} : memref<1024xi32, #tpu.memory_space<vmem>>, vector<16xi32>,
    %swap3A_78 = arith.constant 224 : index
    %swap3A_79 = tpu.vector_load %arg12[%swap3A_78] {strides = array<i32>} : memref<1024xi32, #tpu.memory_space<vmem>>, vector<16xi32>,
    tpu.vector_store %arg12[%swap3A_78], %broadcast_in_dim3A_50 {strides = array<i32>} : memref<1024xi32, #tpu.memory_space<vmem>>, vector<16xi32>,
    %swap3A_80 = arith.constant 240 : index
    %swap3A_81 = tpu.vector_load %arg12[%swap3A_80] {strides = array<i32>} : memref<1024xi32, #tpu.memory_space<vmem>>, vector<16xi32>,
    tpu.vector_store %arg12[%swap3A_80], %broadcast_in_dim3A_50 {strides = array<i32>} : memref<1024xi32, #tpu.memory_space<vmem>>, vector<16xi32>,
    %swap3A_82 = arith.constant 256 : index
    %swap3A_83 = tpu.vector_load %arg12[%swap3A_82] {strides = array<i32>} : memref<1024xi32, #tpu.memory_space<vmem>>, vector<16xi32>,
    tpu.vector_store %arg12[%swap3A_82], %broadcast_in_dim3A_50 {strides = array<i32>} : memref<1024xi32, #tpu.memory_space<vmem>>, vector<16xi32>,
    %swap3A_84 = arith.constant 272 : index
    %swap3A_85 = tpu.vector_load %arg12[%swap3A_84] {strides = array<i32>} : memref<1024xi32, #tpu.memory_space<vmem>>, vector<16xi32>,
    tpu.vector_store %arg12[%swap3A_84], %broadcast_in_dim3A_50 {strides = array<i32>} : memref<1024xi32, #tpu.memory_space<vmem>>, vector<16xi32>,
    %swap3A_86 = arith.constant 288 : index
    %swap3A_87 = tpu.vector_load %arg12[%swap3A_86] {strides = array<i32>} : memref<1024xi32, #tpu.memory_space<vmem>>, vector<16xi32>,
    tpu.vector_store %arg12[%swap3A_86], %broadcast_in_dim3A_50 {strides = array<i32>} : memref<1024xi32, #tpu.memory_space<vmem>>, vector<16xi32>,
    %swap3A_88 = arith.constant 304 : index
    %swap3A_89 = tpu.vector_load %arg12[%swap3A_88] {strides = array<i32>} : memref<1024xi32, #tpu.memory_space<vmem>>, vector<16xi32>,
    tpu.vector_store %arg12[%swap3A_88], %broadcast_in_dim3A_50 {strides = array<i32>} : memref<1024xi32, #tpu.memory_space<vmem>>, vector<16xi32>,
    %swap3A_90 = arith.constant 320 : index
    %swap3A_91 = tpu.vector_load %arg12[%swap3A_90] {strides = array<i32>} : memref<1024xi32, #tpu.memory_space<vmem>>, vector<16xi32>,
    tpu.vector_store %arg12[%swap3A_90], %broadcast_in_dim3A_50 {strides = array<i32>} : memref<1024xi32, #tpu.memory_space<vmem>>, vector<16xi32>,
    %swap3A_92 = arith.constant 336 : index
    %swap3A_93 = tpu.vector_load %arg12[%swap3A_92] {strides = array<i32>} : memref<1024xi32, #tpu.memory_space<vmem>>, vector<16xi32>,
    tpu.vector_store %arg12[%swap3A_92], %broadcast_in_dim3A_50 {strides = array<i32>} : memref<1024xi32, #tpu.memory_space<vmem>>, vector<16xi32>,
    %swap3A_94 = arith.constant 352 : index
    %swap3A_95 = tpu.vector_load %arg12[%swap3A_94] {strides = array<i32>} : memref<1024xi32, #tpu.memory_space<vmem>>, vector<16xi32>,
    tpu.vector_store %arg12[%swap3A_94], %broadcast_in_dim3A_50 {strides = array<i32>} : memref<1024xi32, #tpu.memory_space<vmem>>, vector<16xi32>,
    %swap3A_96 = arith.constant 368 : index
    %swap3A_97 = tpu.vector_load %arg12[%swap3A_96] {strides = array<i32>} : memref<1024xi32, #tpu.memory_space<vmem>>, vector<16xi32>,
    tpu.vector_store %arg12[%swap3A_96], %broadcast_in_dim3A_50 {strides = array<i32>} : memref<1024xi32, #tpu.memory_space<vmem>>, vector<16xi32>,
    %swap3A_98 = arith.constant 384 : index
    %swap3A_99 = tpu.vector_load %arg12[%swap3A_98] {strides = array<i32>} : memref<1024xi32, #tpu.memory_space<vmem>>, vector<16xi32>,
    tpu.vector_store %arg12[%swap3A_98], %broadcast_in_dim3A_50 {strides = array<i32>} : memref<1024xi32, #tpu.memory_space<vmem>>, vector<16xi32>,
    %swap3A_100 = arith.constant 400 : index
    %swap3A_101 = tpu.vector_load %arg12[%swap3A_100] {strides = array<i32>} : memref<1024xi32, #tpu.memory_space<vmem>>, vector<16xi32>,
    tpu.vector_store %arg12[%swap3A_100], %broadcast_in_dim3A_50 {strides = array<i32>} : memref<1024xi32, #tpu.memory_space<vmem>>, vector<16xi32>,
    %swap3A_102 = arith.constant 416 : index
    %swap3A_103 = tpu.vector_load %arg12[%swap3A_102] {strides = array<i32>} : memref<1024xi32, #tpu.memory_space<vmem>>, vector<16xi32>,
    tpu.vector_store %arg12[%swap3A_102], %broadcast_in_dim3A_50 {strides = array<i32>} : memref<1024xi32, #tpu.memory_space<vmem>>, vector<16xi32>,
    %swap3A_104 = arith.constant 432 : index
    %swap3A_105 = tpu.vector_load %arg12[%swap3A_104] {strides = array<i32>} : memref<1024xi32, #tpu.memory_space<vmem>>, vector<16xi32>,
    tpu.vector_store %arg12[%swap3A_104], %broadcast_in_dim3A_50 {strides = array<i32>} : memref<1024xi32, #tpu.memory_space<vmem>>, vector<16xi32>,
    %swap3A_106 = arith.constant 448 : index
    %swap3A_107 = tpu.vector_load %arg12[%swap3A_106] {strides = array<i32>} : memref<1024xi32, #tpu.memory_space<vmem>>, vector<16xi32>,
    tpu.vector_store %arg12[%swap3A_106], %broadcast_in_dim3A_50 {strides = array<i32>} : memref<1024xi32, #tpu.memory_space<vmem>>, vector<16xi32>,
    %swap3A_108 = arith.constant 464 : index
    %swap3A_109 = tpu.vector_load %arg12[%swap3A_108] {strides = array<i32>} : memref<1024xi32, #tpu.memory_space<vmem>>, vector<16xi32>,
    tpu.vector_store %arg12[%swap3A_108], %broadcast_in_dim3A_50 {strides = array<i32>} : memref<1024xi32, #tpu.memory_space<vmem>>, vector<16xi32>,
    %swap3A_110 = arith.constant 480 : index
    %swap3A_111 = tpu.vector_load %arg12[%swap3A_110] {strides = array<i32>} : memref<1024xi32, #tpu.memory_space<vmem>>, vector<16xi32>,
    tpu.vector_store %arg12[%swap3A_110], %broadcast_in_dim3A_50 {strides = array<i32>} : memref<1024xi32, #tpu.memory_space<vmem>>, vector<16xi32>,
    %swap3A_112 = arith.constant 496 : index
    %swap3A_113 = tpu.vector_load %arg12[%swap3A_112] {strides = array<i32>} : memref<1024xi32, #tpu.memory_space<vmem>>, vector<16xi32>,
    tpu.vector_store %arg12[%swap3A_112], %broadcast_in_dim3A_50 {strides = array<i32>} : memref<1024xi32, #tpu.memory_space<vmem>>, vector<16xi32>,
    %swap3A_114 = arith.constant 512 : index
    %swap3A_115 = tpu.vector_load %arg12[%swap3A_114] {strides = array<i32>} : memref<1024xi32, #tpu.memory_space<vmem>>, vector<16xi32>,
    tpu.vector_store %arg12[%swap3A_114], %broadcast_in_dim3A_50 {strides = array<i32>} : memref<1024xi32, #tpu.memory_space<vmem>>, vector<16xi32>,
    %swap3A_116 = arith.constant 528 : index
    %swap3A_117 = tpu.vector_load %arg12[%swap3A_116] {strides = array<i32>} : memref<1024xi32, #tpu.memory_space<vmem>>, vector<16xi32>,
    tpu.vector_store %arg12[%swap3A_116], %broadcast_in_dim3A_50 {strides = array<i32>} : memref<1024xi32, #tpu.memory_space<vmem>>, vector<16xi32>,
    %swap3A_118 = arith.constant 544 : index
    %swap3A_119 = tpu.vector_load %arg12[%swap3A_118] {strides = array<i32>} : memref<1024xi32, #tpu.memory_space<vmem>>, vector<16xi32>,
    tpu.vector_store %arg12[%swap3A_118], %broadcast_in_dim3A_50 {strides = array<i32>} : memref<1024xi32, #tpu.memory_space<vmem>>, vector<16xi32>,
    %swap3A_120 = arith.constant 560 : index
    %swap3A_121 = tpu.vector_load %arg12[%swap3A_120] {strides = array<i32>} : memref<1024xi32, #tpu.memory_space<vmem>>, vector<16xi32>,
    tpu.vector_store %arg12[%swap3A_120], %broadcast_in_dim3A_50 {strides = array<i32>} : memref<1024xi32, #tpu.memory_space<vmem>>, vector<16xi32>,
    %swap3A_122 = arith.constant 576 : index
    %swap3A_123 = tpu.vector_load %arg12[%swap3A_122] {strides = array<i32>} : memref<1024xi32, #tpu.memory_space<vmem>>, vector<16xi32>,
    tpu.vector_store %arg12[%swap3A_122], %broadcast_in_dim3A_50 {strides = array<i32>} : memref<1024xi32, #tpu.memory_space<vmem>>, vector<16xi32>,
    %swap3A_124 = arith.constant 592 : index
    %swap3A_125 = tpu.vector_load %arg12[%swap3A_124] {strides = array<i32>} : memref<1024xi32, #tpu.memory_space<vmem>>, vector<16xi32>,
    tpu.vector_store %arg12[%swap3A_124], %broadcast_in_dim3A_50 {strides = array<i32>} : memref<1024xi32, #tpu.memory_space<vmem>>, vector<16xi32>,
    %swap3A_126 = arith.constant 608 : index
    %swap3A_127 = tpu.vector_load %arg12[%swap3A_126] {strides = array<i32>} : memref<1024xi32, #tpu.memory_space<vmem>>, vector<16xi32>,
    tpu.vector_store %arg12[%swap3A_126], %broadcast_in_dim3A_50 {strides = array<i32>} : memref<1024xi32, #tpu.memory_space<vmem>>, vector<16xi32>,
    %swap3A_128 = arith.constant 624 : index
    %swap3A_129 = tpu.vector_load %arg12[%swap3A_128] {strides = array<i32>} : memref<1024xi32, #tpu.memory_space<vmem>>, vector<16xi32>,
    tpu.vector_store %arg12[%swap3A_128], %broadcast_in_dim3A_50 {strides = array<i32>} : memref<1024xi32, #tpu.memory_space<vmem>>, vector<16xi32>,
    %swap3A_130 = arith.constant 640 : index
    %swap3A_131 = tpu.vector_load %arg12[%swap3A_130] {strides = array<i32>} : memref<1024xi32, #tpu.memory_space<vmem>>, vector<16xi32>,
    tpu.vector_store %arg12[%swap3A_130], %broadcast_in_dim3A_50 {strides = array<i32>} : memref<1024xi32, #tpu.memory_space<vmem>>, vector<16xi32>,
    %swap3A_132 = arith.constant 656 : index
    %swap3A_133 = tpu.vector_load %arg12[%swap3A_132] {strides = array<i32>} : memref<1024xi32, #tpu.memory_space<vmem>>, vector<16xi32>,
    tpu.vector_store %arg12[%swap3A_132], %broadcast_in_dim3A_50 {strides = array<i32>} : memref<1024xi32, #tpu.memory_space<vmem>>, vector<16xi32>,
    %swap3A_134 = arith.constant 672 : index
    %swap3A_135 = tpu.vector_load %arg12[%swap3A_134] {strides = array<i32>} : memref<1024xi32, #tpu.memory_space<vmem>>, vector<16xi32>,
    tpu.vector_store %arg12[%swap3A_134], %broadcast_in_dim3A_50 {strides = array<i32>} : memref<1024xi32, #tpu.memory_space<vmem>>, vector<16xi32>,
    %swap3A_136 = arith.constant 688 : index
    %swap3A_137 = tpu.vector_load %arg12[%swap3A_136] {strides = array<i32>} : memref<1024xi32, #tpu.memory_space<vmem>>, vector<16xi32>,
    tpu.vector_store %arg12[%swap3A_136], %broadcast_in_dim3A_50 {strides = array<i32>} : memref<1024xi32, #tpu.memory_space<vmem>>, vector<16xi32>,
    %swap3A_138 = arith.constant 704 : index
    %swap3A_139 = tpu.vector_load %arg12[%swap3A_138] {strides = array<i32>} : memref<1024xi32, #tpu.memory_space<vmem>>, vector<16xi32>,
    tpu.vector_store %arg12[%swap3A_138], %broadcast_in_dim3A_50 {strides = array<i32>} : memref<1024xi32, #tpu.memory_space<vmem>>, vector<16xi32>,
    %swap3A_140 = arith.constant 720 : index
    %swap3A_141 = tpu.vector_load %arg12[%swap3A_140] {strides = array<i32>} : memref<1024xi32, #tpu.memory_space<vmem>>, vector<16xi32>,
    tpu.vector_store %arg12[%swap3A_140], %broadcast_in_dim3A_50 {strides = array<i32>} : memref<1024xi32, #tpu.memory_space<vmem>>, vector<16xi32>,
    %swap3A_142 = arith.constant 736 : index
    %swap3A_143 = tpu.vector_load %arg12[%swap3A_142] {strides = array<i32>} : memref<1024xi32, #tpu.memory_space<vmem>>, vector<16xi32>,
    tpu.vector_store %arg12[%swap3A_142], %broadcast_in_dim3A_50 {strides = array<i32>} : memref<1024xi32, #tpu.memory_space<vmem>>, vector<16xi32>,
    %swap3A_144 = arith.constant 752 : index
    %swap3A_145 = tpu.vector_load %arg12[%swap3A_144] {strides = array<i32>} : memref<1024xi32, #tpu.memory_space<vmem>>, vector<16xi32>,
    tpu.vector_store %arg12[%swap3A_144], %broadcast_in_dim3A_50 {strides = array<i32>} : memref<1024xi32, #tpu.memory_space<vmem>>, vector<16xi32>,
    %swap3A_146 = arith.constant 768 : index
    %swap3A_147 = tpu.vector_load %arg12[%swap3A_146] {strides = array<i32>} : memref<1024xi32, #tpu.memory_space<vmem>>, vector<16xi32>,
    tpu.vector_store %arg12[%swap3A_146], %broadcast_in_dim3A_50 {strides = array<i32>} : memref<1024xi32, #tpu.memory_space<vmem>>, vector<16xi32>,
    %swap3A_148 = arith.constant 784 : index
    %swap3A_149 = tpu.vector_load %arg12[%swap3A_148] {strides = array<i32>} : memref<1024xi32, #tpu.memory_space<vmem>>, vector<16xi32>,
    tpu.vector_store %arg12[%swap3A_148], %broadcast_in_dim3A_50 {strides = array<i32>} : memref<1024xi32, #tpu.memory_space<vmem>>, vector<16xi32>,
    %swap3A_150 = arith.constant 800 : index
    %swap3A_151 = tpu.vector_load %arg12[%swap3A_150] {strides = array<i32>} : memref<1024xi32, #tpu.memory_space<vmem>>, vector<16xi32>,
    tpu.vector_store %arg12[%swap3A_150], %broadcast_in_dim3A_50 {strides = array<i32>} : memref<1024xi32, #tpu.memory_space<vmem>>, vector<16xi32>,
    %swap3A_152 = arith.constant 816 : index
    %swap3A_153 = tpu.vector_load %arg12[%swap3A_152] {strides = array<i32>} : memref<1024xi32, #tpu.memory_space<vmem>>, vector<16xi32>,
    tpu.vector_store %arg12[%swap3A_152], %broadcast_in_dim3A_50 {strides = array<i32>} : memref<1024xi32, #tpu.memory_space<vmem>>, vector<16xi32>,
    %swap3A_154 = arith.constant 832 : index
    %swap3A_155 = tpu.vector_load %arg12[%swap3A_154] {strides = array<i32>} : memref<1024xi32, #tpu.memory_space<vmem>>, vector<16xi32>,
    tpu.vector_store %arg12[%swap3A_154], %broadcast_in_dim3A_50 {strides = array<i32>} : memref<1024xi32, #tpu.memory_space<vmem>>, vector<16xi32>,
    %swap3A_156 = arith.constant 848 : index
    %swap3A_157 = tpu.vector_load %arg12[%swap3A_156] {strides = array<i32>} : memref<1024xi32, #tpu.memory_space<vmem>>, vector<16xi32>,
    tpu.vector_store %arg12[%swap3A_156], %broadcast_in_dim3A_50 {strides = array<i32>} : memref<1024xi32, #tpu.memory_space<vmem>>, vector<16xi32>,
    %swap3A_158 = arith.constant 864 : index
    %swap3A_159 = tpu.vector_load %arg12[%swap3A_158] {strides = array<i32>} : memref<1024xi32, #tpu.memory_space<vmem>>, vector<16xi32>,
    tpu.vector_store %arg12[%swap3A_158], %broadcast_in_dim3A_50 {strides = array<i32>} : memref<1024xi32, #tpu.memory_space<vmem>>, vector<16xi32>,
    %swap3A_160 = arith.constant 880 : index
    %swap3A_161 = tpu.vector_load %arg12[%swap3A_160] {strides = array<i32>} : memref<1024xi32, #tpu.memory_space<vmem>>, vector<16xi32>,
    tpu.vector_store %arg12[%swap3A_160], %broadcast_in_dim3A_50 {strides = array<i32>} : memref<1024xi32, #tpu.memory_space<vmem>>, vector<16xi32>,
    %swap3A_162 = arith.constant 896 : index
    %swap3A_163 = tpu.vector_load %arg12[%swap3A_162] {strides = array<i32>} : memref<1024xi32, #tpu.memory_space<vmem>>, vector<16xi32>,
    tpu.vector_store %arg12[%swap3A_162], %broadcast_in_dim3A_50 {strides = array<i32>} : memref<1024xi32, #tpu.memory_space<vmem>>, vector<16xi32>,
    %swap3A_164 = arith.constant 912 : index
    %swap3A_165 = tpu.vector_load %arg12[%swap3A_164] {strides = array<i32>} : memref<1024xi32, #tpu.memory_space<vmem>>, vector<16xi32>,
    tpu.vector_store %arg12[%swap3A_164], %broadcast_in_dim3A_50 {strides = array<i32>} : memref<1024xi32, #tpu.memory_space<vmem>>, vector<16xi32>,
    %swap3A_166 = arith.constant 928 : index
    %swap3A_167 = tpu.vector_load %arg12[%swap3A_166] {strides = array<i32>} : memref<1024xi32, #tpu.memory_space<vmem>>, vector<16xi32>,
    tpu.vector_store %arg12[%swap3A_166], %broadcast_in_dim3A_50 {strides = array<i32>} : memref<1024xi32, #tpu.memory_space<vmem>>, vector<16xi32>,
    %swap3A_168 = arith.constant 944 : index
    %swap3A_169 = tpu.vector_load %arg12[%swap3A_168] {strides = array<i32>} : memref<1024xi32, #tpu.memory_space<vmem>>, vector<16xi32>,
    tpu.vector_store %arg12[%swap3A_168], %broadcast_in_dim3A_50 {strides = array<i32>} : memref<1024xi32, #tpu.memory_space<vmem>>, vector<16xi32>,
    %swap3A_170 = arith.constant 960 : index
    %swap3A_171 = tpu.vector_load %arg12[%swap3A_170] {strides = array<i32>} : memref<1024xi32, #tpu.memory_space<vmem>>, vector<16xi32>,
    tpu.vector_store %arg12[%swap3A_170], %broadcast_in_dim3A_50 {strides = array<i32>} : memref<1024xi32, #tpu.memory_space<vmem>>, vector<16xi32>,
    %swap3A_172 = arith.constant 976 : index
    %swap3A_173 = tpu.vector_load %arg12[%swap3A_172] {strides = array<i32>} : memref<1024xi32, #tpu.memory_space<vmem>>, vector<16xi32>,
    tpu.vector_store %arg12[%swap3A_172], %broadcast_in_dim3A_50 {strides = array<i32>} : memref<1024xi32, #tpu.memory_space<vmem>>, vector<16xi32>,
    %swap3A_174 = arith.constant 992 : index
    %swap3A_175 = tpu.vector_load %arg12[%swap3A_174] {strides = array<i32>} : memref<1024xi32, #tpu.memory_space<vmem>>, vector<16xi32>,
    tpu.vector_store %arg12[%swap3A_174], %broadcast_in_dim3A_50 {strides = array<i32>} : memref<1024xi32, #tpu.memory_space<vmem>>, vector<16xi32>,
    %swap3A_176 = arith.constant 1008 : index
    %swap3A_177 = tpu.vector_load %arg12[%swap3A_176] {strides = array<i32>} : memref<1024xi32, #tpu.memory_space<vmem>>, vector<16xi32>,
    tpu.vector_store %arg12[%swap3A_176], %broadcast_in_dim3A_50 {strides = array<i32>} : memref<1024xi32, #tpu.memory_space<vmem>>, vector<16xi32>,
    %mul3A_178 = arith.constant 1024 : i32
    %mul3A_179 = arith.muli %arg1, %mul3A_178 : i32
    %scan3A = arith.constant 0 : i32
    %scan3A_180 = arith.constant 0 : i32
    %scan3A_181 = arith.constant 64 : i32
    %scan3A_182 = arith.addi %scan3A_180, %scan3A_181 : i32
    %scan3A_183 = arith.constant 1 : i32
    scf.for %scan3A_601 = %scan3A_180 to %scan3A_182 step %scan3A_183  : i32 {
      %mul3A_602 = arith.constant 16 : i32
      %mul3A_603 = arith.muli %scan3A_601, %mul3A_602 : i32
      %get3A_604 = arith.index_cast %mul3A_603 : i32 to index
      %get3A_605 = tpu.vector_load %arg11[%get3A_604] {strides = array<i32>} : memref<1024xi32, #tpu.memory_space<vmem>>, vector<16xi32>,
      %broadcast_in_dim3A_606 = vector.broadcast %mul3A_179 : i32 to vector<16xi32>
      %mul3A_607 = arith.constant 16 : i32
      %mul3A_608 = arith.muli %scan3A_601, %mul3A_607 : i32
      %add3A_609 = vector.broadcast %mul3A_608 : i32 to vector<16xi32>
      %add3A_610 = arith.addi %broadcast_in_dim3A_606, %add3A_609 : vector<16xi32>
      %add3A_611 = arith.addi %add3A_610, %iota3A : vector<16xi32>
      tpu.vector_store_idx %arg12[%get3A_605], %add3A_611 masked %eq3A_2 : memref<1024xi32, #tpu.memory_space<vmem>>[vector<16xi32>], vector<16xi32>, vector<16xi1>
      tpu.vector_store_idx %arg12[%get3A_605], %add3A_611 masked %eq3A_5 : memref<1024xi32, #tpu.memory_space<vmem>>[vector<16xi32>], vector<16xi32>, vector<16xi1>
      tpu.vector_store_idx %arg12[%get3A_605], %add3A_611 masked %eq3A_8 : memref<1024xi32, #tpu.memory_space<vmem>>[vector<16xi32>], vector<16xi32>, vector<16xi1>
      tpu.vector_store_idx %arg12[%get3A_605], %add3A_611 masked %eq3A_11 : memref<1024xi32, #tpu.memory_space<vmem>>[vector<16xi32>], vector<16xi32>, vector<16xi1>
      tpu.vector_store_idx %arg12[%get3A_605], %add3A_611 masked %eq3A_14 : memref<1024xi32, #tpu.memory_space<vmem>>[vector<16xi32>], vector<16xi32>, vector<16xi1>
      tpu.vector_store_idx %arg12[%get3A_605], %add3A_611 masked %eq3A_17 : memref<1024xi32, #tpu.memory_space<vmem>>[vector<16xi32>], vector<16xi32>, vector<16xi1>
      tpu.vector_store_idx %arg12[%get3A_605], %add3A_611 masked %eq3A_20 : memref<1024xi32, #tpu.memory_space<vmem>>[vector<16xi32>], vector<16xi32>, vector<16xi1>
      tpu.vector_store_idx %arg12[%get3A_605], %add3A_611 masked %eq3A_23 : memref<1024xi32, #tpu.memory_space<vmem>>[vector<16xi32>], vector<16xi32>, vector<16xi1>
      tpu.vector_store_idx %arg12[%get3A_605], %add3A_611 masked %eq3A_26 : memref<1024xi32, #tpu.memory_space<vmem>>[vector<16xi32>], vector<16xi32>, vector<16xi1>
      tpu.vector_store_idx %arg12[%get3A_605], %add3A_611 masked %eq3A_29 : memref<1024xi32, #tpu.memory_space<vmem>>[vector<16xi32>], vector<16xi32>, vector<16xi1>
      tpu.vector_store_idx %arg12[%get3A_605], %add3A_611 masked %eq3A_32 : memref<1024xi32, #tpu.memory_space<vmem>>[vector<16xi32>], vector<16xi32>, vector<16xi1>
      tpu.vector_store_idx %arg12[%get3A_605], %add3A_611 masked %eq3A_35 : memref<1024xi32, #tpu.memory_space<vmem>>[vector<16xi32>], vector<16xi32>, vector<16xi1>
      tpu.vector_store_idx %arg12[%get3A_605], %add3A_611 masked %eq3A_38 : memref<1024xi32, #tpu.memory_space<vmem>>[vector<16xi32>], vector<16xi32>, vector<16xi1>
      tpu.vector_store_idx %arg12[%get3A_605], %add3A_611 masked %eq3A_41 : memref<1024xi32, #tpu.memory_space<vmem>>[vector<16xi32>], vector<16xi32>, vector<16xi1>
      tpu.vector_store_idx %arg12[%get3A_605], %add3A_611 masked %eq3A_44 : memref<1024xi32, #tpu.memory_space<vmem>>[vector<16xi32>], vector<16xi32>, vector<16xi1>
      tpu.vector_store_idx %arg12[%get3A_605], %add3A_611 masked %eq3A_47 : memref<1024xi32, #tpu.memory_space<vmem>>[vector<16xi32>], vector<16xi32>, vector<16xi1>
    }
    %scan3A_184 = arith.constant 64 : i32
    %mul3A_185 = arith.constant 1024 : i32
    %mul3A_186 = arith.muli %arg1, %mul3A_185 : i32
    "tpu.region"() ({
      %run_scoped3A_601 = tpu.sem_alloc : memref<!tpu.dma_semaphore, #tpu.memory_space<semaphore_mem>>
      %dma_start3A_602 = tpu.memref_slice %arg13[%mul3A_186] : memref<16384xi32, #tpu.memory_space<vmem_shared>> -> memref<1024xi32, #tpu.memory_space<vmem_shared>>
      %dma_start3A_603 = tpu.memref_slice %arg13[%mul3A_186] : memref<16384xi32, #tpu.memory_space<vmem_shared>> -> memref<1024xi32, #tpu.memory_space<vmem_shared>>
      tpu.enqueue_dma source(%arg12 : memref<1024xi32, #tpu.memory_space<vmem>>) target(%dma_start3A_603 : memref<1024xi32, #tpu.memory_space<vmem_shared>>) target_semaphore(%run_scoped3A_601 : memref<!tpu.dma_semaphore, #tpu.memory_space<semaphore_mem>>)
      %dma_wait3A_604 = tpu.memref_slice %arg13[%mul3A_186] : memref<16384xi32, #tpu.memory_space<vmem_shared>> -> memref<1024xi32, #tpu.memory_space<vmem_shared>>
      %dma_wait3A_605 = tpu.memref_slice %arg13[%mul3A_186] : memref<16384xi32, #tpu.memory_space<vmem_shared>> -> memref<1024xi32, #tpu.memory_space<vmem_shared>>
      tpu.wait_dma2 semaphore(%run_scoped3A_601 : memref<!tpu.dma_semaphore, #tpu.memory_space<semaphore_mem>>) src(%arg12 : memref<1024xi32, #tpu.memory_space<vmem>>) dst(%dma_wait3A_605 : memref<1024xi32, #tpu.memory_space<vmem_shared>>)
      tpu.yield
    }) : () -> ()
    %barrier3A = arith.constant 0 : index
    tpu.barrier barrier_id(%barrier3A)
    %mul3A_187 = arith.constant 32 : i32
    %mul3A_188 = arith.muli %add3A, %mul3A_187 : i32
    %add3A_189 = arith.constant 0 : i32
    %add3A_190 = arith.addi %add3A_189, %mul3A_188 : i32
    "tpu.region"() ({
      %run_scoped3A_601 = tpu.sem_alloc : memref<!tpu.dma_semaphore, #tpu.memory_space<semaphore_mem>>
      %dma_start3A_602 = arith.constant 0 : i32
      %dma_start3A_603 = tpu.memref_slice %arg14[%dma_start3A_602] : memref<512xi32, #tpu.memory_space<vmem>> -> memref<32xi32, #tpu.memory_space<vmem>>
      %dma_start3A_604 = tpu.memref_slice %arg13[%add3A_190] : memref<16384xi32, #tpu.memory_space<vmem_shared>> -> memref<32xi32, #tpu.memory_space<vmem_shared>>
      %dma_start3A_605 = arith.constant 0 : i32
      %dma_start3A_606 = tpu.memref_slice %arg14[%dma_start3A_605] : memref<512xi32, #tpu.memory_space<vmem>> -> memref<32xi32, #tpu.memory_space<vmem>>
      %dma_start3A_607 = tpu.memref_slice %arg13[%add3A_190] : memref<16384xi32, #tpu.memory_space<vmem_shared>> -> memref<32xi32, #tpu.memory_space<vmem_shared>>
      tpu.enqueue_dma source(%dma_start3A_607 : memref<32xi32, #tpu.memory_space<vmem_shared>>) target(%dma_start3A_606 : memref<32xi32, #tpu.memory_space<vmem>>) target_semaphore(%run_scoped3A_601 : memref<!tpu.dma_semaphore, #tpu.memory_space<semaphore_mem>>)
      %dma_wait3A_608 = arith.constant 0 : i32
      %dma_wait3A_609 = tpu.memref_slice %arg14[%dma_wait3A_608] : memref<512xi32, #tpu.memory_space<vmem>> -> memref<32xi32, #tpu.memory_space<vmem>>
      %dma_wait3A_610 = tpu.memref_slice %arg13[%add3A_190] : memref<16384xi32, #tpu.memory_space<vmem_shared>> -> memref<32xi32, #tpu.memory_space<vmem_shared>>
      %dma_wait3A_611 = arith.constant 0 : i32
      %dma_wait3A_612 = tpu.memref_slice %arg14[%dma_wait3A_611] : memref<512xi32, #tpu.memory_space<vmem>> -> memref<32xi32, #tpu.memory_space<vmem>>
      %dma_wait3A_613 = tpu.memref_slice %arg13[%add3A_190] : memref<16384xi32, #tpu.memory_space<vmem_shared>> -> memref<32xi32, #tpu.memory_space<vmem_shared>>
      tpu.wait_dma2 semaphore(%run_scoped3A_601 : memref<!tpu.dma_semaphore, #tpu.memory_space<semaphore_mem>>) src(%dma_wait3A_613 : memref<32xi32, #tpu.memory_space<vmem_shared>>) dst(%dma_wait3A_612 : memref<32xi32, #tpu.memory_space<vmem>>)
      tpu.yield
    }) : () -> ()
    %add3A_191 = arith.constant 1024 : i32
    %add3A_192 = arith.addi %add3A_191, %mul3A_188 : i32
    "tpu.region"() ({
      %run_scoped3A_601 = tpu.sem_alloc : memref<!tpu.dma_semaphore, #tpu.memory_space<semaphore_mem>>
      %dma_start3A_602 = arith.constant 32 : i32
      %dma_start3A_603 = tpu.memref_slice %arg14[%dma_start3A_602] : memref<512xi32, #tpu.memory_space<vmem>> -> memref<32xi32, #tpu.memory_space<vmem>>
      %dma_start3A_604 = tpu.memref_slice %arg13[%add3A_192] : memref<16384xi32, #tpu.memory_space<vmem_shared>> -> memref<32xi32, #tpu.memory_space<vmem_shared>>
      %dma_start3A_605 = arith.constant 32 : i32
      %dma_start3A_606 = tpu.memref_slice %arg14[%dma_start3A_605] : memref<512xi32, #tpu.memory_space<vmem>> -> memref<32xi32, #tpu.memory_space<vmem>>
      %dma_start3A_607 = tpu.memref_slice %arg13[%add3A_192] : memref<16384xi32, #tpu.memory_space<vmem_shared>> -> memref<32xi32, #tpu.memory_space<vmem_shared>>
      tpu.enqueue_dma source(%dma_start3A_607 : memref<32xi32, #tpu.memory_space<vmem_shared>>) target(%dma_start3A_606 : memref<32xi32, #tpu.memory_space<vmem>>) target_semaphore(%run_scoped3A_601 : memref<!tpu.dma_semaphore, #tpu.memory_space<semaphore_mem>>)
      %dma_wait3A_608 = arith.constant 32 : i32
      %dma_wait3A_609 = tpu.memref_slice %arg14[%dma_wait3A_608] : memref<512xi32, #tpu.memory_space<vmem>> -> memref<32xi32, #tpu.memory_space<vmem>>
      %dma_wait3A_610 = tpu.memref_slice %arg13[%add3A_192] : memref<16384xi32, #tpu.memory_space<vmem_shared>> -> memref<32xi32, #tpu.memory_space<vmem_shared>>
      %dma_wait3A_611 = arith.constant 32 : i32
      %dma_wait3A_612 = tpu.memref_slice %arg14[%dma_wait3A_611] : memref<512xi32, #tpu.memory_space<vmem>> -> memref<32xi32, #tpu.memory_space<vmem>>
      %dma_wait3A_613 = tpu.memref_slice %arg13[%add3A_192] : memref<16384xi32, #tpu.memory_space<vmem_shared>> -> memref<32xi32, #tpu.memory_space<vmem_shared>>
      tpu.wait_dma2 semaphore(%run_scoped3A_601 : memref<!tpu.dma_semaphore, #tpu.memory_space<semaphore_mem>>) src(%dma_wait3A_613 : memref<32xi32, #tpu.memory_space<vmem_shared>>) dst(%dma_wait3A_612 : memref<32xi32, #tpu.memory_space<vmem>>)
      tpu.yield
    }) : () -> ()
    %add3A_193 = arith.constant 2048 : i32
    %add3A_194 = arith.addi %add3A_193, %mul3A_188 : i32
    "tpu.region"() ({
      %run_scoped3A_601 = tpu.sem_alloc : memref<!tpu.dma_semaphore, #tpu.memory_space<semaphore_mem>>
      %dma_start3A_602 = arith.constant 64 : i32
      %dma_start3A_603 = tpu.memref_slice %arg14[%dma_start3A_602] : memref<512xi32, #tpu.memory_space<vmem>> -> memref<32xi32, #tpu.memory_space<vmem>>
      %dma_start3A_604 = tpu.memref_slice %arg13[%add3A_194] : memref<16384xi32, #tpu.memory_space<vmem_shared>> -> memref<32xi32, #tpu.memory_space<vmem_shared>>
      %dma_start3A_605 = arith.constant 64 : i32
      %dma_start3A_606 = tpu.memref_slice %arg14[%dma_start3A_605] : memref<512xi32, #tpu.memory_space<vmem>> -> memref<32xi32, #tpu.memory_space<vmem>>
      %dma_start3A_607 = tpu.memref_slice %arg13[%add3A_194] : memref<16384xi32, #tpu.memory_space<vmem_shared>> -> memref<32xi32, #tpu.memory_space<vmem_shared>>
      tpu.enqueue_dma source(%dma_start3A_607 : memref<32xi32, #tpu.memory_space<vmem_shared>>) target(%dma_start3A_606 : memref<32xi32, #tpu.memory_space<vmem>>) target_semaphore(%run_scoped3A_601 : memref<!tpu.dma_semaphore, #tpu.memory_space<semaphore_mem>>)
      %dma_wait3A_608 = arith.constant 64 : i32
      %dma_wait3A_609 = tpu.memref_slice %arg14[%dma_wait3A_608] : memref<512xi32, #tpu.memory_space<vmem>> -> memref<32xi32, #tpu.memory_space<vmem>>
      %dma_wait3A_610 = tpu.memref_slice %arg13[%add3A_194] : memref<16384xi32, #tpu.memory_space<vmem_shared>> -> memref<32xi32, #tpu.memory_space<vmem_shared>>
      %dma_wait3A_611 = arith.constant 64 : i32
      %dma_wait3A_612 = tpu.memref_slice %arg14[%dma_wait3A_611] : memref<512xi32, #tpu.memory_space<vmem>> -> memref<32xi32, #tpu.memory_space<vmem>>
      %dma_wait3A_613 = tpu.memref_slice %arg13[%add3A_194] : memref<16384xi32, #tpu.memory_space<vmem_shared>> -> memref<32xi32, #tpu.memory_space<vmem_shared>>
      tpu.wait_dma2 semaphore(%run_scoped3A_601 : memref<!tpu.dma_semaphore, #tpu.memory_space<semaphore_mem>>) src(%dma_wait3A_613 : memref<32xi32, #tpu.memory_space<vmem_shared>>) dst(%dma_wait3A_612 : memref<32xi32, #tpu.memory_space<vmem>>)
      tpu.yield
    }) : () -> ()
    %add3A_195 = arith.constant 3072 : i32
    %add3A_196 = arith.addi %add3A_195, %mul3A_188 : i32
    "tpu.region"() ({
      %run_scoped3A_601 = tpu.sem_alloc : memref<!tpu.dma_semaphore, #tpu.memory_space<semaphore_mem>>
      %dma_start3A_602 = arith.constant 96 : i32
      %dma_start3A_603 = tpu.memref_slice %arg14[%dma_start3A_602] : memref<512xi32, #tpu.memory_space<vmem>> -> memref<32xi32, #tpu.memory_space<vmem>>
      %dma_start3A_604 = tpu.memref_slice %arg13[%add3A_196] : memref<16384xi32, #tpu.memory_space<vmem_shared>> -> memref<32xi32, #tpu.memory_space<vmem_shared>>
      %dma_start3A_605 = arith.constant 96 : i32
      %dma_start3A_606 = tpu.memref_slice %arg14[%dma_start3A_605] : memref<512xi32, #tpu.memory_space<vmem>> -> memref<32xi32, #tpu.memory_space<vmem>>
      %dma_start3A_607 = tpu.memref_slice %arg13[%add3A_196] : memref<16384xi32, #tpu.memory_space<vmem_shared>> -> memref<32xi32, #tpu.memory_space<vmem_shared>>
      tpu.enqueue_dma source(%dma_start3A_607 : memref<32xi32, #tpu.memory_space<vmem_shared>>) target(%dma_start3A_606 : memref<32xi32, #tpu.memory_space<vmem>>) target_semaphore(%run_scoped3A_601 : memref<!tpu.dma_semaphore, #tpu.memory_space<semaphore_mem>>)
      %dma_wait3A_608 = arith.constant 96 : i32
      %dma_wait3A_609 = tpu.memref_slice %arg14[%dma_wait3A_608] : memref<512xi32, #tpu.memory_space<vmem>> -> memref<32xi32, #tpu.memory_space<vmem>>
      %dma_wait3A_610 = tpu.memref_slice %arg13[%add3A_196] : memref<16384xi32, #tpu.memory_space<vmem_shared>> -> memref<32xi32, #tpu.memory_space<vmem_shared>>
      %dma_wait3A_611 = arith.constant 96 : i32
      %dma_wait3A_612 = tpu.memref_slice %arg14[%dma_wait3A_611] : memref<512xi32, #tpu.memory_space<vmem>> -> memref<32xi32, #tpu.memory_space<vmem>>
      %dma_wait3A_613 = tpu.memref_slice %arg13[%add3A_196] : memref<16384xi32, #tpu.memory_space<vmem_shared>> -> memref<32xi32, #tpu.memory_space<vmem_shared>>
      tpu.wait_dma2 semaphore(%run_scoped3A_601 : memref<!tpu.dma_semaphore, #tpu.memory_space<semaphore_mem>>) src(%dma_wait3A_613 : memref<32xi32, #tpu.memory_space<vmem_shared>>) dst(%dma_wait3A_612 : memref<32xi32, #tpu.memory_space<vmem>>)
      tpu.yield
    }) : () -> ()
    %add3A_197 = arith.constant 4096 : i32
    %add3A_198 = arith.addi %add3A_197, %mul3A_188 : i32
    "tpu.region"() ({
      %run_scoped3A_601 = tpu.sem_alloc : memref<!tpu.dma_semaphore, #tpu.memory_space<semaphore_mem>>
      %dma_start3A_602 = arith.constant 128 : i32
      %dma_start3A_603 = tpu.memref_slice %arg14[%dma_start3A_602] : memref<512xi32, #tpu.memory_space<vmem>> -> memref<32xi32, #tpu.memory_space<vmem>>
      %dma_start3A_604 = tpu.memref_slice %arg13[%add3A_198] : memref<16384xi32, #tpu.memory_space<vmem_shared>> -> memref<32xi32, #tpu.memory_space<vmem_shared>>
      %dma_start3A_605 = arith.constant 128 : i32
      %dma_start3A_606 = tpu.memref_slice %arg14[%dma_start3A_605] : memref<512xi32, #tpu.memory_space<vmem>> -> memref<32xi32, #tpu.memory_space<vmem>>
      %dma_start3A_607 = tpu.memref_slice %arg13[%add3A_198] : memref<16384xi32, #tpu.memory_space<vmem_shared>> -> memref<32xi32, #tpu.memory_space<vmem_shared>>
      tpu.enqueue_dma source(%dma_start3A_607 : memref<32xi32, #tpu.memory_space<vmem_shared>>) target(%dma_start3A_606 : memref<32xi32, #tpu.memory_space<vmem>>) target_semaphore(%run_scoped3A_601 : memref<!tpu.dma_semaphore, #tpu.memory_space<semaphore_mem>>)
      %dma_wait3A_608 = arith.constant 128 : i32
      %dma_wait3A_609 = tpu.memref_slice %arg14[%dma_wait3A_608] : memref<512xi32, #tpu.memory_space<vmem>> -> memref<32xi32, #tpu.memory_space<vmem>>
      %dma_wait3A_610 = tpu.memref_slice %arg13[%add3A_198] : memref<16384xi32, #tpu.memory_space<vmem_shared>> -> memref<32xi32, #tpu.memory_space<vmem_shared>>
      %dma_wait3A_611 = arith.constant 128 : i32
      %dma_wait3A_612 = tpu.memref_slice %arg14[%dma_wait3A_611] : memref<512xi32, #tpu.memory_space<vmem>> -> memref<32xi32, #tpu.memory_space<vmem>>
      %dma_wait3A_613 = tpu.memref_slice %arg13[%add3A_198] : memref<16384xi32, #tpu.memory_space<vmem_shared>> -> memref<32xi32, #tpu.memory_space<vmem_shared>>
      tpu.wait_dma2 semaphore(%run_scoped3A_601 : memref<!tpu.dma_semaphore, #tpu.memory_space<semaphore_mem>>) src(%dma_wait3A_613 : memref<32xi32, #tpu.memory_space<vmem_shared>>) dst(%dma_wait3A_612 : memref<32xi32, #tpu.memory_space<vmem>>)
      tpu.yield
    }) : () -> ()
    %add3A_199 = arith.constant 5120 : i32
    %add3A_200 = arith.addi %add3A_199, %mul3A_188 : i32
    "tpu.region"() ({
      %run_scoped3A_601 = tpu.sem_alloc : memref<!tpu.dma_semaphore, #tpu.memory_space<semaphore_mem>>
      %dma_start3A_602 = arith.constant 160 : i32
      %dma_start3A_603 = tpu.memref_slice %arg14[%dma_start3A_602] : memref<512xi32, #tpu.memory_space<vmem>> -> memref<32xi32, #tpu.memory_space<vmem>>
      %dma_start3A_604 = tpu.memref_slice %arg13[%add3A_200] : memref<16384xi32, #tpu.memory_space<vmem_shared>> -> memref<32xi32, #tpu.memory_space<vmem_shared>>
      %dma_start3A_605 = arith.constant 160 : i32
      %dma_start3A_606 = tpu.memref_slice %arg14[%dma_start3A_605] : memref<512xi32, #tpu.memory_space<vmem>> -> memref<32xi32, #tpu.memory_space<vmem>>
      %dma_start3A_607 = tpu.memref_slice %arg13[%add3A_200] : memref<16384xi32, #tpu.memory_space<vmem_shared>> -> memref<32xi32, #tpu.memory_space<vmem_shared>>
      tpu.enqueue_dma source(%dma_start3A_607 : memref<32xi32, #tpu.memory_space<vmem_shared>>) target(%dma_start3A_606 : memref<32xi32, #tpu.memory_space<vmem>>) target_semaphore(%run_scoped3A_601 : memref<!tpu.dma_semaphore, #tpu.memory_space<semaphore_mem>>)
      %dma_wait3A_608 = arith.constant 160 : i32
      %dma_wait3A_609 = tpu.memref_slice %arg14[%dma_wait3A_608] : memref<512xi32, #tpu.memory_space<vmem>> -> memref<32xi32, #tpu.memory_space<vmem>>
      %dma_wait3A_610 = tpu.memref_slice %arg13[%add3A_200] : memref<16384xi32, #tpu.memory_space<vmem_shared>> -> memref<32xi32, #tpu.memory_space<vmem_shared>>
      %dma_wait3A_611 = arith.constant 160 : i32
      %dma_wait3A_612 = tpu.memref_slice %arg14[%dma_wait3A_611] : memref<512xi32, #tpu.memory_space<vmem>> -> memref<32xi32, #tpu.memory_space<vmem>>
      %dma_wait3A_613 = tpu.memref_slice %arg13[%add3A_200] : memref<16384xi32, #tpu.memory_space<vmem_shared>> -> memref<32xi32, #tpu.memory_space<vmem_shared>>
      tpu.wait_dma2 semaphore(%run_scoped3A_601 : memref<!tpu.dma_semaphore, #tpu.memory_space<semaphore_mem>>) src(%dma_wait3A_613 : memref<32xi32, #tpu.memory_space<vmem_shared>>) dst(%dma_wait3A_612 : memref<32xi32, #tpu.memory_space<vmem>>)
      tpu.yield
    }) : () -> ()
    %add3A_201 = arith.constant 6144 : i32
    %add3A_202 = arith.addi %add3A_201, %mul3A_188 : i32
    "tpu.region"() ({
      %run_scoped3A_601 = tpu.sem_alloc : memref<!tpu.dma_semaphore, #tpu.memory_space<semaphore_mem>>
      %dma_start3A_602 = arith.constant 192 : i32
      %dma_start3A_603 = tpu.memref_slice %arg14[%dma_start3A_602] : memref<512xi32, #tpu.memory_space<vmem>> -> memref<32xi32, #tpu.memory_space<vmem>>
      %dma_start3A_604 = tpu.memref_slice %arg13[%add3A_202] : memref<16384xi32, #tpu.memory_space<vmem_shared>> -> memref<32xi32, #tpu.memory_space<vmem_shared>>
      %dma_start3A_605 = arith.constant 192 : i32
      %dma_start3A_606 = tpu.memref_slice %arg14[%dma_start3A_605] : memref<512xi32, #tpu.memory_space<vmem>> -> memref<32xi32, #tpu.memory_space<vmem>>
      %dma_start3A_607 = tpu.memref_slice %arg13[%add3A_202] : memref<16384xi32, #tpu.memory_space<vmem_shared>> -> memref<32xi32, #tpu.memory_space<vmem_shared>>
      tpu.enqueue_dma source(%dma_start3A_607 : memref<32xi32, #tpu.memory_space<vmem_shared>>) target(%dma_start3A_606 : memref<32xi32, #tpu.memory_space<vmem>>) target_semaphore(%run_scoped3A_601 : memref<!tpu.dma_semaphore, #tpu.memory_space<semaphore_mem>>)
      %dma_wait3A_608 = arith.constant 192 : i32
      %dma_wait3A_609 = tpu.memref_slice %arg14[%dma_wait3A_608] : memref<512xi32, #tpu.memory_space<vmem>> -> memref<32xi32, #tpu.memory_space<vmem>>
      %dma_wait3A_610 = tpu.memref_slice %arg13[%add3A_202] : memref<16384xi32, #tpu.memory_space<vmem_shared>> -> memref<32xi32, #tpu.memory_space<vmem_shared>>
      %dma_wait3A_611 = arith.constant 192 : i32
      %dma_wait3A_612 = tpu.memref_slice %arg14[%dma_wait3A_611] : memref<512xi32, #tpu.memory_space<vmem>> -> memref<32xi32, #tpu.memory_space<vmem>>
      %dma_wait3A_613 = tpu.memref_slice %arg13[%add3A_202] : memref<16384xi32, #tpu.memory_space<vmem_shared>> -> memref<32xi32, #tpu.memory_space<vmem_shared>>
      tpu.wait_dma2 semaphore(%run_scoped3A_601 : memref<!tpu.dma_semaphore, #tpu.memory_space<semaphore_mem>>) src(%dma_wait3A_613 : memref<32xi32, #tpu.memory_space<vmem_shared>>) dst(%dma_wait3A_612 : memref<32xi32, #tpu.memory_space<vmem>>)
      tpu.yield
    }) : () -> ()
    %add3A_203 = arith.constant 7168 : i32
    %add3A_204 = arith.addi %add3A_203, %mul3A_188 : i32
    "tpu.region"() ({
      %run_scoped3A_601 = tpu.sem_alloc : memref<!tpu.dma_semaphore, #tpu.memory_space<semaphore_mem>>
      %dma_start3A_602 = arith.constant 224 : i32
      %dma_start3A_603 = tpu.memref_slice %arg14[%dma_start3A_602] : memref<512xi32, #tpu.memory_space<vmem>> -> memref<32xi32, #tpu.memory_space<vmem>>
      %dma_start3A_604 = tpu.memref_slice %arg13[%add3A_204] : memref<16384xi32, #tpu.memory_space<vmem_shared>> -> memref<32xi32, #tpu.memory_space<vmem_shared>>
      %dma_start3A_605 = arith.constant 224 : i32
      %dma_start3A_606 = tpu.memref_slice %arg14[%dma_start3A_605] : memref<512xi32, #tpu.memory_space<vmem>> -> memref<32xi32, #tpu.memory_space<vmem>>
      %dma_start3A_607 = tpu.memref_slice %arg13[%add3A_204] : memref<16384xi32, #tpu.memory_space<vmem_shared>> -> memref<32xi32, #tpu.memory_space<vmem_shared>>
      tpu.enqueue_dma source(%dma_start3A_607 : memref<32xi32, #tpu.memory_space<vmem_shared>>) target(%dma_start3A_606 : memref<32xi32, #tpu.memory_space<vmem>>) target_semaphore(%run_scoped3A_601 : memref<!tpu.dma_semaphore, #tpu.memory_space<semaphore_mem>>)
      %dma_wait3A_608 = arith.constant 224 : i32
      %dma_wait3A_609 = tpu.memref_slice %arg14[%dma_wait3A_608] : memref<512xi32, #tpu.memory_space<vmem>> -> memref<32xi32, #tpu.memory_space<vmem>>
      %dma_wait3A_610 = tpu.memref_slice %arg13[%add3A_204] : memref<16384xi32, #tpu.memory_space<vmem_shared>> -> memref<32xi32, #tpu.memory_space<vmem_shared>>
      %dma_wait3A_611 = arith.constant 224 : i32
      %dma_wait3A_612 = tpu.memref_slice %arg14[%dma_wait3A_611] : memref<512xi32, #tpu.memory_space<vmem>> -> memref<32xi32, #tpu.memory_space<vmem>>
      %dma_wait3A_613 = tpu.memref_slice %arg13[%add3A_204] : memref<16384xi32, #tpu.memory_space<vmem_shared>> -> memref<32xi32, #tpu.memory_space<vmem_shared>>
      tpu.wait_dma2 semaphore(%run_scoped3A_601 : memref<!tpu.dma_semaphore, #tpu.memory_space<semaphore_mem>>) src(%dma_wait3A_613 : memref<32xi32, #tpu.memory_space<vmem_shared>>) dst(%dma_wait3A_612 : memref<32xi32, #tpu.memory_space<vmem>>)
      tpu.yield
    }) : () -> ()
    %add3A_205 = arith.constant 8192 : i32
    %add3A_206 = arith.addi %add3A_205, %mul3A_188 : i32
    "tpu.region"() ({
      %run_scoped3A_601 = tpu.sem_alloc : memref<!tpu.dma_semaphore, #tpu.memory_space<semaphore_mem>>
      %dma_start3A_602 = arith.constant 256 : i32
      %dma_start3A_603 = tpu.memref_slice %arg14[%dma_start3A_602] : memref<512xi32, #tpu.memory_space<vmem>> -> memref<32xi32, #tpu.memory_space<vmem>>
      %dma_start3A_604 = tpu.memref_slice %arg13[%add3A_206] : memref<16384xi32, #tpu.memory_space<vmem_shared>> -> memref<32xi32, #tpu.memory_space<vmem_shared>>
      %dma_start3A_605 = arith.constant 256 : i32
      %dma_start3A_606 = tpu.memref_slice %arg14[%dma_start3A_605] : memref<512xi32, #tpu.memory_space<vmem>> -> memref<32xi32, #tpu.memory_space<vmem>>
      %dma_start3A_607 = tpu.memref_slice %arg13[%add3A_206] : memref<16384xi32, #tpu.memory_space<vmem_shared>> -> memref<32xi32, #tpu.memory_space<vmem_shared>>
      tpu.enqueue_dma source(%dma_start3A_607 : memref<32xi32, #tpu.memory_space<vmem_shared>>) target(%dma_start3A_606 : memref<32xi32, #tpu.memory_space<vmem>>) target_semaphore(%run_scoped3A_601 : memref<!tpu.dma_semaphore, #tpu.memory_space<semaphore_mem>>)
      %dma_wait3A_608 = arith.constant 256 : i32
      %dma_wait3A_609 = tpu.memref_slice %arg14[%dma_wait3A_608] : memref<512xi32, #tpu.memory_space<vmem>> -> memref<32xi32, #tpu.memory_space<vmem>>
      %dma_wait3A_610 = tpu.memref_slice %arg13[%add3A_206] : memref<16384xi32, #tpu.memory_space<vmem_shared>> -> memref<32xi32, #tpu.memory_space<vmem_shared>>
      %dma_wait3A_611 = arith.constant 256 : i32
      %dma_wait3A_612 = tpu.memref_slice %arg14[%dma_wait3A_611] : memref<512xi32, #tpu.memory_space<vmem>> -> memref<32xi32, #tpu.memory_space<vmem>>
      %dma_wait3A_613 = tpu.memref_slice %arg13[%add3A_206] : memref<16384xi32, #tpu.memory_space<vmem_shared>> -> memref<32xi32, #tpu.memory_space<vmem_shared>>
      tpu.wait_dma2 semaphore(%run_scoped3A_601 : memref<!tpu.dma_semaphore, #tpu.memory_space<semaphore_mem>>) src(%dma_wait3A_613 : memref<32xi32, #tpu.memory_space<vmem_shared>>) dst(%dma_wait3A_612 : memref<32xi32, #tpu.memory_space<vmem>>)
      tpu.yield
    }) : () -> ()
    %add3A_207 = arith.constant 9216 : i32
    %add3A_208 = arith.addi %add3A_207, %mul3A_188 : i32
    "tpu.region"() ({
      %run_scoped3A_601 = tpu.sem_alloc : memref<!tpu.dma_semaphore, #tpu.memory_space<semaphore_mem>>
      %dma_start3A_602 = arith.constant 288 : i32
      %dma_start3A_603 = tpu.memref_slice %arg14[%dma_start3A_602] : memref<512xi32, #tpu.memory_space<vmem>> -> memref<32xi32, #tpu.memory_space<vmem>>
      %dma_start3A_604 = tpu.memref_slice %arg13[%add3A_208] : memref<16384xi32, #tpu.memory_space<vmem_shared>> -> memref<32xi32, #tpu.memory_space<vmem_shared>>
      %dma_start3A_605 = arith.constant 288 : i32
      %dma_start3A_606 = tpu.memref_slice %arg14[%dma_start3A_605] : memref<512xi32, #tpu.memory_space<vmem>> -> memref<32xi32, #tpu.memory_space<vmem>>
      %dma_start3A_607 = tpu.memref_slice %arg13[%add3A_208] : memref<16384xi32, #tpu.memory_space<vmem_shared>> -> memref<32xi32, #tpu.memory_space<vmem_shared>>
      tpu.enqueue_dma source(%dma_start3A_607 : memref<32xi32, #tpu.memory_space<vmem_shared>>) target(%dma_start3A_606 : memref<32xi32, #tpu.memory_space<vmem>>) target_semaphore(%run_scoped3A_601 : memref<!tpu.dma_semaphore, #tpu.memory_space<semaphore_mem>>)
      %dma_wait3A_608 = arith.constant 288 : i32
      %dma_wait3A_609 = tpu.memref_slice %arg14[%dma_wait3A_608] : memref<512xi32, #tpu.memory_space<vmem>> -> memref<32xi32, #tpu.memory_space<vmem>>
      %dma_wait3A_610 = tpu.memref_slice %arg13[%add3A_208] : memref<16384xi32, #tpu.memory_space<vmem_shared>> -> memref<32xi32, #tpu.memory_space<vmem_shared>>
      %dma_wait3A_611 = arith.constant 288 : i32
      %dma_wait3A_612 = tpu.memref_slice %arg14[%dma_wait3A_611] : memref<512xi32, #tpu.memory_space<vmem>> -> memref<32xi32, #tpu.memory_space<vmem>>
      %dma_wait3A_613 = tpu.memref_slice %arg13[%add3A_208] : memref<16384xi32, #tpu.memory_space<vmem_shared>> -> memref<32xi32, #tpu.memory_space<vmem_shared>>
      tpu.wait_dma2 semaphore(%run_scoped3A_601 : memref<!tpu.dma_semaphore, #tpu.memory_space<semaphore_mem>>) src(%dma_wait3A_613 : memref<32xi32, #tpu.memory_space<vmem_shared>>) dst(%dma_wait3A_612 : memref<32xi32, #tpu.memory_space<vmem>>)
      tpu.yield
    }) : () -> ()
    %add3A_209 = arith.constant 10240 : i32
    %add3A_210 = arith.addi %add3A_209, %mul3A_188 : i32
    "tpu.region"() ({
      %run_scoped3A_601 = tpu.sem_alloc : memref<!tpu.dma_semaphore, #tpu.memory_space<semaphore_mem>>
      %dma_start3A_602 = arith.constant 320 : i32
      %dma_start3A_603 = tpu.memref_slice %arg14[%dma_start3A_602] : memref<512xi32, #tpu.memory_space<vmem>> -> memref<32xi32, #tpu.memory_space<vmem>>
      %dma_start3A_604 = tpu.memref_slice %arg13[%add3A_210] : memref<16384xi32, #tpu.memory_space<vmem_shared>> -> memref<32xi32, #tpu.memory_space<vmem_shared>>
      %dma_start3A_605 = arith.constant 320 : i32
      %dma_start3A_606 = tpu.memref_slice %arg14[%dma_start3A_605] : memref<512xi32, #tpu.memory_space<vmem>> -> memref<32xi32, #tpu.memory_space<vmem>>
      %dma_start3A_607 = tpu.memref_slice %arg13[%add3A_210] : memref<16384xi32, #tpu.memory_space<vmem_shared>> -> memref<32xi32, #tpu.memory_space<vmem_shared>>
      tpu.enqueue_dma source(%dma_start3A_607 : memref<32xi32, #tpu.memory_space<vmem_shared>>) target(%dma_start3A_606 : memref<32xi32, #tpu.memory_space<vmem>>) target_semaphore(%run_scoped3A_601 : memref<!tpu.dma_semaphore, #tpu.memory_space<semaphore_mem>>)
      %dma_wait3A_608 = arith.constant 320 : i32
      %dma_wait3A_609 = tpu.memref_slice %arg14[%dma_wait3A_608] : memref<512xi32, #tpu.memory_space<vmem>> -> memref<32xi32, #tpu.memory_space<vmem>>
      %dma_wait3A_610 = tpu.memref_slice %arg13[%add3A_210] : memref<16384xi32, #tpu.memory_space<vmem_shared>> -> memref<32xi32, #tpu.memory_space<vmem_shared>>
      %dma_wait3A_611 = arith.constant 320 : i32
      %dma_wait3A_612 = tpu.memref_slice %arg14[%dma_wait3A_611] : memref<512xi32, #tpu.memory_space<vmem>> -> memref<32xi32, #tpu.memory_space<vmem>>
      %dma_wait3A_613 = tpu.memref_slice %arg13[%add3A_210] : memref<16384xi32, #tpu.memory_space<vmem_shared>> -> memref<32xi32, #tpu.memory_space<vmem_shared>>
      tpu.wait_dma2 semaphore(%run_scoped3A_601 : memref<!tpu.dma_semaphore, #tpu.memory_space<semaphore_mem>>) src(%dma_wait3A_613 : memref<32xi32, #tpu.memory_space<vmem_shared>>) dst(%dma_wait3A_612 : memref<32xi32, #tpu.memory_space<vmem>>)
      tpu.yield
    }) : () -> ()
    %add3A_211 = arith.constant 11264 : i32
    %add3A_212 = arith.addi %add3A_211, %mul3A_188 : i32
    "tpu.region"() ({
      %run_scoped3A_601 = tpu.sem_alloc : memref<!tpu.dma_semaphore, #tpu.memory_space<semaphore_mem>>
      %dma_start3A_602 = arith.constant 352 : i32
      %dma_start3A_603 = tpu.memref_slice %arg14[%dma_start3A_602] : memref<512xi32, #tpu.memory_space<vmem>> -> memref<32xi32, #tpu.memory_space<vmem>>
      %dma_start3A_604 = tpu.memref_slice %arg13[%add3A_212] : memref<16384xi32, #tpu.memory_space<vmem_shared>> -> memref<32xi32, #tpu.memory_space<vmem_shared>>
      %dma_start3A_605 = arith.constant 352 : i32
      %dma_start3A_606 = tpu.memref_slice %arg14[%dma_start3A_605] : memref<512xi32, #tpu.memory_space<vmem>> -> memref<32xi32, #tpu.memory_space<vmem>>
      %dma_start3A_607 = tpu.memref_slice %arg13[%add3A_212] : memref<16384xi32, #tpu.memory_space<vmem_shared>> -> memref<32xi32, #tpu.memory_space<vmem_shared>>
      tpu.enqueue_dma source(%dma_start3A_607 : memref<32xi32, #tpu.memory_space<vmem_shared>>) target(%dma_start3A_606 : memref<32xi32, #tpu.memory_space<vmem>>) target_semaphore(%run_scoped3A_601 : memref<!tpu.dma_semaphore, #tpu.memory_space<semaphore_mem>>)
      %dma_wait3A_608 = arith.constant 352 : i32
      %dma_wait3A_609 = tpu.memref_slice %arg14[%dma_wait3A_608] : memref<512xi32, #tpu.memory_space<vmem>> -> memref<32xi32, #tpu.memory_space<vmem>>
      %dma_wait3A_610 = tpu.memref_slice %arg13[%add3A_212] : memref<16384xi32, #tpu.memory_space<vmem_shared>> -> memref<32xi32, #tpu.memory_space<vmem_shared>>
      %dma_wait3A_611 = arith.constant 352 : i32
      %dma_wait3A_612 = tpu.memref_slice %arg14[%dma_wait3A_611] : memref<512xi32, #tpu.memory_space<vmem>> -> memref<32xi32, #tpu.memory_space<vmem>>
      %dma_wait3A_613 = tpu.memref_slice %arg13[%add3A_212] : memref<16384xi32, #tpu.memory_space<vmem_shared>> -> memref<32xi32, #tpu.memory_space<vmem_shared>>
      tpu.wait_dma2 semaphore(%run_scoped3A_601 : memref<!tpu.dma_semaphore, #tpu.memory_space<semaphore_mem>>) src(%dma_wait3A_613 : memref<32xi32, #tpu.memory_space<vmem_shared>>) dst(%dma_wait3A_612 : memref<32xi32, #tpu.memory_space<vmem>>)
      tpu.yield
    }) : () -> ()
    %add3A_213 = arith.constant 12288 : i32
    %add3A_214 = arith.addi %add3A_213, %mul3A_188 : i32
    "tpu.region"() ({
      %run_scoped3A_601 = tpu.sem_alloc : memref<!tpu.dma_semaphore, #tpu.memory_space<semaphore_mem>>
      %dma_start3A_602 = arith.constant 384 : i32
      %dma_start3A_603 = tpu.memref_slice %arg14[%dma_start3A_602] : memref<512xi32, #tpu.memory_space<vmem>> -> memref<32xi32, #tpu.memory_space<vmem>>
      %dma_start3A_604 = tpu.memref_slice %arg13[%add3A_214] : memref<16384xi32, #tpu.memory_space<vmem_shared>> -> memref<32xi32, #tpu.memory_space<vmem_shared>>
      %dma_start3A_605 = arith.constant 384 : i32
      %dma_start3A_606 = tpu.memref_slice %arg14[%dma_start3A_605] : memref<512xi32, #tpu.memory_space<vmem>> -> memref<32xi32, #tpu.memory_space<vmem>>
      %dma_start3A_607 = tpu.memref_slice %arg13[%add3A_214] : memref<16384xi32, #tpu.memory_space<vmem_shared>> -> memref<32xi32, #tpu.memory_space<vmem_shared>>
      tpu.enqueue_dma source(%dma_start3A_607 : memref<32xi32, #tpu.memory_space<vmem_shared>>) target(%dma_start3A_606 : memref<32xi32, #tpu.memory_space<vmem>>) target_semaphore(%run_scoped3A_601 : memref<!tpu.dma_semaphore, #tpu.memory_space<semaphore_mem>>)
      %dma_wait3A_608 = arith.constant 384 : i32
      %dma_wait3A_609 = tpu.memref_slice %arg14[%dma_wait3A_608] : memref<512xi32, #tpu.memory_space<vmem>> -> memref<32xi32, #tpu.memory_space<vmem>>
      %dma_wait3A_610 = tpu.memref_slice %arg13[%add3A_214] : memref<16384xi32, #tpu.memory_space<vmem_shared>> -> memref<32xi32, #tpu.memory_space<vmem_shared>>
      %dma_wait3A_611 = arith.constant 384 : i32
      %dma_wait3A_612 = tpu.memref_slice %arg14[%dma_wait3A_611] : memref<512xi32, #tpu.memory_space<vmem>> -> memref<32xi32, #tpu.memory_space<vmem>>
      %dma_wait3A_613 = tpu.memref_slice %arg13[%add3A_214] : memref<16384xi32, #tpu.memory_space<vmem_shared>> -> memref<32xi32, #tpu.memory_space<vmem_shared>>
      tpu.wait_dma2 semaphore(%run_scoped3A_601 : memref<!tpu.dma_semaphore, #tpu.memory_space<semaphore_mem>>) src(%dma_wait3A_613 : memref<32xi32, #tpu.memory_space<vmem_shared>>) dst(%dma_wait3A_612 : memref<32xi32, #tpu.memory_space<vmem>>)
      tpu.yield
    }) : () -> ()
    %add3A_215 = arith.constant 13312 : i32
    %add3A_216 = arith.addi %add3A_215, %mul3A_188 : i32
    "tpu.region"() ({
      %run_scoped3A_601 = tpu.sem_alloc : memref<!tpu.dma_semaphore, #tpu.memory_space<semaphore_mem>>
      %dma_start3A_602 = arith.constant 416 : i32
      %dma_start3A_603 = tpu.memref_slice %arg14[%dma_start3A_602] : memref<512xi32, #tpu.memory_space<vmem>> -> memref<32xi32, #tpu.memory_space<vmem>>
      %dma_start3A_604 = tpu.memref_slice %arg13[%add3A_216] : memref<16384xi32, #tpu.memory_space<vmem_shared>> -> memref<32xi32, #tpu.memory_space<vmem_shared>>
      %dma_start3A_605 = arith.constant 416 : i32
      %dma_start3A_606 = tpu.memref_slice %arg14[%dma_start3A_605] : memref<512xi32, #tpu.memory_space<vmem>> -> memref<32xi32, #tpu.memory_space<vmem>>
      %dma_start3A_607 = tpu.memref_slice %arg13[%add3A_216] : memref<16384xi32, #tpu.memory_space<vmem_shared>> -> memref<32xi32, #tpu.memory_space<vmem_shared>>
      tpu.enqueue_dma source(%dma_start3A_607 : memref<32xi32, #tpu.memory_space<vmem_shared>>) target(%dma_start3A_606 : memref<32xi32, #tpu.memory_space<vmem>>) target_semaphore(%run_scoped3A_601 : memref<!tpu.dma_semaphore, #tpu.memory_space<semaphore_mem>>)
      %dma_wait3A_608 = arith.constant 416 : i32
      %dma_wait3A_609 = tpu.memref_slice %arg14[%dma_wait3A_608] : memref<512xi32, #tpu.memory_space<vmem>> -> memref<32xi32, #tpu.memory_space<vmem>>
      %dma_wait3A_610 = tpu.memref_slice %arg13[%add3A_216] : memref<16384xi32, #tpu.memory_space<vmem_shared>> -> memref<32xi32, #tpu.memory_space<vmem_shared>>
      %dma_wait3A_611 = arith.constant 416 : i32
      %dma_wait3A_612 = tpu.memref_slice %arg14[%dma_wait3A_611] : memref<512xi32, #tpu.memory_space<vmem>> -> memref<32xi32, #tpu.memory_space<vmem>>
      %dma_wait3A_613 = tpu.memref_slice %arg13[%add3A_216] : memref<16384xi32, #tpu.memory_space<vmem_shared>> -> memref<32xi32, #tpu.memory_space<vmem_shared>>
      tpu.wait_dma2 semaphore(%run_scoped3A_601 : memref<!tpu.dma_semaphore, #tpu.memory_space<semaphore_mem>>) src(%dma_wait3A_613 : memref<32xi32, #tpu.memory_space<vmem_shared>>) dst(%dma_wait3A_612 : memref<32xi32, #tpu.memory_space<vmem>>)
      tpu.yield
    }) : () -> ()
    %add3A_217 = arith.constant 14336 : i32
    %add3A_218 = arith.addi %add3A_217, %mul3A_188 : i32
    "tpu.region"() ({
      %run_scoped3A_601 = tpu.sem_alloc : memref<!tpu.dma_semaphore, #tpu.memory_space<semaphore_mem>>
      %dma_start3A_602 = arith.constant 448 : i32
      %dma_start3A_603 = tpu.memref_slice %arg14[%dma_start3A_602] : memref<512xi32, #tpu.memory_space<vmem>> -> memref<32xi32, #tpu.memory_space<vmem>>
      %dma_start3A_604 = tpu.memref_slice %arg13[%add3A_218] : memref<16384xi32, #tpu.memory_space<vmem_shared>> -> memref<32xi32, #tpu.memory_space<vmem_shared>>
      %dma_start3A_605 = arith.constant 448 : i32
      %dma_start3A_606 = tpu.memref_slice %arg14[%dma_start3A_605] : memref<512xi32, #tpu.memory_space<vmem>> -> memref<32xi32, #tpu.memory_space<vmem>>
      %dma_start3A_607 = tpu.memref_slice %arg13[%add3A_218] : memref<16384xi32, #tpu.memory_space<vmem_shared>> -> memref<32xi32, #tpu.memory_space<vmem_shared>>
      tpu.enqueue_dma source(%dma_start3A_607 : memref<32xi32, #tpu.memory_space<vmem_shared>>) target(%dma_start3A_606 : memref<32xi32, #tpu.memory_space<vmem>>) target_semaphore(%run_scoped3A_601 : memref<!tpu.dma_semaphore, #tpu.memory_space<semaphore_mem>>)
      %dma_wait3A_608 = arith.constant 448 : i32
      %dma_wait3A_609 = tpu.memref_slice %arg14[%dma_wait3A_608] : memref<512xi32, #tpu.memory_space<vmem>> -> memref<32xi32, #tpu.memory_space<vmem>>
      %dma_wait3A_610 = tpu.memref_slice %arg13[%add3A_218] : memref<16384xi32, #tpu.memory_space<vmem_shared>> -> memref<32xi32, #tpu.memory_space<vmem_shared>>
      %dma_wait3A_611 = arith.constant 448 : i32
      %dma_wait3A_612 = tpu.memref_slice %arg14[%dma_wait3A_611] : memref<512xi32, #tpu.memory_space<vmem>> -> memref<32xi32, #tpu.memory_space<vmem>>
      %dma_wait3A_613 = tpu.memref_slice %arg13[%add3A_218] : memref<16384xi32, #tpu.memory_space<vmem_shared>> -> memref<32xi32, #tpu.memory_space<vmem_shared>>
      tpu.wait_dma2 semaphore(%run_scoped3A_601 : memref<!tpu.dma_semaphore, #tpu.memory_space<semaphore_mem>>) src(%dma_wait3A_613 : memref<32xi32, #tpu.memory_space<vmem_shared>>) dst(%dma_wait3A_612 : memref<32xi32, #tpu.memory_space<vmem>>)
      tpu.yield
    }) : () -> ()
    %add3A_219 = arith.constant 15360 : i32
    %add3A_220 = arith.addi %add3A_219, %mul3A_188 : i32
    "tpu.region"() ({
      %run_scoped3A_601 = tpu.sem_alloc : memref<!tpu.dma_semaphore, #tpu.memory_space<semaphore_mem>>
      %dma_start3A_602 = arith.constant 480 : i32
      %dma_start3A_603 = tpu.memref_slice %arg14[%dma_start3A_602] : memref<512xi32, #tpu.memory_space<vmem>> -> memref<32xi32, #tpu.memory_space<vmem>>
      %dma_start3A_604 = tpu.memref_slice %arg13[%add3A_220] : memref<16384xi32, #tpu.memory_space<vmem_shared>> -> memref<32xi32, #tpu.memory_space<vmem_shared>>
      %dma_start3A_605 = arith.constant 480 : i32
      %dma_start3A_606 = tpu.memref_slice %arg14[%dma_start3A_605] : memref<512xi32, #tpu.memory_space<vmem>> -> memref<32xi32, #tpu.memory_space<vmem>>
      %dma_start3A_607 = tpu.memref_slice %arg13[%add3A_220] : memref<16384xi32, #tpu.memory_space<vmem_shared>> -> memref<32xi32, #tpu.memory_space<vmem_shared>>
      tpu.enqueue_dma source(%dma_start3A_607 : memref<32xi32, #tpu.memory_space<vmem_shared>>) target(%dma_start3A_606 : memref<32xi32, #tpu.memory_space<vmem>>) target_semaphore(%run_scoped3A_601 : memref<!tpu.dma_semaphore, #tpu.memory_space<semaphore_mem>>)
      %dma_wait3A_608 = arith.constant 480 : i32
      %dma_wait3A_609 = tpu.memref_slice %arg14[%dma_wait3A_608] : memref<512xi32, #tpu.memory_space<vmem>> -> memref<32xi32, #tpu.memory_space<vmem>>
      %dma_wait3A_610 = tpu.memref_slice %arg13[%add3A_220] : memref<16384xi32, #tpu.memory_space<vmem_shared>> -> memref<32xi32, #tpu.memory_space<vmem_shared>>
      %dma_wait3A_611 = arith.constant 480 : i32
      %dma_wait3A_612 = tpu.memref_slice %arg14[%dma_wait3A_611] : memref<512xi32, #tpu.memory_space<vmem>> -> memref<32xi32, #tpu.memory_space<vmem>>
      %dma_wait3A_613 = tpu.memref_slice %arg13[%add3A_220] : memref<16384xi32, #tpu.memory_space<vmem_shared>> -> memref<32xi32, #tpu.memory_space<vmem_shared>>
      tpu.wait_dma2 semaphore(%run_scoped3A_601 : memref<!tpu.dma_semaphore, #tpu.memory_space<semaphore_mem>>) src(%dma_wait3A_613 : memref<32xi32, #tpu.memory_space<vmem_shared>>) dst(%dma_wait3A_612 : memref<32xi32, #tpu.memory_space<vmem>>)
      tpu.yield
    }) : () -> ()
    %get3A = arith.constant 0 : index
    %get3A_221 = tpu.vector_load %arg14[%get3A] {strides = array<i32>} : memref<512xi32, #tpu.memory_space<vmem>>, vector<16xi32>,
    %max3A = arith.maxsi %broadcast_in_dim3A_50, %get3A_221 : vector<16xi32>
    %get3A_222 = arith.constant 16 : index
    %get3A_223 = tpu.vector_load %arg14[%get3A_222] {strides = array<i32>} : memref<512xi32, #tpu.memory_space<vmem>>, vector<16xi32>,
    %max3A_224 = arith.maxsi %broadcast_in_dim3A_50, %get3A_223 : vector<16xi32>
    %get3A_225 = arith.constant 32 : index
    %get3A_226 = tpu.vector_load %arg14[%get3A_225] {strides = array<i32>} : memref<512xi32, #tpu.memory_space<vmem>>, vector<16xi32>,
    %max3A_227 = arith.maxsi %max3A, %get3A_226 : vector<16xi32>
    %get3A_228 = arith.constant 48 : index
    %get3A_229 = tpu.vector_load %arg14[%get3A_228] {strides = array<i32>} : memref<512xi32, #tpu.memory_space<vmem>>, vector<16xi32>,
    %max3A_230 = arith.maxsi %max3A_224, %get3A_229 : vector<16xi32>
    %get3A_231 = arith.constant 64 : index
    %get3A_232 = tpu.vector_load %arg14[%get3A_231] {strides = array<i32>} : memref<512xi32, #tpu.memory_space<vmem>>, vector<16xi32>,
    %max3A_233 = arith.maxsi %max3A_227, %get3A_232 : vector<16xi32>
    %get3A_234 = arith.constant 80 : index
    %get3A_235 = tpu.vector_load %arg14[%get3A_234] {strides = array<i32>} : memref<512xi32, #tpu.memory_space<vmem>>, vector<16xi32>,
    %max3A_236 = arith.maxsi %max3A_230, %get3A_235 : vector<16xi32>
    %get3A_237 = arith.constant 96 : index
    %get3A_238 = tpu.vector_load %arg14[%get3A_237] {strides = array<i32>} : memref<512xi32, #tpu.memory_space<vmem>>, vector<16xi32>,
    %max3A_239 = arith.maxsi %max3A_233, %get3A_238 : vector<16xi32>
    %get3A_240 = arith.constant 112 : index
    %get3A_241 = tpu.vector_load %arg14[%get3A_240] {strides = array<i32>} : memref<512xi32, #tpu.memory_space<vmem>>, vector<16xi32>,
    %max3A_242 = arith.maxsi %max3A_236, %get3A_241 : vector<16xi32>
    %get3A_243 = arith.constant 128 : index
    %get3A_244 = tpu.vector_load %arg14[%get3A_243] {strides = array<i32>} : memref<512xi32, #tpu.memory_space<vmem>>, vector<16xi32>,
    %max3A_245 = arith.maxsi %max3A_239, %get3A_244 : vector<16xi32>
    %get3A_246 = arith.constant 144 : index
    %get3A_247 = tpu.vector_load %arg14[%get3A_246] {strides = array<i32>} : memref<512xi32, #tpu.memory_space<vmem>>, vector<16xi32>,
    %max3A_248 = arith.maxsi %max3A_242, %get3A_247 : vector<16xi32>
    %get3A_249 = arith.constant 160 : index
    %get3A_250 = tpu.vector_load %arg14[%get3A_249] {strides = array<i32>} : memref<512xi32, #tpu.memory_space<vmem>>, vector<16xi32>,
    %max3A_251 = arith.maxsi %max3A_245, %get3A_250 : vector<16xi32>
    %get3A_252 = arith.constant 176 : index
    %get3A_253 = tpu.vector_load %arg14[%get3A_252] {strides = array<i32>} : memref<512xi32, #tpu.memory_space<vmem>>, vector<16xi32>,
    %max3A_254 = arith.maxsi %max3A_248, %get3A_253 : vector<16xi32>
    %get3A_255 = arith.constant 192 : index
    %get3A_256 = tpu.vector_load %arg14[%get3A_255] {strides = array<i32>} : memref<512xi32, #tpu.memory_space<vmem>>, vector<16xi32>,
    %max3A_257 = arith.maxsi %max3A_251, %get3A_256 : vector<16xi32>
    %get3A_258 = arith.constant 208 : index
    %get3A_259 = tpu.vector_load %arg14[%get3A_258] {strides = array<i32>} : memref<512xi32, #tpu.memory_space<vmem>>, vector<16xi32>,
    %max3A_260 = arith.maxsi %max3A_254, %get3A_259 : vector<16xi32>
    %get3A_261 = arith.constant 224 : index
    %get3A_262 = tpu.vector_load %arg14[%get3A_261] {strides = array<i32>} : memref<512xi32, #tpu.memory_space<vmem>>, vector<16xi32>,
    %max3A_263 = arith.maxsi %max3A_257, %get3A_262 : vector<16xi32>
    %get3A_264 = arith.constant 240 : index
    %get3A_265 = tpu.vector_load %arg14[%get3A_264] {strides = array<i32>} : memref<512xi32, #tpu.memory_space<vmem>>, vector<16xi32>,
    %max3A_266 = arith.maxsi %max3A_260, %get3A_265 : vector<16xi32>
    %get3A_267 = arith.constant 256 : index
    %get3A_268 = tpu.vector_load %arg14[%get3A_267] {strides = array<i32>} : memref<512xi32, #tpu.memory_space<vmem>>, vector<16xi32>,
    %max3A_269 = arith.maxsi %max3A_263, %get3A_268 : vector<16xi32>
    %get3A_270 = arith.constant 272 : index
    %get3A_271 = tpu.vector_load %arg14[%get3A_270] {strides = array<i32>} : memref<512xi32, #tpu.memory_space<vmem>>, vector<16xi32>,
    %max3A_272 = arith.maxsi %max3A_266, %get3A_271 : vector<16xi32>
    %get3A_273 = arith.constant 288 : index
    %get3A_274 = tpu.vector_load %arg14[%get3A_273] {strides = array<i32>} : memref<512xi32, #tpu.memory_space<vmem>>, vector<16xi32>,
    %max3A_275 = arith.maxsi %max3A_269, %get3A_274 : vector<16xi32>
    %get3A_276 = arith.constant 304 : index
    %get3A_277 = tpu.vector_load %arg14[%get3A_276] {strides = array<i32>} : memref<512xi32, #tpu.memory_space<vmem>>, vector<16xi32>,
    %max3A_278 = arith.maxsi %max3A_272, %get3A_277 : vector<16xi32>
    %get3A_279 = arith.constant 320 : index
    %get3A_280 = tpu.vector_load %arg14[%get3A_279] {strides = array<i32>} : memref<512xi32, #tpu.memory_space<vmem>>, vector<16xi32>,
    %max3A_281 = arith.maxsi %max3A_275, %get3A_280 : vector<16xi32>
    %get3A_282 = arith.constant 336 : index
    %get3A_283 = tpu.vector_load %arg14[%get3A_282] {strides = array<i32>} : memref<512xi32, #tpu.memory_space<vmem>>, vector<16xi32>,
    %max3A_284 = arith.maxsi %max3A_278, %get3A_283 : vector<16xi32>
    %get3A_285 = arith.constant 352 : index
    %get3A_286 = tpu.vector_load %arg14[%get3A_285] {strides = array<i32>} : memref<512xi32, #tpu.memory_space<vmem>>, vector<16xi32>,
    %max3A_287 = arith.maxsi %max3A_281, %get3A_286 : vector<16xi32>
    %get3A_288 = arith.constant 368 : index
    %get3A_289 = tpu.vector_load %arg14[%get3A_288] {strides = array<i32>} : memref<512xi32, #tpu.memory_space<vmem>>, vector<16xi32>,
    %max3A_290 = arith.maxsi %max3A_284, %get3A_289 : vector<16xi32>
    %get3A_291 = arith.constant 384 : index
    %get3A_292 = tpu.vector_load %arg14[%get3A_291] {strides = array<i32>} : memref<512xi32, #tpu.memory_space<vmem>>, vector<16xi32>,
    %max3A_293 = arith.maxsi %max3A_287, %get3A_292 : vector<16xi32>
    %get3A_294 = arith.constant 400 : index
    %get3A_295 = tpu.vector_load %arg14[%get3A_294] {strides = array<i32>} : memref<512xi32, #tpu.memory_space<vmem>>, vector<16xi32>,
    %max3A_296 = arith.maxsi %max3A_290, %get3A_295 : vector<16xi32>
    %get3A_297 = arith.constant 416 : index
    %get3A_298 = tpu.vector_load %arg14[%get3A_297] {strides = array<i32>} : memref<512xi32, #tpu.memory_space<vmem>>, vector<16xi32>,
    %max3A_299 = arith.maxsi %max3A_293, %get3A_298 : vector<16xi32>
    %get3A_300 = arith.constant 432 : index
    %get3A_301 = tpu.vector_load %arg14[%get3A_300] {strides = array<i32>} : memref<512xi32, #tpu.memory_space<vmem>>, vector<16xi32>,
    %max3A_302 = arith.maxsi %max3A_296, %get3A_301 : vector<16xi32>
    %get3A_303 = arith.constant 448 : index
    %get3A_304 = tpu.vector_load %arg14[%get3A_303] {strides = array<i32>} : memref<512xi32, #tpu.memory_space<vmem>>, vector<16xi32>,
    %max3A_305 = arith.maxsi %max3A_299, %get3A_304 : vector<16xi32>
    %get3A_306 = arith.constant 464 : index
    %get3A_307 = tpu.vector_load %arg14[%get3A_306] {strides = array<i32>} : memref<512xi32, #tpu.memory_space<vmem>>, vector<16xi32>,
    %max3A_308 = arith.maxsi %max3A_302, %get3A_307 : vector<16xi32>
    %get3A_309 = arith.constant 480 : index
    %get3A_310 = tpu.vector_load %arg14[%get3A_309] {strides = array<i32>} : memref<512xi32, #tpu.memory_space<vmem>>, vector<16xi32>,
    %max3A_311 = arith.maxsi %max3A_305, %get3A_310 : vector<16xi32>
    %get3A_312 = arith.constant 496 : index
    %get3A_313 = tpu.vector_load %arg14[%get3A_312] {strides = array<i32>} : memref<512xi32, #tpu.memory_space<vmem>>, vector<16xi32>,
    %max3A_314 = arith.maxsi %max3A_308, %get3A_313 : vector<16xi32>
    %broadcast_in_dim3A_315 = arith.constant 0 : i32
    %broadcast_in_dim3A_316 = vector.broadcast %broadcast_in_dim3A_315 : i32 to vector<16xi32>
    %max3A_317 = arith.maxsi %max3A_311, %broadcast_in_dim3A_316 : vector<16xi32>
    %max3A_318 = arith.maxsi %max3A_314, %broadcast_in_dim3A_316 : vector<16xi32>
    %add3A_319 = arith.constant 1024 : i32
    %add3A_320 = arith.addi %add3A_319, %add3A : i32
    %broadcast_in_dim3A_321 = vector.broadcast %add3A_320 : i32 to vector<16xi32>
    %broadcast_in_dim3A_322 = vector.broadcast %mul3A_188 : i32 to vector<16xi32>
    %add3A_323 = arith.addi %broadcast_in_dim3A_322, %iota3A : vector<16xi32>
    %add3A_324 = arith.constant 16 : i32
    %add3A_325 = arith.addi %mul3A_188, %add3A_324 : i32
    %broadcast_in_dim3A_326 = vector.broadcast %add3A_325 : i32 to vector<16xi32>
    %add3A_327 = arith.addi %broadcast_in_dim3A_326, %iota3A : vector<16xi32>
    %ge3A = arith.constant 0 : i32
    %ge3A_328 = vector.broadcast %ge3A : i32 to vector<16xi32>
    %ge3A_329 = arith.cmpi sge, %max3A_311, %ge3A_328 : vector<16xi32>
    %select_n3A = arith.select %ge3A_329, %add3A_323, %broadcast_in_dim3A_321 : vector<16xi1>, vector<16xi32>
    %ge3A_330 = arith.constant 0 : i32
    %ge3A_331 = vector.broadcast %ge3A_330 : i32 to vector<16xi32>
    %ge3A_332 = arith.cmpi sge, %max3A_314, %ge3A_331 : vector<16xi32>
    %select_n3A_333 = arith.select %ge3A_332, %add3A_327, %broadcast_in_dim3A_321 : vector<16xi1>, vector<16xi32>
    %swap3A_334 = arith.constant 0 : index
    %swap3A_335 = tpu.vector_load %arg15[%swap3A_334] {strides = array<i32>} : memref<32xi32, #tpu.memory_space<vmem>>, vector<16xi32>,
    tpu.vector_store %arg15[%swap3A_334], %max3A_317 {strides = array<i32>} : memref<32xi32, #tpu.memory_space<vmem>>, vector<16xi32>,
    %swap3A_336 = arith.constant 16 : index
    %swap3A_337 = tpu.vector_load %arg15[%swap3A_336] {strides = array<i32>} : memref<32xi32, #tpu.memory_space<vmem>>, vector<16xi32>,
    tpu.vector_store %arg15[%swap3A_336], %max3A_318 {strides = array<i32>} : memref<32xi32, #tpu.memory_space<vmem>>, vector<16xi32>,
    %swap3A_338 = arith.constant 0 : index
    %swap3A_339 = tpu.vector_load %arg16[%swap3A_338] {strides = array<i32>} : memref<32xi32, #tpu.memory_space<vmem>>, vector<16xi32>,
    tpu.vector_store %arg16[%swap3A_338], %select_n3A {strides = array<i32>} : memref<32xi32, #tpu.memory_space<vmem>>, vector<16xi32>,
    %swap3A_340 = arith.constant 16 : index
    %swap3A_341 = tpu.vector_load %arg16[%swap3A_340] {strides = array<i32>} : memref<32xi32, #tpu.memory_space<vmem>>, vector<16xi32>,
    tpu.vector_store %arg16[%swap3A_340], %select_n3A_333 {strides = array<i32>} : memref<32xi32, #tpu.memory_space<vmem>>, vector<16xi32>,
    "tpu.region"() ({
      %run_scoped3A_601 = tpu.sem_alloc : memref<!tpu.dma_semaphore, #tpu.memory_space<semaphore_mem>>
      %dma_start3A_602 = arith.constant 0 : i32
      %dma_start3A_603 = tpu.memref_slice %arg2[%mul3A_188, %dma_start3A_602] : memref<1024x512xf32, #tpu.memory_space<hbm>> -> memref<32x512xf32, #tpu.memory_space<hbm>>
      %dma_start3A_604 = arith.constant 0 : i32
      %dma_start3A_605 = tpu.memref_slice %arg2[%mul3A_188, %dma_start3A_604] : memref<1024x512xf32, #tpu.memory_space<hbm>> -> memref<32x512xf32, #tpu.memory_space<hbm>>
      tpu.enqueue_dma source(%dma_start3A_605 : memref<32x512xf32, #tpu.memory_space<hbm>>) target(%arg17 : memref<32x512xf32, #tpu.memory_space<vmem>>) target_semaphore(%run_scoped3A_601 : memref<!tpu.dma_semaphore, #tpu.memory_space<semaphore_mem>>)
      %dma_wait3A_606 = arith.constant 0 : i32
      %dma_wait3A_607 = tpu.memref_slice %arg2[%mul3A_188, %dma_wait3A_606] : memref<1024x512xf32, #tpu.memory_space<hbm>> -> memref<32x512xf32, #tpu.memory_space<hbm>>
      %dma_wait3A_608 = arith.constant 0 : i32
      %dma_wait3A_609 = tpu.memref_slice %arg2[%mul3A_188, %dma_wait3A_608] : memref<1024x512xf32, #tpu.memory_space<hbm>> -> memref<32x512xf32, #tpu.memory_space<hbm>>
      tpu.wait_dma2 semaphore(%run_scoped3A_601 : memref<!tpu.dma_semaphore, #tpu.memory_space<semaphore_mem>>) src(%dma_wait3A_609 : memref<32x512xf32, #tpu.memory_space<hbm>>) dst(%arg17 : memref<32x512xf32, #tpu.memory_space<vmem>>)
      tpu.yield
    }) : () -> ()
    "tpu.region"() ({
      %run_scoped3A_601 = tpu.sem_alloc : memref<!tpu.dma_semaphore, #tpu.memory_space<semaphore_mem>>
      %dma_start3A_602 = arith.constant 0 : i32
      %dma_start3A_603 = tpu.memref_slice %arg10[%mul3A_188, %dma_start3A_602] : memref<1056x512xf32, #tpu.memory_space<hbm>> -> memref<32x512xf32, #tpu.memory_space<hbm>>
      %dma_start3A_604 = arith.constant 0 : i32
      %dma_start3A_605 = tpu.memref_slice %arg10[%mul3A_188, %dma_start3A_604] : memref<1056x512xf32, #tpu.memory_space<hbm>> -> memref<32x512xf32, #tpu.memory_space<hbm>>
      tpu.enqueue_dma source(%arg17 : memref<32x512xf32, #tpu.memory_space<vmem>>) target(%dma_start3A_605 : memref<32x512xf32, #tpu.memory_space<hbm>>) target_semaphore(%run_scoped3A_601 : memref<!tpu.dma_semaphore, #tpu.memory_space<semaphore_mem>>)
      %dma_wait3A_606 = arith.constant 0 : i32
      %dma_wait3A_607 = tpu.memref_slice %arg10[%mul3A_188, %dma_wait3A_606] : memref<1056x512xf32, #tpu.memory_space<hbm>> -> memref<32x512xf32, #tpu.memory_space<hbm>>
      %dma_wait3A_608 = arith.constant 0 : i32
      %dma_wait3A_609 = tpu.memref_slice %arg10[%mul3A_188, %dma_wait3A_608] : memref<1056x512xf32, #tpu.memory_space<hbm>> -> memref<32x512xf32, #tpu.memory_space<hbm>>
      tpu.wait_dma2 semaphore(%run_scoped3A_601 : memref<!tpu.dma_semaphore, #tpu.memory_space<semaphore_mem>>) src(%arg17 : memref<32x512xf32, #tpu.memory_space<vmem>>) dst(%dma_wait3A_609 : memref<32x512xf32, #tpu.memory_space<hbm>>)
      tpu.yield
    }) : () -> ()
    %dma_start3A = arith.constant 0 : i32
    %dma_start3A_342 = arith.constant 0 : i32
    %dma_start3A_343 = tpu.memref_slice %arg4[%dma_start3A, %dma_start3A_342] : memref<16384x512xf32, #tpu.memory_space<hbm>> -> memref<16384x512xf32, #tpu.memory_space<hbm>>
    tpu.enqueue_indirect_dma source(%dma_start3A_343 : memref<16384x512xf32, #tpu.memory_space<hbm>>) target(%arg18 : memref<32x512xf32, #tpu.memory_space<vmem>>) offsets(%arg15 : memref<32xi32, #tpu.memory_space<vmem>>) semaphore(%arg25 : memref<!tpu.dma_semaphore, #tpu.memory_space<semaphore_mem>>)
    %dma_wait3A = arith.constant 0 : i32
    %dma_wait3A_344 = arith.constant 0 : i32
    %dma_wait3A_345 = tpu.memref_slice %arg4[%dma_wait3A, %dma_wait3A_344] : memref<16384x512xf32, #tpu.memory_space<hbm>> -> memref<16384x512xf32, #tpu.memory_space<hbm>>
    tpu.wait_indirect_dma semaphore(%arg25 : memref<!tpu.dma_semaphore, #tpu.memory_space<semaphore_mem>>) src(%dma_wait3A_345 : memref<16384x512xf32, #tpu.memory_space<hbm>>) dst(%arg18 : memref<32x512xf32, #tpu.memory_space<vmem>>)
    %dma_start3A_346 = arith.constant 0 : i32
    %dma_start3A_347 = arith.constant 0 : i32
    %dma_start3A_348 = tpu.memref_slice %arg10[%dma_start3A_346, %dma_start3A_347] : memref<1056x512xf32, #tpu.memory_space<hbm>> -> memref<1056x512xf32, #tpu.memory_space<hbm>>
    tpu.enqueue_indirect_dma source(%arg18 : memref<32x512xf32, #tpu.memory_space<vmem>>) target(%dma_start3A_348 : memref<1056x512xf32, #tpu.memory_space<hbm>>) offsets(%arg16 : memref<32xi32, #tpu.memory_space<vmem>>) semaphore(%arg25 : memref<!tpu.dma_semaphore, #tpu.memory_space<semaphore_mem>>)
    %dma_wait3A_349 = arith.constant 0 : i32
    %dma_wait3A_350 = arith.constant 0 : i32
    %dma_wait3A_351 = tpu.memref_slice %arg10[%dma_wait3A_349, %dma_wait3A_350] : memref<1056x512xf32, #tpu.memory_space<hbm>> -> memref<1056x512xf32, #tpu.memory_space<hbm>>
    tpu.wait_indirect_dma semaphore(%arg25 : memref<!tpu.dma_semaphore, #tpu.memory_space<semaphore_mem>>) src(%arg18 : memref<32x512xf32, #tpu.memory_space<vmem>>) dst(%dma_wait3A_351 : memref<1056x512xf32, #tpu.memory_space<hbm>>)
    %mul3A_352 = arith.constant 512 : i32
    %mul3A_353 = arith.muli %add3A, %mul3A_352 : i32
    "tpu.region"() ({
      %run_scoped3A_601 = tpu.sem_alloc : memref<!tpu.dma_semaphore, #tpu.memory_space<semaphore_mem>>
      %dma_start3A_602 = tpu.memref_slice %arg5[%mul3A_353] : memref<16384xi32, #tpu.memory_space<hbm>> -> memref<512xi32, #tpu.memory_space<hbm>>
      %dma_start3A_603 = tpu.memref_slice %arg5[%mul3A_353] : memref<16384xi32, #tpu.memory_space<hbm>> -> memref<512xi32, #tpu.memory_space<hbm>>
      tpu.enqueue_dma source(%dma_start3A_603 : memref<512xi32, #tpu.memory_space<hbm>>) target(%arg19 : memref<512xi32, #tpu.memory_space<vmem>>) target_semaphore(%run_scoped3A_601 : memref<!tpu.dma_semaphore, #tpu.memory_space<semaphore_mem>>)
      %dma_wait3A_604 = tpu.memref_slice %arg5[%mul3A_353] : memref<16384xi32, #tpu.memory_space<hbm>> -> memref<512xi32, #tpu.memory_space<hbm>>
      %dma_wait3A_605 = tpu.memref_slice %arg5[%mul3A_353] : memref<16384xi32, #tpu.memory_space<hbm>> -> memref<512xi32, #tpu.memory_space<hbm>>
      tpu.wait_dma2 semaphore(%run_scoped3A_601 : memref<!tpu.dma_semaphore, #tpu.memory_space<semaphore_mem>>) src(%dma_wait3A_605 : memref<512xi32, #tpu.memory_space<hbm>>) dst(%arg19 : memref<512xi32, #tpu.memory_space<vmem>>)
      tpu.yield
    }) : () -> ()
    %dma_start3A_354 = arith.constant 0 : i32
    %dma_start3A_355 = arith.constant 0 : i32
    %dma_start3A_356 = arith.constant 0 : i32
    %dma_start3A_357 = tpu.memref_slice %arg20[%dma_start3A_354, %dma_start3A_355, %dma_start3A_356] : memref<2x64x512xf32, #tpu.memory_space<vmem>> -> memref<1x64x512xf32, #tpu.memory_space<vmem>>
    %dma_start3A_358 = tpu.memref_squeeze %dma_start3A_357 : memref<1x64x512xf32, #tpu.memory_space<vmem>> -> memref<64x512xf32, #tpu.memory_space<vmem>>
    %dma_start3A_359 = arith.constant 0 : i32
    %dma_start3A_360 = tpu.memref_slice %arg19[%dma_start3A_359] : memref<512xi32, #tpu.memory_space<vmem>> -> memref<64xi32, #tpu.memory_space<vmem>>
    %dma_start3A_361 = arith.constant 0 : i32
    %dma_start3A_362 = arith.constant 0 : i32
    %dma_start3A_363 = tpu.memref_slice %arg2[%dma_start3A_361, %dma_start3A_362] : memref<1024x512xf32, #tpu.memory_space<hbm>> -> memref<1024x512xf32, #tpu.memory_space<hbm>>
    tpu.enqueue_indirect_dma source(%dma_start3A_363 : memref<1024x512xf32, #tpu.memory_space<hbm>>) target(%dma_start3A_358 : memref<64x512xf32, #tpu.memory_space<vmem>>) offsets(%dma_start3A_360 : memref<64xi32, #tpu.memory_space<vmem>>) semaphore(%arg25 : memref<!tpu.dma_semaphore, #tpu.memory_space<semaphore_mem>>)
    %dma_wait3A_364 = arith.constant 0 : i32
    %dma_wait3A_365 = arith.constant 0 : i32
    %dma_wait3A_366 = arith.constant 0 : i32
    %dma_wait3A_367 = tpu.memref_slice %arg20[%dma_wait3A_364, %dma_wait3A_365, %dma_wait3A_366] : memref<2x64x512xf32, #tpu.memory_space<vmem>> -> memref<1x64x512xf32, #tpu.memory_space<vmem>>
    %dma_wait3A_368 = tpu.memref_squeeze %dma_wait3A_367 : memref<1x64x512xf32, #tpu.memory_space<vmem>> -> memref<64x512xf32, #tpu.memory_space<vmem>>
    %dma_wait3A_369 = arith.constant 0 : i32
    %dma_wait3A_370 = tpu.memref_slice %arg19[%dma_wait3A_369] : memref<512xi32, #tpu.memory_space<vmem>> -> memref<64xi32, #tpu.memory_space<vmem>>
    %dma_wait3A_371 = arith.constant 0 : i32
    %dma_wait3A_372 = arith.constant 0 : i32
    %dma_wait3A_373 = tpu.memref_slice %arg2[%dma_wait3A_371, %dma_wait3A_372] : memref<1024x512xf32, #tpu.memory_space<hbm>> -> memref<1024x512xf32, #tpu.memory_space<hbm>>
    tpu.wait_indirect_dma semaphore(%arg25 : memref<!tpu.dma_semaphore, #tpu.memory_space<semaphore_mem>>) src(%dma_wait3A_373 : memref<1024x512xf32, #tpu.memory_space<hbm>>) dst(%dma_wait3A_368 : memref<64x512xf32, #tpu.memory_space<vmem>>)
    %dma_start3A_374 = arith.constant 1 : i32
    %dma_start3A_375 = arith.constant 0 : i32
    %dma_start3A_376 = arith.constant 0 : i32
    %dma_start3A_377 = tpu.memref_slice %arg20[%dma_start3A_374, %dma_start3A_375, %dma_start3A_376] : memref<2x64x512xf32, #tpu.memory_space<vmem>> -> memref<1x64x512xf32, #tpu.memory_space<vmem>>
    %dma_start3A_378 = tpu.memref_squeeze %dma_start3A_377 : memref<1x64x512xf32, #tpu.memory_space<vmem>> -> memref<64x512xf32, #tpu.memory_space<vmem>>
    %dma_start3A_379 = arith.constant 64 : i32
    %dma_start3A_380 = tpu.memref_slice %arg19[%dma_start3A_379] : memref<512xi32, #tpu.memory_space<vmem>> -> memref<64xi32, #tpu.memory_space<vmem>>
    %dma_start3A_381 = arith.constant 0 : i32
    %dma_start3A_382 = arith.constant 0 : i32
    %dma_start3A_383 = tpu.memref_slice %arg2[%dma_start3A_381, %dma_start3A_382] : memref<1024x512xf32, #tpu.memory_space<hbm>> -> memref<1024x512xf32, #tpu.memory_space<hbm>>
    tpu.enqueue_indirect_dma source(%dma_start3A_383 : memref<1024x512xf32, #tpu.memory_space<hbm>>) target(%dma_start3A_378 : memref<64x512xf32, #tpu.memory_space<vmem>>) offsets(%dma_start3A_380 : memref<64xi32, #tpu.memory_space<vmem>>) semaphore(%arg26 : memref<!tpu.dma_semaphore, #tpu.memory_space<semaphore_mem>>)
    %add3A_384 = arith.constant 0 : i32
    %add3A_385 = arith.addi %mul3A_353, %add3A_384 : i32
    %run_scoped3A = arith.constant 0 : i32
    "tpu.region"() ({
      %run_scoped3A_601 = tpu.sem_alloc : memref<!tpu.dma_semaphore, #tpu.memory_space<semaphore_mem>>
      %dma_start3A_602 = arith.constant 0 : i32
      %dma_start3A_603 = arith.constant 0 : i32
      %dma_start3A_604 = tpu.memref_slice %arg20[%run_scoped3A, %dma_start3A_602, %dma_start3A_603] : memref<2x64x512xf32, #tpu.memory_space<vmem>> -> memref<1x64x512xf32, #tpu.memory_space<vmem>>
      %dma_start3A_605 = tpu.memref_squeeze %dma_start3A_604 : memref<1x64x512xf32, #tpu.memory_space<vmem>> -> memref<64x512xf32, #tpu.memory_space<vmem>>
      %dma_start3A_606 = arith.constant 0 : i32
      %dma_start3A_607 = tpu.memref_slice %arg8[%add3A_385, %dma_start3A_606] : memref<16384x512xf32, #tpu.memory_space<hbm>> -> memref<64x512xf32, #tpu.memory_space<hbm>>
      %dma_start3A_608 = arith.constant 0 : i32
      %dma_start3A_609 = tpu.memref_slice %arg8[%add3A_385, %dma_start3A_608] : memref<16384x512xf32, #tpu.memory_space<hbm>> -> memref<64x512xf32, #tpu.memory_space<hbm>>
      %dma_start3A_610 = arith.constant 0 : i32
      %dma_start3A_611 = arith.constant 0 : i32
      %dma_start3A_612 = tpu.memref_slice %arg20[%run_scoped3A, %dma_start3A_610, %dma_start3A_611] : memref<2x64x512xf32, #tpu.memory_space<vmem>> -> memref<1x64x512xf32, #tpu.memory_space<vmem>>
      %dma_start3A_613 = tpu.memref_squeeze %dma_start3A_612 : memref<1x64x512xf32, #tpu.memory_space<vmem>> -> memref<64x512xf32, #tpu.memory_space<vmem>>
      tpu.enqueue_dma source(%dma_start3A_613 : memref<64x512xf32, #tpu.memory_space<vmem>>) target(%dma_start3A_609 : memref<64x512xf32, #tpu.memory_space<hbm>>) target_semaphore(%run_scoped3A_601 : memref<!tpu.dma_semaphore, #tpu.memory_space<semaphore_mem>>)
      %dma_wait3A_614 = arith.constant 0 : i32
      %dma_wait3A_615 = arith.constant 0 : i32
      %dma_wait3A_616 = tpu.memref_slice %arg20[%run_scoped3A, %dma_wait3A_614, %dma_wait3A_615] : memref<2x64x512xf32, #tpu.memory_space<vmem>> -> memref<1x64x512xf32, #tpu.memory_space<vmem>>
      %dma_wait3A_617 = tpu.memref_squeeze %dma_wait3A_616 : memref<1x64x512xf32, #tpu.memory_space<vmem>> -> memref<64x512xf32, #tpu.memory_space<vmem>>
      %dma_wait3A_618 = arith.constant 0 : i32
      %dma_wait3A_619 = tpu.memref_slice %arg8[%add3A_385, %dma_wait3A_618] : memref<16384x512xf32, #tpu.memory_space<hbm>> -> memref<64x512xf32, #tpu.memory_space<hbm>>
      %dma_wait3A_620 = arith.constant 0 : i32
      %dma_wait3A_621 = tpu.memref_slice %arg8[%add3A_385, %dma_wait3A_620] : memref<16384x512xf32, #tpu.memory_space<hbm>> -> memref<64x512xf32, #tpu.memory_space<hbm>>
      %dma_wait3A_622 = arith.constant 0 : i32
      %dma_wait3A_623 = arith.constant 0 : i32
      %dma_wait3A_624 = tpu.memref_slice %arg20[%run_scoped3A, %dma_wait3A_622, %dma_wait3A_623] : memref<2x64x512xf32, #tpu.memory_space<vmem>> -> memref<1x64x512xf32, #tpu.memory_space<vmem>>
      %dma_wait3A_625 = tpu.memref_squeeze %dma_wait3A_624 : memref<1x64x512xf32, #tpu.memory_space<vmem>> -> memref<64x512xf32, #tpu.memory_space<vmem>>
      tpu.wait_dma2 semaphore(%run_scoped3A_601 : memref<!tpu.dma_semaphore, #tpu.memory_space<semaphore_mem>>) src(%dma_wait3A_625 : memref<64x512xf32, #tpu.memory_space<vmem>>) dst(%dma_wait3A_621 : memref<64x512xf32, #tpu.memory_space<hbm>>)
      tpu.yield
    }) : () -> ()
    %dma_wait3A_386 = arith.constant 1 : i32
    %dma_wait3A_387 = arith.constant 0 : i32
    %dma_wait3A_388 = arith.constant 0 : i32
    %dma_wait3A_389 = tpu.memref_slice %arg20[%dma_wait3A_386, %dma_wait3A_387, %dma_wait3A_388] : memref<2x64x512xf32, #tpu.memory_space<vmem>> -> memref<1x64x512xf32, #tpu.memory_space<vmem>>
    %dma_wait3A_390 = tpu.memref_squeeze %dma_wait3A_389 : memref<1x64x512xf32, #tpu.memory_space<vmem>> -> memref<64x512xf32, #tpu.memory_space<vmem>>
    %dma_wait3A_391 = arith.constant 64 : i32
    %dma_wait3A_392 = tpu.memref_slice %arg19[%dma_wait3A_391] : memref<512xi32, #tpu.memory_space<vmem>> -> memref<64xi32, #tpu.memory_space<vmem>>
    %dma_wait3A_393 = arith.constant 0 : i32
    %dma_wait3A_394 = arith.constant 0 : i32
    %dma_wait3A_395 = tpu.memref_slice %arg2[%dma_wait3A_393, %dma_wait3A_394] : memref<1024x512xf32, #tpu.memory_space<hbm>> -> memref<1024x512xf32, #tpu.memory_space<hbm>>
    tpu.wait_indirect_dma semaphore(%arg26 : memref<!tpu.dma_semaphore, #tpu.memory_space<semaphore_mem>>) src(%dma_wait3A_395 : memref<1024x512xf32, #tpu.memory_space<hbm>>) dst(%dma_wait3A_390 : memref<64x512xf32, #tpu.memory_space<vmem>>)
    %dma_start3A_396 = arith.constant 0 : i32
    %dma_start3A_397 = arith.constant 0 : i32
    %dma_start3A_398 = arith.constant 0 : i32
    %dma_start3A_399 = tpu.memref_slice %arg20[%dma_start3A_396, %dma_start3A_397, %dma_start3A_398] : memref<2x64x512xf32, #tpu.memory_space<vmem>> -> memref<1x64x512xf32, #tpu.memory_space<vmem>>
    %dma_start3A_400 = tpu.memref_squeeze %dma_start3A_399 : memref<1x64x512xf32, #tpu.memory_space<vmem>> -> memref<64x512xf32, #tpu.memory_space<vmem>>
    %dma_start3A_401 = arith.constant 128 : i32
    %dma_start3A_402 = tpu.memref_slice %arg19[%dma_start3A_401] : memref<512xi32, #tpu.memory_space<vmem>> -> memref<64xi32, #tpu.memory_space<vmem>>
    %dma_start3A_403 = arith.constant 0 : i32
    %dma_start3A_404 = arith.constant 0 : i32
    %dma_start3A_405 = tpu.memref_slice %arg2[%dma_start3A_403, %dma_start3A_404] : memref<1024x512xf32, #tpu.memory_space<hbm>> -> memref<1024x512xf32, #tpu.memory_space<hbm>>
    tpu.enqueue_indirect_dma source(%dma_start3A_405 : memref<1024x512xf32, #tpu.memory_space<hbm>>) target(%dma_start3A_400 : memref<64x512xf32, #tpu.memory_space<vmem>>) offsets(%dma_start3A_402 : memref<64xi32, #tpu.memory_space<vmem>>) semaphore(%arg25 : memref<!tpu.dma_semaphore, #tpu.memory_space<semaphore_mem>>)
    %add3A_406 = arith.constant 64 : i32
    %add3A_407 = arith.addi %mul3A_353, %add3A_406 : i32
    %run_scoped3A_408 = arith.constant 1 : i32
    "tpu.region"() ({
      %run_scoped3A_601 = tpu.sem_alloc : memref<!tpu.dma_semaphore, #tpu.memory_space<semaphore_mem>>
      %dma_start3A_602 = arith.constant 0 : i32
      %dma_start3A_603 = arith.constant 0 : i32
      %dma_start3A_604 = tpu.memref_slice %arg20[%run_scoped3A_408, %dma_start3A_602, %dma_start3A_603] : memref<2x64x512xf32, #tpu.memory_space<vmem>> -> memref<1x64x512xf32, #tpu.memory_space<vmem>>
      %dma_start3A_605 = tpu.memref_squeeze %dma_start3A_604 : memref<1x64x512xf32, #tpu.memory_space<vmem>> -> memref<64x512xf32, #tpu.memory_space<vmem>>
      %dma_start3A_606 = arith.constant 0 : i32
      %dma_start3A_607 = tpu.memref_slice %arg8[%add3A_407, %dma_start3A_606] : memref<16384x512xf32, #tpu.memory_space<hbm>> -> memref<64x512xf32, #tpu.memory_space<hbm>>
      %dma_start3A_608 = arith.constant 0 : i32
      %dma_start3A_609 = tpu.memref_slice %arg8[%add3A_407, %dma_start3A_608] : memref<16384x512xf32, #tpu.memory_space<hbm>> -> memref<64x512xf32, #tpu.memory_space<hbm>>
      %dma_start3A_610 = arith.constant 0 : i32
      %dma_start3A_611 = arith.constant 0 : i32
      %dma_start3A_612 = tpu.memref_slice %arg20[%run_scoped3A_408, %dma_start3A_610, %dma_start3A_611] : memref<2x64x512xf32, #tpu.memory_space<vmem>> -> memref<1x64x512xf32, #tpu.memory_space<vmem>>
      %dma_start3A_613 = tpu.memref_squeeze %dma_start3A_612 : memref<1x64x512xf32, #tpu.memory_space<vmem>> -> memref<64x512xf32, #tpu.memory_space<vmem>>
      tpu.enqueue_dma source(%dma_start3A_613 : memref<64x512xf32, #tpu.memory_space<vmem>>) target(%dma_start3A_609 : memref<64x512xf32, #tpu.memory_space<hbm>>) target_semaphore(%run_scoped3A_601 : memref<!tpu.dma_semaphore, #tpu.memory_space<semaphore_mem>>)
      %dma_wait3A_614 = arith.constant 0 : i32
      %dma_wait3A_615 = arith.constant 0 : i32
      %dma_wait3A_616 = tpu.memref_slice %arg20[%run_scoped3A_408, %dma_wait3A_614, %dma_wait3A_615] : memref<2x64x512xf32, #tpu.memory_space<vmem>> -> memref<1x64x512xf32, #tpu.memory_space<vmem>>
      %dma_wait3A_617 = tpu.memref_squeeze %dma_wait3A_616 : memref<1x64x512xf32, #tpu.memory_space<vmem>> -> memref<64x512xf32, #tpu.memory_space<vmem>>
      %dma_wait3A_618 = arith.constant 0 : i32
      %dma_wait3A_619 = tpu.memref_slice %arg8[%add3A_407, %dma_wait3A_618] : memref<16384x512xf32, #tpu.memory_space<hbm>> -> memref<64x512xf32, #tpu.memory_space<hbm>>
      %dma_wait3A_620 = arith.constant 0 : i32
      %dma_wait3A_621 = tpu.memref_slice %arg8[%add3A_407, %dma_wait3A_620] : memref<16384x512xf32, #tpu.memory_space<hbm>> -> memref<64x512xf32, #tpu.memory_space<hbm>>
      %dma_wait3A_622 = arith.constant 0 : i32
      %dma_wait3A_623 = arith.constant 0 : i32
      %dma_wait3A_624 = tpu.memref_slice %arg20[%run_scoped3A_408, %dma_wait3A_622, %dma_wait3A_623] : memref<2x64x512xf32, #tpu.memory_space<vmem>> -> memref<1x64x512xf32, #tpu.memory_space<vmem>>
      %dma_wait3A_625 = tpu.memref_squeeze %dma_wait3A_624 : memref<1x64x512xf32, #tpu.memory_space<vmem>> -> memref<64x512xf32, #tpu.memory_space<vmem>>
      tpu.wait_dma2 semaphore(%run_scoped3A_601 : memref<!tpu.dma_semaphore, #tpu.memory_space<semaphore_mem>>) src(%dma_wait3A_625 : memref<64x512xf32, #tpu.memory_space<vmem>>) dst(%dma_wait3A_621 : memref<64x512xf32, #tpu.memory_space<hbm>>)
      tpu.yield
    }) : () -> ()
    %dma_wait3A_409 = arith.constant 0 : i32
    %dma_wait3A_410 = arith.constant 0 : i32
    %dma_wait3A_411 = arith.constant 0 : i32
    %dma_wait3A_412 = tpu.memref_slice %arg20[%dma_wait3A_409, %dma_wait3A_410, %dma_wait3A_411] : memref<2x64x512xf32, #tpu.memory_space<vmem>> -> memref<1x64x512xf32, #tpu.memory_space<vmem>>
    %dma_wait3A_413 = tpu.memref_squeeze %dma_wait3A_412 : memref<1x64x512xf32, #tpu.memory_space<vmem>> -> memref<64x512xf32, #tpu.memory_space<vmem>>
    %dma_wait3A_414 = arith.constant 128 : i32
    %dma_wait3A_415 = tpu.memref_slice %arg19[%dma_wait3A_414] : memref<512xi32, #tpu.memory_space<vmem>> -> memref<64xi32, #tpu.memory_space<vmem>>
    %dma_wait3A_416 = arith.constant 0 : i32
    %dma_wait3A_417 = arith.constant 0 : i32
    %dma_wait3A_418 = tpu.memref_slice %arg2[%dma_wait3A_416, %dma_wait3A_417] : memref<1024x512xf32, #tpu.memory_space<hbm>> -> memref<1024x512xf32, #tpu.memory_space<hbm>>
    tpu.wait_indirect_dma semaphore(%arg25 : memref<!tpu.dma_semaphore, #tpu.memory_space<semaphore_mem>>) src(%dma_wait3A_418 : memref<1024x512xf32, #tpu.memory_space<hbm>>) dst(%dma_wait3A_413 : memref<64x512xf32, #tpu.memory_space<vmem>>)
    %dma_start3A_419 = arith.constant 1 : i32
    %dma_start3A_420 = arith.constant 0 : i32
    %dma_start3A_421 = arith.constant 0 : i32
    %dma_start3A_422 = tpu.memref_slice %arg20[%dma_start3A_419, %dma_start3A_420, %dma_start3A_421] : memref<2x64x512xf32, #tpu.memory_space<vmem>> -> memref<1x64x512xf32, #tpu.memory_space<vmem>>
    %dma_start3A_423 = tpu.memref_squeeze %dma_start3A_422 : memref<1x64x512xf32, #tpu.memory_space<vmem>> -> memref<64x512xf32, #tpu.memory_space<vmem>>
    %dma_start3A_424 = arith.constant 192 : i32
    %dma_start3A_425 = tpu.memref_slice %arg19[%dma_start3A_424] : memref<512xi32, #tpu.memory_space<vmem>> -> memref<64xi32, #tpu.memory_space<vmem>>
    %dma_start3A_426 = arith.constant 0 : i32
    %dma_start3A_427 = arith.constant 0 : i32
    %dma_start3A_428 = tpu.memref_slice %arg2[%dma_start3A_426, %dma_start3A_427] : memref<1024x512xf32, #tpu.memory_space<hbm>> -> memref<1024x512xf32, #tpu.memory_space<hbm>>
    tpu.enqueue_indirect_dma source(%dma_start3A_428 : memref<1024x512xf32, #tpu.memory_space<hbm>>) target(%dma_start3A_423 : memref<64x512xf32, #tpu.memory_space<vmem>>) offsets(%dma_start3A_425 : memref<64xi32, #tpu.memory_space<vmem>>) semaphore(%arg26 : memref<!tpu.dma_semaphore, #tpu.memory_space<semaphore_mem>>)
    %add3A_429 = arith.constant 128 : i32
    %add3A_430 = arith.addi %mul3A_353, %add3A_429 : i32
    %run_scoped3A_431 = arith.constant 0 : i32
    "tpu.region"() ({
      %run_scoped3A_601 = tpu.sem_alloc : memref<!tpu.dma_semaphore, #tpu.memory_space<semaphore_mem>>
      %dma_start3A_602 = arith.constant 0 : i32
      %dma_start3A_603 = arith.constant 0 : i32
      %dma_start3A_604 = tpu.memref_slice %arg20[%run_scoped3A_431, %dma_start3A_602, %dma_start3A_603] : memref<2x64x512xf32, #tpu.memory_space<vmem>> -> memref<1x64x512xf32, #tpu.memory_space<vmem>>
      %dma_start3A_605 = tpu.memref_squeeze %dma_start3A_604 : memref<1x64x512xf32, #tpu.memory_space<vmem>> -> memref<64x512xf32, #tpu.memory_space<vmem>>
      %dma_start3A_606 = arith.constant 0 : i32
      %dma_start3A_607 = tpu.memref_slice %arg8[%add3A_430, %dma_start3A_606] : memref<16384x512xf32, #tpu.memory_space<hbm>> -> memref<64x512xf32, #tpu.memory_space<hbm>>
      %dma_start3A_608 = arith.constant 0 : i32
      %dma_start3A_609 = tpu.memref_slice %arg8[%add3A_430, %dma_start3A_608] : memref<16384x512xf32, #tpu.memory_space<hbm>> -> memref<64x512xf32, #tpu.memory_space<hbm>>
      %dma_start3A_610 = arith.constant 0 : i32
      %dma_start3A_611 = arith.constant 0 : i32
      %dma_start3A_612 = tpu.memref_slice %arg20[%run_scoped3A_431, %dma_start3A_610, %dma_start3A_611] : memref<2x64x512xf32, #tpu.memory_space<vmem>> -> memref<1x64x512xf32, #tpu.memory_space<vmem>>
      %dma_start3A_613 = tpu.memref_squeeze %dma_start3A_612 : memref<1x64x512xf32, #tpu.memory_space<vmem>> -> memref<64x512xf32, #tpu.memory_space<vmem>>
      tpu.enqueue_dma source(%dma_start3A_613 : memref<64x512xf32, #tpu.memory_space<vmem>>) target(%dma_start3A_609 : memref<64x512xf32, #tpu.memory_space<hbm>>) target_semaphore(%run_scoped3A_601 : memref<!tpu.dma_semaphore, #tpu.memory_space<semaphore_mem>>)
      %dma_wait3A_614 = arith.constant 0 : i32
      %dma_wait3A_615 = arith.constant 0 : i32
      %dma_wait3A_616 = tpu.memref_slice %arg20[%run_scoped3A_431, %dma_wait3A_614, %dma_wait3A_615] : memref<2x64x512xf32, #tpu.memory_space<vmem>> -> memref<1x64x512xf32, #tpu.memory_space<vmem>>
      %dma_wait3A_617 = tpu.memref_squeeze %dma_wait3A_616 : memref<1x64x512xf32, #tpu.memory_space<vmem>> -> memref<64x512xf32, #tpu.memory_space<vmem>>
      %dma_wait3A_618 = arith.constant 0 : i32
      %dma_wait3A_619 = tpu.memref_slice %arg8[%add3A_430, %dma_wait3A_618] : memref<16384x512xf32, #tpu.memory_space<hbm>> -> memref<64x512xf32, #tpu.memory_space<hbm>>
      %dma_wait3A_620 = arith.constant 0 : i32
      %dma_wait3A_621 = tpu.memref_slice %arg8[%add3A_430, %dma_wait3A_620] : memref<16384x512xf32, #tpu.memory_space<hbm>> -> memref<64x512xf32, #tpu.memory_space<hbm>>
      %dma_wait3A_622 = arith.constant 0 : i32
      %dma_wait3A_623 = arith.constant 0 : i32
      %dma_wait3A_624 = tpu.memref_slice %arg20[%run_scoped3A_431, %dma_wait3A_622, %dma_wait3A_623] : memref<2x64x512xf32, #tpu.memory_space<vmem>> -> memref<1x64x512xf32, #tpu.memory_space<vmem>>
      %dma_wait3A_625 = tpu.memref_squeeze %dma_wait3A_624 : memref<1x64x512xf32, #tpu.memory_space<vmem>> -> memref<64x512xf32, #tpu.memory_space<vmem>>
      tpu.wait_dma2 semaphore(%run_scoped3A_601 : memref<!tpu.dma_semaphore, #tpu.memory_space<semaphore_mem>>) src(%dma_wait3A_625 : memref<64x512xf32, #tpu.memory_space<vmem>>) dst(%dma_wait3A_621 : memref<64x512xf32, #tpu.memory_space<hbm>>)
      tpu.yield
    }) : () -> ()
    %dma_wait3A_432 = arith.constant 1 : i32
    %dma_wait3A_433 = arith.constant 0 : i32
    %dma_wait3A_434 = arith.constant 0 : i32
    %dma_wait3A_435 = tpu.memref_slice %arg20[%dma_wait3A_432, %dma_wait3A_433, %dma_wait3A_434] : memref<2x64x512xf32, #tpu.memory_space<vmem>> -> memref<1x64x512xf32, #tpu.memory_space<vmem>>
    %dma_wait3A_436 = tpu.memref_squeeze %dma_wait3A_435 : memref<1x64x512xf32, #tpu.memory_space<vmem>> -> memref<64x512xf32, #tpu.memory_space<vmem>>
    %dma_wait3A_437 = arith.constant 192 : i32
    %dma_wait3A_438 = tpu.memref_slice %arg19[%dma_wait3A_437] : memref<512xi32, #tpu.memory_space<vmem>> -> memref<64xi32, #tpu.memory_space<vmem>>
    %dma_wait3A_439 = arith.constant 0 : i32
    %dma_wait3A_440 = arith.constant 0 : i32
    %dma_wait3A_441 = tpu.memref_slice %arg2[%dma_wait3A_439, %dma_wait3A_440] : memref<1024x512xf32, #tpu.memory_space<hbm>> -> memref<1024x512xf32, #tpu.memory_space<hbm>>
    tpu.wait_indirect_dma semaphore(%arg26 : memref<!tpu.dma_semaphore, #tpu.memory_space<semaphore_mem>>) src(%dma_wait3A_441 : memref<1024x512xf32, #tpu.memory_space<hbm>>) dst(%dma_wait3A_436 : memref<64x512xf32, #tpu.memory_space<vmem>>)
    %dma_start3A_442 = arith.constant 0 : i32
    %dma_start3A_443 = arith.constant 0 : i32
    %dma_start3A_444 = arith.constant 0 : i32
    %dma_start3A_445 = tpu.memref_slice %arg20[%dma_start3A_442, %dma_start3A_443, %dma_start3A_444] : memref<2x64x512xf32, #tpu.memory_space<vmem>> -> memref<1x64x512xf32, #tpu.memory_space<vmem>>
    %dma_start3A_446 = tpu.memref_squeeze %dma_start3A_445 : memref<1x64x512xf32, #tpu.memory_space<vmem>> -> memref<64x512xf32, #tpu.memory_space<vmem>>
    %dma_start3A_447 = arith.constant 256 : i32
    %dma_start3A_448 = tpu.memref_slice %arg19[%dma_start3A_447] : memref<512xi32, #tpu.memory_space<vmem>> -> memref<64xi32, #tpu.memory_space<vmem>>
    %dma_start3A_449 = arith.constant 0 : i32
    %dma_start3A_450 = arith.constant 0 : i32
    %dma_start3A_451 = tpu.memref_slice %arg2[%dma_start3A_449, %dma_start3A_450] : memref<1024x512xf32, #tpu.memory_space<hbm>> -> memref<1024x512xf32, #tpu.memory_space<hbm>>
    tpu.enqueue_indirect_dma source(%dma_start3A_451 : memref<1024x512xf32, #tpu.memory_space<hbm>>) target(%dma_start3A_446 : memref<64x512xf32, #tpu.memory_space<vmem>>) offsets(%dma_start3A_448 : memref<64xi32, #tpu.memory_space<vmem>>) semaphore(%arg25 : memref<!tpu.dma_semaphore, #tpu.memory_space<semaphore_mem>>)
    %add3A_452 = arith.constant 192 : i32
    %add3A_453 = arith.addi %mul3A_353, %add3A_452 : i32
    %run_scoped3A_454 = arith.constant 1 : i32
    "tpu.region"() ({
      %run_scoped3A_601 = tpu.sem_alloc : memref<!tpu.dma_semaphore, #tpu.memory_space<semaphore_mem>>
      %dma_start3A_602 = arith.constant 0 : i32
      %dma_start3A_603 = arith.constant 0 : i32
      %dma_start3A_604 = tpu.memref_slice %arg20[%run_scoped3A_454, %dma_start3A_602, %dma_start3A_603] : memref<2x64x512xf32, #tpu.memory_space<vmem>> -> memref<1x64x512xf32, #tpu.memory_space<vmem>>
      %dma_start3A_605 = tpu.memref_squeeze %dma_start3A_604 : memref<1x64x512xf32, #tpu.memory_space<vmem>> -> memref<64x512xf32, #tpu.memory_space<vmem>>
      %dma_start3A_606 = arith.constant 0 : i32
      %dma_start3A_607 = tpu.memref_slice %arg8[%add3A_453, %dma_start3A_606] : memref<16384x512xf32, #tpu.memory_space<hbm>> -> memref<64x512xf32, #tpu.memory_space<hbm>>
      %dma_start3A_608 = arith.constant 0 : i32
      %dma_start3A_609 = tpu.memref_slice %arg8[%add3A_453, %dma_start3A_608] : memref<16384x512xf32, #tpu.memory_space<hbm>> -> memref<64x512xf32, #tpu.memory_space<hbm>>
      %dma_start3A_610 = arith.constant 0 : i32
      %dma_start3A_611 = arith.constant 0 : i32
      %dma_start3A_612 = tpu.memref_slice %arg20[%run_scoped3A_454, %dma_start3A_610, %dma_start3A_611] : memref<2x64x512xf32, #tpu.memory_space<vmem>> -> memref<1x64x512xf32, #tpu.memory_space<vmem>>
      %dma_start3A_613 = tpu.memref_squeeze %dma_start3A_612 : memref<1x64x512xf32, #tpu.memory_space<vmem>> -> memref<64x512xf32, #tpu.memory_space<vmem>>
      tpu.enqueue_dma source(%dma_start3A_613 : memref<64x512xf32, #tpu.memory_space<vmem>>) target(%dma_start3A_609 : memref<64x512xf32, #tpu.memory_space<hbm>>) target_semaphore(%run_scoped3A_601 : memref<!tpu.dma_semaphore, #tpu.memory_space<semaphore_mem>>)
      %dma_wait3A_614 = arith.constant 0 : i32
      %dma_wait3A_615 = arith.constant 0 : i32
      %dma_wait3A_616 = tpu.memref_slice %arg20[%run_scoped3A_454, %dma_wait3A_614, %dma_wait3A_615] : memref<2x64x512xf32, #tpu.memory_space<vmem>> -> memref<1x64x512xf32, #tpu.memory_space<vmem>>
      %dma_wait3A_617 = tpu.memref_squeeze %dma_wait3A_616 : memref<1x64x512xf32, #tpu.memory_space<vmem>> -> memref<64x512xf32, #tpu.memory_space<vmem>>
      %dma_wait3A_618 = arith.constant 0 : i32
      %dma_wait3A_619 = tpu.memref_slice %arg8[%add3A_453, %dma_wait3A_618] : memref<16384x512xf32, #tpu.memory_space<hbm>> -> memref<64x512xf32, #tpu.memory_space<hbm>>
      %dma_wait3A_620 = arith.constant 0 : i32
      %dma_wait3A_621 = tpu.memref_slice %arg8[%add3A_453, %dma_wait3A_620] : memref<16384x512xf32, #tpu.memory_space<hbm>> -> memref<64x512xf32, #tpu.memory_space<hbm>>
      %dma_wait3A_622 = arith.constant 0 : i32
      %dma_wait3A_623 = arith.constant 0 : i32
      %dma_wait3A_624 = tpu.memref_slice %arg20[%run_scoped3A_454, %dma_wait3A_622, %dma_wait3A_623] : memref<2x64x512xf32, #tpu.memory_space<vmem>> -> memref<1x64x512xf32, #tpu.memory_space<vmem>>
      %dma_wait3A_625 = tpu.memref_squeeze %dma_wait3A_624 : memref<1x64x512xf32, #tpu.memory_space<vmem>> -> memref<64x512xf32, #tpu.memory_space<vmem>>
      tpu.wait_dma2 semaphore(%run_scoped3A_601 : memref<!tpu.dma_semaphore, #tpu.memory_space<semaphore_mem>>) src(%dma_wait3A_625 : memref<64x512xf32, #tpu.memory_space<vmem>>) dst(%dma_wait3A_621 : memref<64x512xf32, #tpu.memory_space<hbm>>)
      tpu.yield
    }) : () -> ()
    %dma_wait3A_455 = arith.constant 0 : i32
    %dma_wait3A_456 = arith.constant 0 : i32
    %dma_wait3A_457 = arith.constant 0 : i32
    %dma_wait3A_458 = tpu.memref_slice %arg20[%dma_wait3A_455, %dma_wait3A_456, %dma_wait3A_457] : memref<2x64x512xf32, #tpu.memory_space<vmem>> -> memref<1x64x512xf32, #tpu.memory_space<vmem>>
    %dma_wait3A_459 = tpu.memref_squeeze %dma_wait3A_458 : memref<1x64x512xf32, #tpu.memory_space<vmem>> -> memref<64x512xf32, #tpu.memory_space<vmem>>
    %dma_wait3A_460 = arith.constant 256 : i32
    %dma_wait3A_461 = tpu.memref_slice %arg19[%dma_wait3A_460] : memref<512xi32, #tpu.memory_space<vmem>> -> memref<64xi32, #tpu.memory_space<vmem>>
    %dma_wait3A_462 = arith.constant 0 : i32
    %dma_wait3A_463 = arith.constant 0 : i32
    %dma_wait3A_464 = tpu.memref_slice %arg2[%dma_wait3A_462, %dma_wait3A_463] : memref<1024x512xf32, #tpu.memory_space<hbm>> -> memref<1024x512xf32, #tpu.memory_space<hbm>>
    tpu.wait_indirect_dma semaphore(%arg25 : memref<!tpu.dma_semaphore, #tpu.memory_space<semaphore_mem>>) src(%dma_wait3A_464 : memref<1024x512xf32, #tpu.memory_space<hbm>>) dst(%dma_wait3A_459 : memref<64x512xf32, #tpu.memory_space<vmem>>)
    %dma_start3A_465 = arith.constant 1 : i32
    %dma_start3A_466 = arith.constant 0 : i32
    %dma_start3A_467 = arith.constant 0 : i32
    %dma_start3A_468 = tpu.memref_slice %arg20[%dma_start3A_465, %dma_start3A_466, %dma_start3A_467] : memref<2x64x512xf32, #tpu.memory_space<vmem>> -> memref<1x64x512xf32, #tpu.memory_space<vmem>>
    %dma_start3A_469 = tpu.memref_squeeze %dma_start3A_468 : memref<1x64x512xf32, #tpu.memory_space<vmem>> -> memref<64x512xf32, #tpu.memory_space<vmem>>
    %dma_start3A_470 = arith.constant 320 : i32
    %dma_start3A_471 = tpu.memref_slice %arg19[%dma_start3A_470] : memref<512xi32, #tpu.memory_space<vmem>> -> memref<64xi32, #tpu.memory_space<vmem>>
    %dma_start3A_472 = arith.constant 0 : i32
    %dma_start3A_473 = arith.constant 0 : i32
    %dma_start3A_474 = tpu.memref_slice %arg2[%dma_start3A_472, %dma_start3A_473] : memref<1024x512xf32, #tpu.memory_space<hbm>> -> memref<1024x512xf32, #tpu.memory_space<hbm>>
    tpu.enqueue_indirect_dma source(%dma_start3A_474 : memref<1024x512xf32, #tpu.memory_space<hbm>>) target(%dma_start3A_469 : memref<64x512xf32, #tpu.memory_space<vmem>>) offsets(%dma_start3A_471 : memref<64xi32, #tpu.memory_space<vmem>>) semaphore(%arg26 : memref<!tpu.dma_semaphore, #tpu.memory_space<semaphore_mem>>)
    %add3A_475 = arith.constant 256 : i32
    %add3A_476 = arith.addi %mul3A_353, %add3A_475 : i32
    %run_scoped3A_477 = arith.constant 0 : i32
    "tpu.region"() ({
      %run_scoped3A_601 = tpu.sem_alloc : memref<!tpu.dma_semaphore, #tpu.memory_space<semaphore_mem>>
      %dma_start3A_602 = arith.constant 0 : i32
      %dma_start3A_603 = arith.constant 0 : i32
      %dma_start3A_604 = tpu.memref_slice %arg20[%run_scoped3A_477, %dma_start3A_602, %dma_start3A_603] : memref<2x64x512xf32, #tpu.memory_space<vmem>> -> memref<1x64x512xf32, #tpu.memory_space<vmem>>
      %dma_start3A_605 = tpu.memref_squeeze %dma_start3A_604 : memref<1x64x512xf32, #tpu.memory_space<vmem>> -> memref<64x512xf32, #tpu.memory_space<vmem>>
      %dma_start3A_606 = arith.constant 0 : i32
      %dma_start3A_607 = tpu.memref_slice %arg8[%add3A_476, %dma_start3A_606] : memref<16384x512xf32, #tpu.memory_space<hbm>> -> memref<64x512xf32, #tpu.memory_space<hbm>>
      %dma_start3A_608 = arith.constant 0 : i32
      %dma_start3A_609 = tpu.memref_slice %arg8[%add3A_476, %dma_start3A_608] : memref<16384x512xf32, #tpu.memory_space<hbm>> -> memref<64x512xf32, #tpu.memory_space<hbm>>
      %dma_start3A_610 = arith.constant 0 : i32
      %dma_start3A_611 = arith.constant 0 : i32
      %dma_start3A_612 = tpu.memref_slice %arg20[%run_scoped3A_477, %dma_start3A_610, %dma_start3A_611] : memref<2x64x512xf32, #tpu.memory_space<vmem>> -> memref<1x64x512xf32, #tpu.memory_space<vmem>>
      %dma_start3A_613 = tpu.memref_squeeze %dma_start3A_612 : memref<1x64x512xf32, #tpu.memory_space<vmem>> -> memref<64x512xf32, #tpu.memory_space<vmem>>
      tpu.enqueue_dma source(%dma_start3A_613 : memref<64x512xf32, #tpu.memory_space<vmem>>) target(%dma_start3A_609 : memref<64x512xf32, #tpu.memory_space<hbm>>) target_semaphore(%run_scoped3A_601 : memref<!tpu.dma_semaphore, #tpu.memory_space<semaphore_mem>>)
      %dma_wait3A_614 = arith.constant 0 : i32
      %dma_wait3A_615 = arith.constant 0 : i32
      %dma_wait3A_616 = tpu.memref_slice %arg20[%run_scoped3A_477, %dma_wait3A_614, %dma_wait3A_615] : memref<2x64x512xf32, #tpu.memory_space<vmem>> -> memref<1x64x512xf32, #tpu.memory_space<vmem>>
      %dma_wait3A_617 = tpu.memref_squeeze %dma_wait3A_616 : memref<1x64x512xf32, #tpu.memory_space<vmem>> -> memref<64x512xf32, #tpu.memory_space<vmem>>
      %dma_wait3A_618 = arith.constant 0 : i32
      %dma_wait3A_619 = tpu.memref_slice %arg8[%add3A_476, %dma_wait3A_618] : memref<16384x512xf32, #tpu.memory_space<hbm>> -> memref<64x512xf32, #tpu.memory_space<hbm>>
      %dma_wait3A_620 = arith.constant 0 : i32
      %dma_wait3A_621 = tpu.memref_slice %arg8[%add3A_476, %dma_wait3A_620] : memref<16384x512xf32, #tpu.memory_space<hbm>> -> memref<64x512xf32, #tpu.memory_space<hbm>>
      %dma_wait3A_622 = arith.constant 0 : i32
      %dma_wait3A_623 = arith.constant 0 : i32
      %dma_wait3A_624 = tpu.memref_slice %arg20[%run_scoped3A_477, %dma_wait3A_622, %dma_wait3A_623] : memref<2x64x512xf32, #tpu.memory_space<vmem>> -> memref<1x64x512xf32, #tpu.memory_space<vmem>>
      %dma_wait3A_625 = tpu.memref_squeeze %dma_wait3A_624 : memref<1x64x512xf32, #tpu.memory_space<vmem>> -> memref<64x512xf32, #tpu.memory_space<vmem>>
      tpu.wait_dma2 semaphore(%run_scoped3A_601 : memref<!tpu.dma_semaphore, #tpu.memory_space<semaphore_mem>>) src(%dma_wait3A_625 : memref<64x512xf32, #tpu.memory_space<vmem>>) dst(%dma_wait3A_621 : memref<64x512xf32, #tpu.memory_space<hbm>>)
      tpu.yield
    }) : () -> ()
    %dma_wait3A_478 = arith.constant 1 : i32
    %dma_wait3A_479 = arith.constant 0 : i32
    %dma_wait3A_480 = arith.constant 0 : i32
    %dma_wait3A_481 = tpu.memref_slice %arg20[%dma_wait3A_478, %dma_wait3A_479, %dma_wait3A_480] : memref<2x64x512xf32, #tpu.memory_space<vmem>> -> memref<1x64x512xf32, #tpu.memory_space<vmem>>
    %dma_wait3A_482 = tpu.memref_squeeze %dma_wait3A_481 : memref<1x64x512xf32, #tpu.memory_space<vmem>> -> memref<64x512xf32, #tpu.memory_space<vmem>>
    %dma_wait3A_483 = arith.constant 320 : i32
    %dma_wait3A_484 = tpu.memref_slice %arg19[%dma_wait3A_483] : memref<512xi32, #tpu.memory_space<vmem>> -> memref<64xi32, #tpu.memory_space<vmem>>
    %dma_wait3A_485 = arith.constant 0 : i32
    %dma_wait3A_486 = arith.constant 0 : i32
    %dma_wait3A_487 = tpu.memref_slice %arg2[%dma_wait3A_485, %dma_wait3A_486] : memref<1024x512xf32, #tpu.memory_space<hbm>> -> memref<1024x512xf32, #tpu.memory_space<hbm>>
    tpu.wait_indirect_dma semaphore(%arg26 : memref<!tpu.dma_semaphore, #tpu.memory_space<semaphore_mem>>) src(%dma_wait3A_487 : memref<1024x512xf32, #tpu.memory_space<hbm>>) dst(%dma_wait3A_482 : memref<64x512xf32, #tpu.memory_space<vmem>>)
    %dma_start3A_488 = arith.constant 0 : i32
    %dma_start3A_489 = arith.constant 0 : i32
    %dma_start3A_490 = arith.constant 0 : i32
    %dma_start3A_491 = tpu.memref_slice %arg20[%dma_start3A_488, %dma_start3A_489, %dma_start3A_490] : memref<2x64x512xf32, #tpu.memory_space<vmem>> -> memref<1x64x512xf32, #tpu.memory_space<vmem>>
    %dma_start3A_492 = tpu.memref_squeeze %dma_start3A_491 : memref<1x64x512xf32, #tpu.memory_space<vmem>> -> memref<64x512xf32, #tpu.memory_space<vmem>>
    %dma_start3A_493 = arith.constant 384 : i32
    %dma_start3A_494 = tpu.memref_slice %arg19[%dma_start3A_493] : memref<512xi32, #tpu.memory_space<vmem>> -> memref<64xi32, #tpu.memory_space<vmem>>
    %dma_start3A_495 = arith.constant 0 : i32
    %dma_start3A_496 = arith.constant 0 : i32
    %dma_start3A_497 = tpu.memref_slice %arg2[%dma_start3A_495, %dma_start3A_496] : memref<1024x512xf32, #tpu.memory_space<hbm>> -> memref<1024x512xf32, #tpu.memory_space<hbm>>
    tpu.enqueue_indirect_dma source(%dma_start3A_497 : memref<1024x512xf32, #tpu.memory_space<hbm>>) target(%dma_start3A_492 : memref<64x512xf32, #tpu.memory_space<vmem>>) offsets(%dma_start3A_494 : memref<64xi32, #tpu.memory_space<vmem>>) semaphore(%arg25 : memref<!tpu.dma_semaphore, #tpu.memory_space<semaphore_mem>>)
    %add3A_498 = arith.constant 320 : i32
    %add3A_499 = arith.addi %mul3A_353, %add3A_498 : i32
    %run_scoped3A_500 = arith.constant 1 : i32
    "tpu.region"() ({
      %run_scoped3A_601 = tpu.sem_alloc : memref<!tpu.dma_semaphore, #tpu.memory_space<semaphore_mem>>
      %dma_start3A_602 = arith.constant 0 : i32
      %dma_start3A_603 = arith.constant 0 : i32
      %dma_start3A_604 = tpu.memref_slice %arg20[%run_scoped3A_500, %dma_start3A_602, %dma_start3A_603] : memref<2x64x512xf32, #tpu.memory_space<vmem>> -> memref<1x64x512xf32, #tpu.memory_space<vmem>>
      %dma_start3A_605 = tpu.memref_squeeze %dma_start3A_604 : memref<1x64x512xf32, #tpu.memory_space<vmem>> -> memref<64x512xf32, #tpu.memory_space<vmem>>
      %dma_start3A_606 = arith.constant 0 : i32
      %dma_start3A_607 = tpu.memref_slice %arg8[%add3A_499, %dma_start3A_606] : memref<16384x512xf32, #tpu.memory_space<hbm>> -> memref<64x512xf32, #tpu.memory_space<hbm>>
      %dma_start3A_608 = arith.constant 0 : i32
      %dma_start3A_609 = tpu.memref_slice %arg8[%add3A_499, %dma_start3A_608] : memref<16384x512xf32, #tpu.memory_space<hbm>> -> memref<64x512xf32, #tpu.memory_space<hbm>>
      %dma_start3A_610 = arith.constant 0 : i32
      %dma_start3A_611 = arith.constant 0 : i32
      %dma_start3A_612 = tpu.memref_slice %arg20[%run_scoped3A_500, %dma_start3A_610, %dma_start3A_611] : memref<2x64x512xf32, #tpu.memory_space<vmem>> -> memref<1x64x512xf32, #tpu.memory_space<vmem>>
      %dma_start3A_613 = tpu.memref_squeeze %dma_start3A_612 : memref<1x64x512xf32, #tpu.memory_space<vmem>> -> memref<64x512xf32, #tpu.memory_space<vmem>>
      tpu.enqueue_dma source(%dma_start3A_613 : memref<64x512xf32, #tpu.memory_space<vmem>>) target(%dma_start3A_609 : memref<64x512xf32, #tpu.memory_space<hbm>>) target_semaphore(%run_scoped3A_601 : memref<!tpu.dma_semaphore, #tpu.memory_space<semaphore_mem>>)
      %dma_wait3A_614 = arith.constant 0 : i32
      %dma_wait3A_615 = arith.constant 0 : i32
      %dma_wait3A_616 = tpu.memref_slice %arg20[%run_scoped3A_500, %dma_wait3A_614, %dma_wait3A_615] : memref<2x64x512xf32, #tpu.memory_space<vmem>> -> memref<1x64x512xf32, #tpu.memory_space<vmem>>
      %dma_wait3A_617 = tpu.memref_squeeze %dma_wait3A_616 : memref<1x64x512xf32, #tpu.memory_space<vmem>> -> memref<64x512xf32, #tpu.memory_space<vmem>>
      %dma_wait3A_618 = arith.constant 0 : i32
      %dma_wait3A_619 = tpu.memref_slice %arg8[%add3A_499, %dma_wait3A_618] : memref<16384x512xf32, #tpu.memory_space<hbm>> -> memref<64x512xf32, #tpu.memory_space<hbm>>
      %dma_wait3A_620 = arith.constant 0 : i32
      %dma_wait3A_621 = tpu.memref_slice %arg8[%add3A_499, %dma_wait3A_620] : memref<16384x512xf32, #tpu.memory_space<hbm>> -> memref<64x512xf32, #tpu.memory_space<hbm>>
      %dma_wait3A_622 = arith.constant 0 : i32
      %dma_wait3A_623 = arith.constant 0 : i32
      %dma_wait3A_624 = tpu.memref_slice %arg20[%run_scoped3A_500, %dma_wait3A_622, %dma_wait3A_623] : memref<2x64x512xf32, #tpu.memory_space<vmem>> -> memref<1x64x512xf32, #tpu.memory_space<vmem>>
      %dma_wait3A_625 = tpu.memref_squeeze %dma_wait3A_624 : memref<1x64x512xf32, #tpu.memory_space<vmem>> -> memref<64x512xf32, #tpu.memory_space<vmem>>
      tpu.wait_dma2 semaphore(%run_scoped3A_601 : memref<!tpu.dma_semaphore, #tpu.memory_space<semaphore_mem>>) src(%dma_wait3A_625 : memref<64x512xf32, #tpu.memory_space<vmem>>) dst(%dma_wait3A_621 : memref<64x512xf32, #tpu.memory_space<hbm>>)
      tpu.yield
    }) : () -> ()
    %dma_wait3A_501 = arith.constant 0 : i32
    %dma_wait3A_502 = arith.constant 0 : i32
    %dma_wait3A_503 = arith.constant 0 : i32
    %dma_wait3A_504 = tpu.memref_slice %arg20[%dma_wait3A_501, %dma_wait3A_502, %dma_wait3A_503] : memref<2x64x512xf32, #tpu.memory_space<vmem>> -> memref<1x64x512xf32, #tpu.memory_space<vmem>>
    %dma_wait3A_505 = tpu.memref_squeeze %dma_wait3A_504 : memref<1x64x512xf32, #tpu.memory_space<vmem>> -> memref<64x512xf32, #tpu.memory_space<vmem>>
    %dma_wait3A_506 = arith.constant 384 : i32
    %dma_wait3A_507 = tpu.memref_slice %arg19[%dma_wait3A_506] : memref<512xi32, #tpu.memory_space<vmem>> -> memref<64xi32, #tpu.memory_space<vmem>>
    %dma_wait3A_508 = arith.constant 0 : i32
    %dma_wait3A_509 = arith.constant 0 : i32
    %dma_wait3A_510 = tpu.memref_slice %arg2[%dma_wait3A_508, %dma_wait3A_509] : memref<1024x512xf32, #tpu.memory_space<hbm>> -> memref<1024x512xf32, #tpu.memory_space<hbm>>
    tpu.wait_indirect_dma semaphore(%arg25 : memref<!tpu.dma_semaphore, #tpu.memory_space<semaphore_mem>>) src(%dma_wait3A_510 : memref<1024x512xf32, #tpu.memory_space<hbm>>) dst(%dma_wait3A_505 : memref<64x512xf32, #tpu.memory_space<vmem>>)
    %dma_start3A_511 = arith.constant 1 : i32
    %dma_start3A_512 = arith.constant 0 : i32
    %dma_start3A_513 = arith.constant 0 : i32
    %dma_start3A_514 = tpu.memref_slice %arg20[%dma_start3A_511, %dma_start3A_512, %dma_start3A_513] : memref<2x64x512xf32, #tpu.memory_space<vmem>> -> memref<1x64x512xf32, #tpu.memory_space<vmem>>
    %dma_start3A_515 = tpu.memref_squeeze %dma_start3A_514 : memref<1x64x512xf32, #tpu.memory_space<vmem>> -> memref<64x512xf32, #tpu.memory_space<vmem>>
    %dma_start3A_516 = arith.constant 448 : i32
    %dma_start3A_517 = tpu.memref_slice %arg19[%dma_start3A_516] : memref<512xi32, #tpu.memory_space<vmem>> -> memref<64xi32, #tpu.memory_space<vmem>>
    %dma_start3A_518 = arith.constant 0 : i32
    %dma_start3A_519 = arith.constant 0 : i32
    %dma_start3A_520 = tpu.memref_slice %arg2[%dma_start3A_518, %dma_start3A_519] : memref<1024x512xf32, #tpu.memory_space<hbm>> -> memref<1024x512xf32, #tpu.memory_space<hbm>>
    tpu.enqueue_indirect_dma source(%dma_start3A_520 : memref<1024x512xf32, #tpu.memory_space<hbm>>) target(%dma_start3A_515 : memref<64x512xf32, #tpu.memory_space<vmem>>) offsets(%dma_start3A_517 : memref<64xi32, #tpu.memory_space<vmem>>) semaphore(%arg26 : memref<!tpu.dma_semaphore, #tpu.memory_space<semaphore_mem>>)
    %add3A_521 = arith.constant 384 : i32
    %add3A_522 = arith.addi %mul3A_353, %add3A_521 : i32
    %run_scoped3A_523 = arith.constant 0 : i32
    "tpu.region"() ({
      %run_scoped3A_601 = tpu.sem_alloc : memref<!tpu.dma_semaphore, #tpu.memory_space<semaphore_mem>>
      %dma_start3A_602 = arith.constant 0 : i32
      %dma_start3A_603 = arith.constant 0 : i32
      %dma_start3A_604 = tpu.memref_slice %arg20[%run_scoped3A_523, %dma_start3A_602, %dma_start3A_603] : memref<2x64x512xf32, #tpu.memory_space<vmem>> -> memref<1x64x512xf32, #tpu.memory_space<vmem>>
      %dma_start3A_605 = tpu.memref_squeeze %dma_start3A_604 : memref<1x64x512xf32, #tpu.memory_space<vmem>> -> memref<64x512xf32, #tpu.memory_space<vmem>>
      %dma_start3A_606 = arith.constant 0 : i32
      %dma_start3A_607 = tpu.memref_slice %arg8[%add3A_522, %dma_start3A_606] : memref<16384x512xf32, #tpu.memory_space<hbm>> -> memref<64x512xf32, #tpu.memory_space<hbm>>
      %dma_start3A_608 = arith.constant 0 : i32
      %dma_start3A_609 = tpu.memref_slice %arg8[%add3A_522, %dma_start3A_608] : memref<16384x512xf32, #tpu.memory_space<hbm>> -> memref<64x512xf32, #tpu.memory_space<hbm>>
      %dma_start3A_610 = arith.constant 0 : i32
      %dma_start3A_611 = arith.constant 0 : i32
      %dma_start3A_612 = tpu.memref_slice %arg20[%run_scoped3A_523, %dma_start3A_610, %dma_start3A_611] : memref<2x64x512xf32, #tpu.memory_space<vmem>> -> memref<1x64x512xf32, #tpu.memory_space<vmem>>
      %dma_start3A_613 = tpu.memref_squeeze %dma_start3A_612 : memref<1x64x512xf32, #tpu.memory_space<vmem>> -> memref<64x512xf32, #tpu.memory_space<vmem>>
      tpu.enqueue_dma source(%dma_start3A_613 : memref<64x512xf32, #tpu.memory_space<vmem>>) target(%dma_start3A_609 : memref<64x512xf32, #tpu.memory_space<hbm>>) target_semaphore(%run_scoped3A_601 : memref<!tpu.dma_semaphore, #tpu.memory_space<semaphore_mem>>)
      %dma_wait3A_614 = arith.constant 0 : i32
      %dma_wait3A_615 = arith.constant 0 : i32
      %dma_wait3A_616 = tpu.memref_slice %arg20[%run_scoped3A_523, %dma_wait3A_614, %dma_wait3A_615] : memref<2x64x512xf32, #tpu.memory_space<vmem>> -> memref<1x64x512xf32, #tpu.memory_space<vmem>>
      %dma_wait3A_617 = tpu.memref_squeeze %dma_wait3A_616 : memref<1x64x512xf32, #tpu.memory_space<vmem>> -> memref<64x512xf32, #tpu.memory_space<vmem>>
      %dma_wait3A_618 = arith.constant 0 : i32
      %dma_wait3A_619 = tpu.memref_slice %arg8[%add3A_522, %dma_wait3A_618] : memref<16384x512xf32, #tpu.memory_space<hbm>> -> memref<64x512xf32, #tpu.memory_space<hbm>>
      %dma_wait3A_620 = arith.constant 0 : i32
      %dma_wait3A_621 = tpu.memref_slice %arg8[%add3A_522, %dma_wait3A_620] : memref<16384x512xf32, #tpu.memory_space<hbm>> -> memref<64x512xf32, #tpu.memory_space<hbm>>
      %dma_wait3A_622 = arith.constant 0 : i32
      %dma_wait3A_623 = arith.constant 0 : i32
      %dma_wait3A_624 = tpu.memref_slice %arg20[%run_scoped3A_523, %dma_wait3A_622, %dma_wait3A_623] : memref<2x64x512xf32, #tpu.memory_space<vmem>> -> memref<1x64x512xf32, #tpu.memory_space<vmem>>
      %dma_wait3A_625 = tpu.memref_squeeze %dma_wait3A_624 : memref<1x64x512xf32, #tpu.memory_space<vmem>> -> memref<64x512xf32, #tpu.memory_space<vmem>>
      tpu.wait_dma2 semaphore(%run_scoped3A_601 : memref<!tpu.dma_semaphore, #tpu.memory_space<semaphore_mem>>) src(%dma_wait3A_625 : memref<64x512xf32, #tpu.memory_space<vmem>>) dst(%dma_wait3A_621 : memref<64x512xf32, #tpu.memory_space<hbm>>)
      tpu.yield
    }) : () -> ()
    %dma_wait3A_524 = arith.constant 1 : i32
    %dma_wait3A_525 = arith.constant 0 : i32
    %dma_wait3A_526 = arith.constant 0 : i32
    %dma_wait3A_527 = tpu.memref_slice %arg20[%dma_wait3A_524, %dma_wait3A_525, %dma_wait3A_526] : memref<2x64x512xf32, #tpu.memory_space<vmem>> -> memref<1x64x512xf32, #tpu.memory_space<vmem>>
    %dma_wait3A_528 = tpu.memref_squeeze %dma_wait3A_527 : memref<1x64x512xf32, #tpu.memory_space<vmem>> -> memref<64x512xf32, #tpu.memory_space<vmem>>
    %dma_wait3A_529 = arith.constant 448 : i32
    %dma_wait3A_530 = tpu.memref_slice %arg19[%dma_wait3A_529] : memref<512xi32, #tpu.memory_space<vmem>> -> memref<64xi32, #tpu.memory_space<vmem>>
    %dma_wait3A_531 = arith.constant 0 : i32
    %dma_wait3A_532 = arith.constant 0 : i32
    %dma_wait3A_533 = tpu.memref_slice %arg2[%dma_wait3A_531, %dma_wait3A_532] : memref<1024x512xf32, #tpu.memory_space<hbm>> -> memref<1024x512xf32, #tpu.memory_space<hbm>>
    tpu.wait_indirect_dma semaphore(%arg26 : memref<!tpu.dma_semaphore, #tpu.memory_space<semaphore_mem>>) src(%dma_wait3A_533 : memref<1024x512xf32, #tpu.memory_space<hbm>>) dst(%dma_wait3A_528 : memref<64x512xf32, #tpu.memory_space<vmem>>)
    %add3A_534 = arith.constant 448 : i32
    %add3A_535 = arith.addi %mul3A_353, %add3A_534 : i32
    %run_scoped3A_536 = arith.constant 1 : i32
    "tpu.region"() ({
      %run_scoped3A_601 = tpu.sem_alloc : memref<!tpu.dma_semaphore, #tpu.memory_space<semaphore_mem>>
      %dma_start3A_602 = arith.constant 0 : i32
      %dma_start3A_603 = arith.constant 0 : i32
      %dma_start3A_604 = tpu.memref_slice %arg20[%run_scoped3A_536, %dma_start3A_602, %dma_start3A_603] : memref<2x64x512xf32, #tpu.memory_space<vmem>> -> memref<1x64x512xf32, #tpu.memory_space<vmem>>
      %dma_start3A_605 = tpu.memref_squeeze %dma_start3A_604 : memref<1x64x512xf32, #tpu.memory_space<vmem>> -> memref<64x512xf32, #tpu.memory_space<vmem>>
      %dma_start3A_606 = arith.constant 0 : i32
      %dma_start3A_607 = tpu.memref_slice %arg8[%add3A_535, %dma_start3A_606] : memref<16384x512xf32, #tpu.memory_space<hbm>> -> memref<64x512xf32, #tpu.memory_space<hbm>>
      %dma_start3A_608 = arith.constant 0 : i32
      %dma_start3A_609 = tpu.memref_slice %arg8[%add3A_535, %dma_start3A_608] : memref<16384x512xf32, #tpu.memory_space<hbm>> -> memref<64x512xf32, #tpu.memory_space<hbm>>
      %dma_start3A_610 = arith.constant 0 : i32
      %dma_start3A_611 = arith.constant 0 : i32
      %dma_start3A_612 = tpu.memref_slice %arg20[%run_scoped3A_536, %dma_start3A_610, %dma_start3A_611] : memref<2x64x512xf32, #tpu.memory_space<vmem>> -> memref<1x64x512xf32, #tpu.memory_space<vmem>>
      %dma_start3A_613 = tpu.memref_squeeze %dma_start3A_612 : memref<1x64x512xf32, #tpu.memory_space<vmem>> -> memref<64x512xf32, #tpu.memory_space<vmem>>
      tpu.enqueue_dma source(%dma_start3A_613 : memref<64x512xf32, #tpu.memory_space<vmem>>) target(%dma_start3A_609 : memref<64x512xf32, #tpu.memory_space<hbm>>) target_semaphore(%run_scoped3A_601 : memref<!tpu.dma_semaphore, #tpu.memory_space<semaphore_mem>>)
      %dma_wait3A_614 = arith.constant 0 : i32
      %dma_wait3A_615 = arith.constant 0 : i32
      %dma_wait3A_616 = tpu.memref_slice %arg20[%run_scoped3A_536, %dma_wait3A_614, %dma_wait3A_615] : memref<2x64x512xf32, #tpu.memory_space<vmem>> -> memref<1x64x512xf32, #tpu.memory_space<vmem>>
      %dma_wait3A_617 = tpu.memref_squeeze %dma_wait3A_616 : memref<1x64x512xf32, #tpu.memory_space<vmem>> -> memref<64x512xf32, #tpu.memory_space<vmem>>
      %dma_wait3A_618 = arith.constant 0 : i32
      %dma_wait3A_619 = tpu.memref_slice %arg8[%add3A_535, %dma_wait3A_618] : memref<16384x512xf32, #tpu.memory_space<hbm>> -> memref<64x512xf32, #tpu.memory_space<hbm>>
      %dma_wait3A_620 = arith.constant 0 : i32
      %dma_wait3A_621 = tpu.memref_slice %arg8[%add3A_535, %dma_wait3A_620] : memref<16384x512xf32, #tpu.memory_space<hbm>> -> memref<64x512xf32, #tpu.memory_space<hbm>>
      %dma_wait3A_622 = arith.constant 0 : i32
      %dma_wait3A_623 = arith.constant 0 : i32
      %dma_wait3A_624 = tpu.memref_slice %arg20[%run_scoped3A_536, %dma_wait3A_622, %dma_wait3A_623] : memref<2x64x512xf32, #tpu.memory_space<vmem>> -> memref<1x64x512xf32, #tpu.memory_space<vmem>>
      %dma_wait3A_625 = tpu.memref_squeeze %dma_wait3A_624 : memref<1x64x512xf32, #tpu.memory_space<vmem>> -> memref<64x512xf32, #tpu.memory_space<vmem>>
      tpu.wait_dma2 semaphore(%run_scoped3A_601 : memref<!tpu.dma_semaphore, #tpu.memory_space<semaphore_mem>>) src(%dma_wait3A_625 : memref<64x512xf32, #tpu.memory_space<vmem>>) dst(%dma_wait3A_621 : memref<64x512xf32, #tpu.memory_space<hbm>>)
      tpu.yield
    }) : () -> ()
    %mul3A_537 = arith.constant 2048 : i32
    %mul3A_538 = arith.muli %add3A, %mul3A_537 : i32
    %add3A_539 = arith.constant 0 : i32
    %add3A_540 = arith.addi %mul3A_538, %add3A_539 : i32
    "tpu.region"() ({
      %run_scoped3A_601 = tpu.sem_alloc : memref<!tpu.dma_semaphore, #tpu.memory_space<semaphore_mem>>
      %dma_start3A_602 = tpu.memref_slice %arg6[%add3A_540] : memref<65536xi32, #tpu.memory_space<hbm>> -> memref<512xi32, #tpu.memory_space<hbm>>
      %dma_start3A_603 = tpu.memref_slice %arg6[%add3A_540] : memref<65536xi32, #tpu.memory_space<hbm>> -> memref<512xi32, #tpu.memory_space<hbm>>
      tpu.enqueue_dma source(%dma_start3A_603 : memref<512xi32, #tpu.memory_space<hbm>>) target(%arg21 : memref<512xi32, #tpu.memory_space<vmem>>) target_semaphore(%run_scoped3A_601 : memref<!tpu.dma_semaphore, #tpu.memory_space<semaphore_mem>>)
      %dma_wait3A_604 = tpu.memref_slice %arg6[%add3A_540] : memref<65536xi32, #tpu.memory_space<hbm>> -> memref<512xi32, #tpu.memory_space<hbm>>
      %dma_wait3A_605 = tpu.memref_slice %arg6[%add3A_540] : memref<65536xi32, #tpu.memory_space<hbm>> -> memref<512xi32, #tpu.memory_space<hbm>>
      tpu.wait_dma2 semaphore(%run_scoped3A_601 : memref<!tpu.dma_semaphore, #tpu.memory_space<semaphore_mem>>) src(%dma_wait3A_605 : memref<512xi32, #tpu.memory_space<hbm>>) dst(%arg21 : memref<512xi32, #tpu.memory_space<vmem>>)
      tpu.yield
    }) : () -> ()
    "tpu.region"() ({
      %run_scoped3A_601 = tpu.sem_alloc : memref<!tpu.dma_semaphore, #tpu.memory_space<semaphore_mem>>
      %dma_start3A_602 = tpu.memref_slice %arg7[%add3A_540] : memref<65536xi32, #tpu.memory_space<hbm>> -> memref<512xi32, #tpu.memory_space<hbm>>
      %dma_start3A_603 = tpu.memref_slice %arg7[%add3A_540] : memref<65536xi32, #tpu.memory_space<hbm>> -> memref<512xi32, #tpu.memory_space<hbm>>
      tpu.enqueue_dma source(%dma_start3A_603 : memref<512xi32, #tpu.memory_space<hbm>>) target(%arg22 : memref<512xi32, #tpu.memory_space<vmem>>) target_semaphore(%run_scoped3A_601 : memref<!tpu.dma_semaphore, #tpu.memory_space<semaphore_mem>>)
      %dma_wait3A_604 = tpu.memref_slice %arg7[%add3A_540] : memref<65536xi32, #tpu.memory_space<hbm>> -> memref<512xi32, #tpu.memory_space<hbm>>
      %dma_wait3A_605 = tpu.memref_slice %arg7[%add3A_540] : memref<65536xi32, #tpu.memory_space<hbm>> -> memref<512xi32, #tpu.memory_space<hbm>>
      tpu.wait_dma2 semaphore(%run_scoped3A_601 : memref<!tpu.dma_semaphore, #tpu.memory_space<semaphore_mem>>) src(%dma_wait3A_605 : memref<512xi32, #tpu.memory_space<hbm>>) dst(%arg22 : memref<512xi32, #tpu.memory_space<vmem>>)
      tpu.yield
    }) : () -> ()
    %scan3A_541 = arith.constant 0 : i32
    %scan3A_542 = arith.constant 0 : i32
    %scan3A_543 = arith.constant 32 : i32
    %scan3A_544 = arith.addi %scan3A_542, %scan3A_543 : i32
    %scan3A_545 = arith.constant 1 : i32
    scf.for %scan3A_601 = %scan3A_542 to %scan3A_544 step %scan3A_545  : i32 {
      %mul3A_602 = arith.constant 16 : i32
      %mul3A_603 = arith.muli %scan3A_601, %mul3A_602 : i32
      %get3A_604 = arith.index_cast %mul3A_603 : i32 to index
      %get3A_605 = tpu.vector_load %arg21[%get3A_604] {strides = array<i32>} : memref<512xi32, #tpu.memory_space<vmem>>, vector<16xi32>,
      %mul3A_606 = arith.constant 1024 : i32
      %mul3A_607 = vector.broadcast %mul3A_606 : i32 to vector<16xi32>
      %mul3A_608 = arith.muli %get3A_605, %mul3A_607 : vector<16xi32>
      %mul3A_609 = arith.constant 16 : i32
      %mul3A_610 = arith.muli %scan3A_601, %mul3A_609 : i32
      %get3A_611 = arith.index_cast %mul3A_610 : i32 to index
      %get3A_612 = tpu.vector_load %arg22[%get3A_611] {strides = array<i32>} : memref<512xi32, #tpu.memory_space<vmem>>, vector<16xi32>,
      %add3A_613 = arith.addi %mul3A_608, %get3A_612 : vector<16xi32>
      %mul3A_614 = arith.constant 16 : i32
      %mul3A_615 = arith.muli %scan3A_601, %mul3A_614 : i32
      %swap3A_616 = arith.index_cast %mul3A_615 : i32 to index
      %swap3A_617 = tpu.vector_load %arg23[%swap3A_616] {strides = array<i32>} : memref<512xi32, #tpu.memory_space<vmem>>, vector<16xi32>,
      tpu.vector_store %arg23[%swap3A_616], %add3A_613 {strides = array<i32>} : memref<512xi32, #tpu.memory_space<vmem>>, vector<16xi32>,
    }
    %scan3A_546 = arith.constant 32 : i32
    %dma_start3A_547 = arith.constant 0 : i32
    %dma_start3A_548 = arith.constant 0 : i32
    %dma_start3A_549 = tpu.memref_slice %arg3[%dma_start3A_547, %dma_start3A_548] : memref<1048576x16xf32, #tpu.memory_space<hbm>> -> memref<1048576x16xf32, #tpu.memory_space<hbm>>
    tpu.enqueue_indirect_dma source(%dma_start3A_549 : memref<1048576x16xf32, #tpu.memory_space<hbm>>) target(%arg24 : memref<512x16xf32, #tpu.memory_space<vmem>>) offsets(%arg23 : memref<512xi32, #tpu.memory_space<vmem>>) semaphore(%arg25 : memref<!tpu.dma_semaphore, #tpu.memory_space<semaphore_mem>>)
    %dma_wait3A_550 = arith.constant 0 : i32
    %dma_wait3A_551 = arith.constant 0 : i32
    %dma_wait3A_552 = tpu.memref_slice %arg3[%dma_wait3A_550, %dma_wait3A_551] : memref<1048576x16xf32, #tpu.memory_space<hbm>> -> memref<1048576x16xf32, #tpu.memory_space<hbm>>
    tpu.wait_indirect_dma semaphore(%arg25 : memref<!tpu.dma_semaphore, #tpu.memory_space<semaphore_mem>>) src(%dma_wait3A_552 : memref<1048576x16xf32, #tpu.memory_space<hbm>>) dst(%arg24 : memref<512x16xf32, #tpu.memory_space<vmem>>)
    "tpu.region"() ({
      %run_scoped3A_601 = tpu.sem_alloc : memref<!tpu.dma_semaphore, #tpu.memory_space<semaphore_mem>>
      %dma_start3A_602 = arith.constant 0 : i32
      %dma_start3A_603 = tpu.memref_slice %arg9[%add3A_540, %dma_start3A_602] : memref<65536x16xf32, #tpu.memory_space<hbm>> -> memref<512x16xf32, #tpu.memory_space<hbm>>
      %dma_start3A_604 = arith.constant 0 : i32
      %dma_start3A_605 = tpu.memref_slice %arg9[%add3A_540, %dma_start3A_604] : memref<65536x16xf32, #tpu.memory_space<hbm>> -> memref<512x16xf32, #tpu.memory_space<hbm>>
      tpu.enqueue_dma source(%arg24 : memref<512x16xf32, #tpu.memory_space<vmem>>) target(%dma_start3A_605 : memref<512x16xf32, #tpu.memory_space<hbm>>) target_semaphore(%run_scoped3A_601 : memref<!tpu.dma_semaphore, #tpu.memory_space<semaphore_mem>>)
      %dma_wait3A_606 = arith.constant 0 : i32
      %dma_wait3A_607 = tpu.memref_slice %arg9[%add3A_540, %dma_wait3A_606] : memref<65536x16xf32, #tpu.memory_space<hbm>> -> memref<512x16xf32, #tpu.memory_space<hbm>>
      %dma_wait3A_608 = arith.constant 0 : i32
      %dma_wait3A_609 = tpu.memref_slice %arg9[%add3A_540, %dma_wait3A_608] : memref<65536x16xf32, #tpu.memory_space<hbm>> -> memref<512x16xf32, #tpu.memory_space<hbm>>
      tpu.wait_dma2 semaphore(%run_scoped3A_601 : memref<!tpu.dma_semaphore, #tpu.memory_space<semaphore_mem>>) src(%arg24 : memref<512x16xf32, #tpu.memory_space<vmem>>) dst(%dma_wait3A_609 : memref<512x16xf32, #tpu.memory_space<hbm>>)
      tpu.yield
    }) : () -> ()
    %mul3A_553 = arith.constant 2048 : i32
    %mul3A_554 = arith.muli %add3A, %mul3A_553 : i32
    %add3A_555 = arith.constant 512 : i32
    %add3A_556 = arith.addi %mul3A_554, %add3A_555 : i32
    "tpu.region"() ({
      %run_scoped3A_601 = tpu.sem_alloc : memref<!tpu.dma_semaphore, #tpu.memory_space<semaphore_mem>>
      %dma_start3A_602 = tpu.memref_slice %arg6[%add3A_556] : memref<65536xi32, #tpu.memory_space<hbm>> -> memref<512xi32, #tpu.memory_space<hbm>>
      %dma_start3A_603 = tpu.memref_slice %arg6[%add3A_556] : memref<65536xi32, #tpu.memory_space<hbm>> -> memref<512xi32, #tpu.memory_space<hbm>>
      tpu.enqueue_dma source(%dma_start3A_603 : memref<512xi32, #tpu.memory_space<hbm>>) target(%arg21 : memref<512xi32, #tpu.memory_space<vmem>>) target_semaphore(%run_scoped3A_601 : memref<!tpu.dma_semaphore, #tpu.memory_space<semaphore_mem>>)
      %dma_wait3A_604 = tpu.memref_slice %arg6[%add3A_556] : memref<65536xi32, #tpu.memory_space<hbm>> -> memref<512xi32, #tpu.memory_space<hbm>>
      %dma_wait3A_605 = tpu.memref_slice %arg6[%add3A_556] : memref<65536xi32, #tpu.memory_space<hbm>> -> memref<512xi32, #tpu.memory_space<hbm>>
      tpu.wait_dma2 semaphore(%run_scoped3A_601 : memref<!tpu.dma_semaphore, #tpu.memory_space<semaphore_mem>>) src(%dma_wait3A_605 : memref<512xi32, #tpu.memory_space<hbm>>) dst(%arg21 : memref<512xi32, #tpu.memory_space<vmem>>)
      tpu.yield
    }) : () -> ()
    "tpu.region"() ({
      %run_scoped3A_601 = tpu.sem_alloc : memref<!tpu.dma_semaphore, #tpu.memory_space<semaphore_mem>>
      %dma_start3A_602 = tpu.memref_slice %arg7[%add3A_556] : memref<65536xi32, #tpu.memory_space<hbm>> -> memref<512xi32, #tpu.memory_space<hbm>>
      %dma_start3A_603 = tpu.memref_slice %arg7[%add3A_556] : memref<65536xi32, #tpu.memory_space<hbm>> -> memref<512xi32, #tpu.memory_space<hbm>>
      tpu.enqueue_dma source(%dma_start3A_603 : memref<512xi32, #tpu.memory_space<hbm>>) target(%arg22 : memref<512xi32, #tpu.memory_space<vmem>>) target_semaphore(%run_scoped3A_601 : memref<!tpu.dma_semaphore, #tpu.memory_space<semaphore_mem>>)
      %dma_wait3A_604 = tpu.memref_slice %arg7[%add3A_556] : memref<65536xi32, #tpu.memory_space<hbm>> -> memref<512xi32, #tpu.memory_space<hbm>>
      %dma_wait3A_605 = tpu.memref_slice %arg7[%add3A_556] : memref<65536xi32, #tpu.memory_space<hbm>> -> memref<512xi32, #tpu.memory_space<hbm>>
      tpu.wait_dma2 semaphore(%run_scoped3A_601 : memref<!tpu.dma_semaphore, #tpu.memory_space<semaphore_mem>>) src(%dma_wait3A_605 : memref<512xi32, #tpu.memory_space<hbm>>) dst(%arg22 : memref<512xi32, #tpu.memory_space<vmem>>)
      tpu.yield
    }) : () -> ()
    %scan3A_557 = arith.constant 0 : i32
    %scan3A_558 = arith.constant 0 : i32
    %scan3A_559 = arith.constant 32 : i32
    %scan3A_560 = arith.addi %scan3A_558, %scan3A_559 : i32
    %scan3A_561 = arith.constant 1 : i32
    scf.for %scan3A_601 = %scan3A_558 to %scan3A_560 step %scan3A_561  : i32 {
      %mul3A_602 = arith.constant 16 : i32
      %mul3A_603 = arith.muli %scan3A_601, %mul3A_602 : i32
      %get3A_604 = arith.index_cast %mul3A_603 : i32 to index
      %get3A_605 = tpu.vector_load %arg21[%get3A_604] {strides = array<i32>} : memref<512xi32, #tpu.memory_space<vmem>>, vector<16xi32>,
      %mul3A_606 = arith.constant 1024 : i32
      %mul3A_607 = vector.broadcast %mul3A_606 : i32 to vector<16xi32>
      %mul3A_608 = arith.muli %get3A_605, %mul3A_607 : vector<16xi32>
      %mul3A_609 = arith.constant 16 : i32
      %mul3A_610 = arith.muli %scan3A_601, %mul3A_609 : i32
      %get3A_611 = arith.index_cast %mul3A_610 : i32 to index
      %get3A_612 = tpu.vector_load %arg22[%get3A_611] {strides = array<i32>} : memref<512xi32, #tpu.memory_space<vmem>>, vector<16xi32>,
      %add3A_613 = arith.addi %mul3A_608, %get3A_612 : vector<16xi32>
      %mul3A_614 = arith.constant 16 : i32
      %mul3A_615 = arith.muli %scan3A_601, %mul3A_614 : i32
      %swap3A_616 = arith.index_cast %mul3A_615 : i32 to index
      %swap3A_617 = tpu.vector_load %arg23[%swap3A_616] {strides = array<i32>} : memref<512xi32, #tpu.memory_space<vmem>>, vector<16xi32>,
      tpu.vector_store %arg23[%swap3A_616], %add3A_613 {strides = array<i32>} : memref<512xi32, #tpu.memory_space<vmem>>, vector<16xi32>,
    }
    %scan3A_562 = arith.constant 32 : i32
    %dma_start3A_563 = arith.constant 0 : i32
    %dma_start3A_564 = arith.constant 0 : i32
    %dma_start3A_565 = tpu.memref_slice %arg3[%dma_start3A_563, %dma_start3A_564] : memref<1048576x16xf32, #tpu.memory_space<hbm>> -> memref<1048576x16xf32, #tpu.memory_space<hbm>>
    tpu.enqueue_indirect_dma source(%dma_start3A_565 : memref<1048576x16xf32, #tpu.memory_space<hbm>>) target(%arg24 : memref<512x16xf32, #tpu.memory_space<vmem>>) offsets(%arg23 : memref<512xi32, #tpu.memory_space<vmem>>) semaphore(%arg25 : memref<!tpu.dma_semaphore, #tpu.memory_space<semaphore_mem>>)
    %dma_wait3A_566 = arith.constant 0 : i32
    %dma_wait3A_567 = arith.constant 0 : i32
    %dma_wait3A_568 = tpu.memref_slice %arg3[%dma_wait3A_566, %dma_wait3A_567] : memref<1048576x16xf32, #tpu.memory_space<hbm>> -> memref<1048576x16xf32, #tpu.memory_space<hbm>>
    tpu.wait_indirect_dma semaphore(%arg25 : memref<!tpu.dma_semaphore, #tpu.memory_space<semaphore_mem>>) src(%dma_wait3A_568 : memref<1048576x16xf32, #tpu.memory_space<hbm>>) dst(%arg24 : memref<512x16xf32, #tpu.memory_space<vmem>>)
    "tpu.region"() ({
      %run_scoped3A_601 = tpu.sem_alloc : memref<!tpu.dma_semaphore, #tpu.memory_space<semaphore_mem>>
      %dma_start3A_602 = arith.constant 0 : i32
      %dma_start3A_603 = tpu.memref_slice %arg9[%add3A_556, %dma_start3A_602] : memref<65536x16xf32, #tpu.memory_space<hbm>> -> memref<512x16xf32, #tpu.memory_space<hbm>>
      %dma_start3A_604 = arith.constant 0 : i32
      %dma_start3A_605 = tpu.memref_slice %arg9[%add3A_556, %dma_start3A_604] : memref<65536x16xf32, #tpu.memory_space<hbm>> -> memref<512x16xf32, #tpu.memory_space<hbm>>
      tpu.enqueue_dma source(%arg24 : memref<512x16xf32, #tpu.memory_space<vmem>>) target(%dma_start3A_605 : memref<512x16xf32, #tpu.memory_space<hbm>>) target_semaphore(%run_scoped3A_601 : memref<!tpu.dma_semaphore, #tpu.memory_space<semaphore_mem>>)
      %dma_wait3A_606 = arith.constant 0 : i32
      %dma_wait3A_607 = tpu.memref_slice %arg9[%add3A_556, %dma_wait3A_606] : memref<65536x16xf32, #tpu.memory_space<hbm>> -> memref<512x16xf32, #tpu.memory_space<hbm>>
      %dma_wait3A_608 = arith.constant 0 : i32
      %dma_wait3A_609 = tpu.memref_slice %arg9[%add3A_556, %dma_wait3A_608] : memref<65536x16xf32, #tpu.memory_space<hbm>> -> memref<512x16xf32, #tpu.memory_space<hbm>>
      tpu.wait_dma2 semaphore(%run_scoped3A_601 : memref<!tpu.dma_semaphore, #tpu.memory_space<semaphore_mem>>) src(%arg24 : memref<512x16xf32, #tpu.memory_space<vmem>>) dst(%dma_wait3A_609 : memref<512x16xf32, #tpu.memory_space<hbm>>)
      tpu.yield
    }) : () -> ()
    %mul3A_569 = arith.constant 2048 : i32
    %mul3A_570 = arith.muli %add3A, %mul3A_569 : i32
    %add3A_571 = arith.constant 1024 : i32
    %add3A_572 = arith.addi %mul3A_570, %add3A_571 : i32
    "tpu.region"() ({
      %run_scoped3A_601 = tpu.sem_alloc : memref<!tpu.dma_semaphore, #tpu.memory_space<semaphore_mem>>
      %dma_start3A_602 = tpu.memref_slice %arg6[%add3A_572] : memref<65536xi32, #tpu.memory_space<hbm>> -> memref<512xi32, #tpu.memory_space<hbm>>
      %dma_start3A_603 = tpu.memref_slice %arg6[%add3A_572] : memref<65536xi32, #tpu.memory_space<hbm>> -> memref<512xi32, #tpu.memory_space<hbm>>
      tpu.enqueue_dma source(%dma_start3A_603 : memref<512xi32, #tpu.memory_space<hbm>>) target(%arg21 : memref<512xi32, #tpu.memory_space<vmem>>) target_semaphore(%run_scoped3A_601 : memref<!tpu.dma_semaphore, #tpu.memory_space<semaphore_mem>>)
      %dma_wait3A_604 = tpu.memref_slice %arg6[%add3A_572] : memref<65536xi32, #tpu.memory_space<hbm>> -> memref<512xi32, #tpu.memory_space<hbm>>
      %dma_wait3A_605 = tpu.memref_slice %arg6[%add3A_572] : memref<65536xi32, #tpu.memory_space<hbm>> -> memref<512xi32, #tpu.memory_space<hbm>>
      tpu.wait_dma2 semaphore(%run_scoped3A_601 : memref<!tpu.dma_semaphore, #tpu.memory_space<semaphore_mem>>) src(%dma_wait3A_605 : memref<512xi32, #tpu.memory_space<hbm>>) dst(%arg21 : memref<512xi32, #tpu.memory_space<vmem>>)
      tpu.yield
    }) : () -> ()
    "tpu.region"() ({
      %run_scoped3A_601 = tpu.sem_alloc : memref<!tpu.dma_semaphore, #tpu.memory_space<semaphore_mem>>
      %dma_start3A_602 = tpu.memref_slice %arg7[%add3A_572] : memref<65536xi32, #tpu.memory_space<hbm>> -> memref<512xi32, #tpu.memory_space<hbm>>
      %dma_start3A_603 = tpu.memref_slice %arg7[%add3A_572] : memref<65536xi32, #tpu.memory_space<hbm>> -> memref<512xi32, #tpu.memory_space<hbm>>
      tpu.enqueue_dma source(%dma_start3A_603 : memref<512xi32, #tpu.memory_space<hbm>>) target(%arg22 : memref<512xi32, #tpu.memory_space<vmem>>) target_semaphore(%run_scoped3A_601 : memref<!tpu.dma_semaphore, #tpu.memory_space<semaphore_mem>>)
      %dma_wait3A_604 = tpu.memref_slice %arg7[%add3A_572] : memref<65536xi32, #tpu.memory_space<hbm>> -> memref<512xi32, #tpu.memory_space<hbm>>
      %dma_wait3A_605 = tpu.memref_slice %arg7[%add3A_572] : memref<65536xi32, #tpu.memory_space<hbm>> -> memref<512xi32, #tpu.memory_space<hbm>>
      tpu.wait_dma2 semaphore(%run_scoped3A_601 : memref<!tpu.dma_semaphore, #tpu.memory_space<semaphore_mem>>) src(%dma_wait3A_605 : memref<512xi32, #tpu.memory_space<hbm>>) dst(%arg22 : memref<512xi32, #tpu.memory_space<vmem>>)
      tpu.yield
    }) : () -> ()
    %scan3A_573 = arith.constant 0 : i32
    %scan3A_574 = arith.constant 0 : i32
    %scan3A_575 = arith.constant 32 : i32
    %scan3A_576 = arith.addi %scan3A_574, %scan3A_575 : i32
    %scan3A_577 = arith.constant 1 : i32
    scf.for %scan3A_601 = %scan3A_574 to %scan3A_576 step %scan3A_577  : i32 {
      %mul3A_602 = arith.constant 16 : i32
      %mul3A_603 = arith.muli %scan3A_601, %mul3A_602 : i32
      %get3A_604 = arith.index_cast %mul3A_603 : i32 to index
      %get3A_605 = tpu.vector_load %arg21[%get3A_604] {strides = array<i32>} : memref<512xi32, #tpu.memory_space<vmem>>, vector<16xi32>,
      %mul3A_606 = arith.constant 1024 : i32
      %mul3A_607 = vector.broadcast %mul3A_606 : i32 to vector<16xi32>
      %mul3A_608 = arith.muli %get3A_605, %mul3A_607 : vector<16xi32>
      %mul3A_609 = arith.constant 16 : i32
      %mul3A_610 = arith.muli %scan3A_601, %mul3A_609 : i32
      %get3A_611 = arith.index_cast %mul3A_610 : i32 to index
      %get3A_612 = tpu.vector_load %arg22[%get3A_611] {strides = array<i32>} : memref<512xi32, #tpu.memory_space<vmem>>, vector<16xi32>,
      %add3A_613 = arith.addi %mul3A_608, %get3A_612 : vector<16xi32>
      %mul3A_614 = arith.constant 16 : i32
      %mul3A_615 = arith.muli %scan3A_601, %mul3A_614 : i32
      %swap3A_616 = arith.index_cast %mul3A_615 : i32 to index
      %swap3A_617 = tpu.vector_load %arg23[%swap3A_616] {strides = array<i32>} : memref<512xi32, #tpu.memory_space<vmem>>, vector<16xi32>,
      tpu.vector_store %arg23[%swap3A_616], %add3A_613 {strides = array<i32>} : memref<512xi32, #tpu.memory_space<vmem>>, vector<16xi32>,
    }
    %scan3A_578 = arith.constant 32 : i32
    %dma_start3A_579 = arith.constant 0 : i32
    %dma_start3A_580 = arith.constant 0 : i32
    %dma_start3A_581 = tpu.memref_slice %arg3[%dma_start3A_579, %dma_start3A_580] : memref<1048576x16xf32, #tpu.memory_space<hbm>> -> memref<1048576x16xf32, #tpu.memory_space<hbm>>
    tpu.enqueue_indirect_dma source(%dma_start3A_581 : memref<1048576x16xf32, #tpu.memory_space<hbm>>) target(%arg24 : memref<512x16xf32, #tpu.memory_space<vmem>>) offsets(%arg23 : memref<512xi32, #tpu.memory_space<vmem>>) semaphore(%arg25 : memref<!tpu.dma_semaphore, #tpu.memory_space<semaphore_mem>>)
    %dma_wait3A_582 = arith.constant 0 : i32
    %dma_wait3A_583 = arith.constant 0 : i32
    %dma_wait3A_584 = tpu.memref_slice %arg3[%dma_wait3A_582, %dma_wait3A_583] : memref<1048576x16xf32, #tpu.memory_space<hbm>> -> memref<1048576x16xf32, #tpu.memory_space<hbm>>
    tpu.wait_indirect_dma semaphore(%arg25 : memref<!tpu.dma_semaphore, #tpu.memory_space<semaphore_mem>>) src(%dma_wait3A_584 : memref<1048576x16xf32, #tpu.memory_space<hbm>>) dst(%arg24 : memref<512x16xf32, #tpu.memory_space<vmem>>)
    "tpu.region"() ({
      %run_scoped3A_601 = tpu.sem_alloc : memref<!tpu.dma_semaphore, #tpu.memory_space<semaphore_mem>>
      %dma_start3A_602 = arith.constant 0 : i32
      %dma_start3A_603 = tpu.memref_slice %arg9[%add3A_572, %dma_start3A_602] : memref<65536x16xf32, #tpu.memory_space<hbm>> -> memref<512x16xf32, #tpu.memory_space<hbm>>
      %dma_start3A_604 = arith.constant 0 : i32
      %dma_start3A_605 = tpu.memref_slice %arg9[%add3A_572, %dma_start3A_604] : memref<65536x16xf32, #tpu.memory_space<hbm>> -> memref<512x16xf32, #tpu.memory_space<hbm>>
      tpu.enqueue_dma source(%arg24 : memref<512x16xf32, #tpu.memory_space<vmem>>) target(%dma_start3A_605 : memref<512x16xf32, #tpu.memory_space<hbm>>) target_semaphore(%run_scoped3A_601 : memref<!tpu.dma_semaphore, #tpu.memory_space<semaphore_mem>>)
      %dma_wait3A_606 = arith.constant 0 : i32
      %dma_wait3A_607 = tpu.memref_slice %arg9[%add3A_572, %dma_wait3A_606] : memref<65536x16xf32, #tpu.memory_space<hbm>> -> memref<512x16xf32, #tpu.memory_space<hbm>>
      %dma_wait3A_608 = arith.constant 0 : i32
      %dma_wait3A_609 = tpu.memref_slice %arg9[%add3A_572, %dma_wait3A_608] : memref<65536x16xf32, #tpu.memory_space<hbm>> -> memref<512x16xf32, #tpu.memory_space<hbm>>
      tpu.wait_dma2 semaphore(%run_scoped3A_601 : memref<!tpu.dma_semaphore, #tpu.memory_space<semaphore_mem>>) src(%arg24 : memref<512x16xf32, #tpu.memory_space<vmem>>) dst(%dma_wait3A_609 : memref<512x16xf32, #tpu.memory_space<hbm>>)
      tpu.yield
    }) : () -> ()
    %mul3A_585 = arith.constant 2048 : i32
    %mul3A_586 = arith.muli %add3A, %mul3A_585 : i32
    %add3A_587 = arith.constant 1536 : i32
    %add3A_588 = arith.addi %mul3A_586, %add3A_587 : i32
    "tpu.region"() ({
      %run_scoped3A_601 = tpu.sem_alloc : memref<!tpu.dma_semaphore, #tpu.memory_space<semaphore_mem>>
      %dma_start3A_602 = tpu.memref_slice %arg6[%add3A_588] : memref<65536xi32, #tpu.memory_space<hbm>> -> memref<512xi32, #tpu.memory_space<hbm>>
      %dma_start3A_603 = tpu.memref_slice %arg6[%add3A_588] : memref<65536xi32, #tpu.memory_space<hbm>> -> memref<512xi32, #tpu.memory_space<hbm>>
      tpu.enqueue_dma source(%dma_start3A_603 : memref<512xi32, #tpu.memory_space<hbm>>) target(%arg21 : memref<512xi32, #tpu.memory_space<vmem>>) target_semaphore(%run_scoped3A_601 : memref<!tpu.dma_semaphore, #tpu.memory_space<semaphore_mem>>)
      %dma_wait3A_604 = tpu.memref_slice %arg6[%add3A_588] : memref<65536xi32, #tpu.memory_space<hbm>> -> memref<512xi32, #tpu.memory_space<hbm>>
      %dma_wait3A_605 = tpu.memref_slice %arg6[%add3A_588] : memref<65536xi32, #tpu.memory_space<hbm>> -> memref<512xi32, #tpu.memory_space<hbm>>
      tpu.wait_dma2 semaphore(%run_scoped3A_601 : memref<!tpu.dma_semaphore, #tpu.memory_space<semaphore_mem>>) src(%dma_wait3A_605 : memref<512xi32, #tpu.memory_space<hbm>>) dst(%arg21 : memref<512xi32, #tpu.memory_space<vmem>>)
      tpu.yield
    }) : () -> ()
    "tpu.region"() ({
      %run_scoped3A_601 = tpu.sem_alloc : memref<!tpu.dma_semaphore, #tpu.memory_space<semaphore_mem>>
      %dma_start3A_602 = tpu.memref_slice %arg7[%add3A_588] : memref<65536xi32, #tpu.memory_space<hbm>> -> memref<512xi32, #tpu.memory_space<hbm>>
      %dma_start3A_603 = tpu.memref_slice %arg7[%add3A_588] : memref<65536xi32, #tpu.memory_space<hbm>> -> memref<512xi32, #tpu.memory_space<hbm>>
      tpu.enqueue_dma source(%dma_start3A_603 : memref<512xi32, #tpu.memory_space<hbm>>) target(%arg22 : memref<512xi32, #tpu.memory_space<vmem>>) target_semaphore(%run_scoped3A_601 : memref<!tpu.dma_semaphore, #tpu.memory_space<semaphore_mem>>)
      %dma_wait3A_604 = tpu.memref_slice %arg7[%add3A_588] : memref<65536xi32, #tpu.memory_space<hbm>> -> memref<512xi32, #tpu.memory_space<hbm>>
      %dma_wait3A_605 = tpu.memref_slice %arg7[%add3A_588] : memref<65536xi32, #tpu.memory_space<hbm>> -> memref<512xi32, #tpu.memory_space<hbm>>
      tpu.wait_dma2 semaphore(%run_scoped3A_601 : memref<!tpu.dma_semaphore, #tpu.memory_space<semaphore_mem>>) src(%dma_wait3A_605 : memref<512xi32, #tpu.memory_space<hbm>>) dst(%arg22 : memref<512xi32, #tpu.memory_space<vmem>>)
      tpu.yield
    }) : () -> ()
    %scan3A_589 = arith.constant 0 : i32
    %scan3A_590 = arith.constant 0 : i32
    %scan3A_591 = arith.constant 32 : i32
    %scan3A_592 = arith.addi %scan3A_590, %scan3A_591 : i32
    %scan3A_593 = arith.constant 1 : i32
    scf.for %scan3A_601 = %scan3A_590 to %scan3A_592 step %scan3A_593  : i32 {
      %mul3A_602 = arith.constant 16 : i32
      %mul3A_603 = arith.muli %scan3A_601, %mul3A_602 : i32
      %get3A_604 = arith.index_cast %mul3A_603 : i32 to index
      %get3A_605 = tpu.vector_load %arg21[%get3A_604] {strides = array<i32>} : memref<512xi32, #tpu.memory_space<vmem>>, vector<16xi32>,
      %mul3A_606 = arith.constant 1024 : i32
      %mul3A_607 = vector.broadcast %mul3A_606 : i32 to vector<16xi32>
      %mul3A_608 = arith.muli %get3A_605, %mul3A_607 : vector<16xi32>
      %mul3A_609 = arith.constant 16 : i32
      %mul3A_610 = arith.muli %scan3A_601, %mul3A_609 : i32
      %get3A_611 = arith.index_cast %mul3A_610 : i32 to index
      %get3A_612 = tpu.vector_load %arg22[%get3A_611] {strides = array<i32>} : memref<512xi32, #tpu.memory_space<vmem>>, vector<16xi32>,
      %add3A_613 = arith.addi %mul3A_608, %get3A_612 : vector<16xi32>
      %mul3A_614 = arith.constant 16 : i32
      %mul3A_615 = arith.muli %scan3A_601, %mul3A_614 : i32
      %swap3A_616 = arith.index_cast %mul3A_615 : i32 to index
      %swap3A_617 = tpu.vector_load %arg23[%swap3A_616] {strides = array<i32>} : memref<512xi32, #tpu.memory_space<vmem>>, vector<16xi32>,
      tpu.vector_store %arg23[%swap3A_616], %add3A_613 {strides = array<i32>} : memref<512xi32, #tpu.memory_space<vmem>>, vector<16xi32>,
    }
    %scan3A_594 = arith.constant 32 : i32
    %dma_start3A_595 = arith.constant 0 : i32
    %dma_start3A_596 = arith.constant 0 : i32
    %dma_start3A_597 = tpu.memref_slice %arg3[%dma_start3A_595, %dma_start3A_596] : memref<1048576x16xf32, #tpu.memory_space<hbm>> -> memref<1048576x16xf32, #tpu.memory_space<hbm>>
    tpu.enqueue_indirect_dma source(%dma_start3A_597 : memref<1048576x16xf32, #tpu.memory_space<hbm>>) target(%arg24 : memref<512x16xf32, #tpu.memory_space<vmem>>) offsets(%arg23 : memref<512xi32, #tpu.memory_space<vmem>>) semaphore(%arg25 : memref<!tpu.dma_semaphore, #tpu.memory_space<semaphore_mem>>)
    %dma_wait3A_598 = arith.constant 0 : i32
    %dma_wait3A_599 = arith.constant 0 : i32
    %dma_wait3A_600 = tpu.memref_slice %arg3[%dma_wait3A_598, %dma_wait3A_599] : memref<1048576x16xf32, #tpu.memory_space<hbm>> -> memref<1048576x16xf32, #tpu.memory_space<hbm>>
    tpu.wait_indirect_dma semaphore(%arg25 : memref<!tpu.dma_semaphore, #tpu.memory_space<semaphore_mem>>) src(%dma_wait3A_600 : memref<1048576x16xf32, #tpu.memory_space<hbm>>) dst(%arg24 : memref<512x16xf32, #tpu.memory_space<vmem>>)
    "tpu.region"() ({
      %run_scoped3A_601 = tpu.sem_alloc : memref<!tpu.dma_semaphore, #tpu.memory_space<semaphore_mem>>
      %dma_start3A_602 = arith.constant 0 : i32
      %dma_start3A_603 = tpu.memref_slice %arg9[%add3A_588, %dma_start3A_602] : memref<65536x16xf32, #tpu.memory_space<hbm>> -> memref<512x16xf32, #tpu.memory_space<hbm>>
      %dma_start3A_604 = arith.constant 0 : i32
      %dma_start3A_605 = tpu.memref_slice %arg9[%add3A_588, %dma_start3A_604] : memref<65536x16xf32, #tpu.memory_space<hbm>> -> memref<512x16xf32, #tpu.memory_space<hbm>>
      tpu.enqueue_dma source(%arg24 : memref<512x16xf32, #tpu.memory_space<vmem>>) target(%dma_start3A_605 : memref<512x16xf32, #tpu.memory_space<hbm>>) target_semaphore(%run_scoped3A_601 : memref<!tpu.dma_semaphore, #tpu.memory_space<semaphore_mem>>)
      %dma_wait3A_606 = arith.constant 0 : i32
      %dma_wait3A_607 = tpu.memref_slice %arg9[%add3A_588, %dma_wait3A_606] : memref<65536x16xf32, #tpu.memory_space<hbm>> -> memref<512x16xf32, #tpu.memory_space<hbm>>
      %dma_wait3A_608 = arith.constant 0 : i32
      %dma_wait3A_609 = tpu.memref_slice %arg9[%add3A_588, %dma_wait3A_608] : memref<65536x16xf32, #tpu.memory_space<hbm>> -> memref<512x16xf32, #tpu.memory_space<hbm>>
      tpu.wait_dma2 semaphore(%run_scoped3A_601 : memref<!tpu.dma_semaphore, #tpu.memory_space<semaphore_mem>>) src(%arg24 : memref<512x16xf32, #tpu.memory_space<vmem>>) dst(%dma_wait3A_609 : memref<512x16xf32, #tpu.memory_space<hbm>>)
      tpu.yield
    }) : () -> ()
    return
  }
}

</mosaic_0001>

<sc_bundles>
// kernel: _run.3.cloned.1.call-start
scs
__scs_entry_jumppad:
0x0: {  	(pc) =	sbr.rel $0x88, $3  }
0x1: {  	(tag) =	ssettag $0x0;
	lr =	simm.s32 $0x1  }
0x2: {  	[smem:$0x3F9B] =	sst lr;
	_ =	strace $0xD0000000  }
0x3: {  	_ = 	snop  }
0x4: {  	_ = 	snop  }
0x5: {  	_ = 	snop  }
0x6: {  	_ = 	snop  }
0x7: {  	_ = 	snop  }
__scs_overlays_trampoline_lowered:
0x8: {  	[smem:$0x3FAA] =	sst s0  }
0x9: {  	[smem:$0x3FAB] =	sst s1  }
0xa: {  	[smem:$0x3FAC] =	sst s2  }
0xb: {  	[smem:$0x3FAD] =	sst s3  }
0xc: {  	[smem:$0x3FAE] =	sst s4  }
0xd: {  	[smem:$0x3FAF] =	sst s5  }
0xe: {  	[smem:$0x3FB0] =	sst s6  }
0xf: {  	[smem:$0x3FB1] =	sst s7  }
0x10: {  	[smem:$0x3FB2] =	sst s8  }
0x11: {  	[smem:$0x3FB3] =	sst s9;
	s0 =	simm.s32 @!p0 $0x0  }
0x12: {  	s1 =	sld [smem:$0x3F99];
	s0 =	simm.s32 @p0 $0x1  }
0x13: {  	[smem:$0x3FB4] =	sst s0;
	s0 =	simm.s32 @!p1 $0x0  }
0x14: {  	s2 =	sld [smem:$0x3F98];
	s0 =	simm.s32 @p1 $0x1  }
0x15: {  	[smem:$0x3FB5] =	sst s0;
	s0 =	simm.s32 @!p2 $0x0  }
0x16: {  	s3 =	sld [smem:$0x3FDB];
	s0 =	simm.s32 @p2 $0x1  }
0x17: {  	s4 =	simm.s32 $0x1BF5;
	[smem:$0x3FB7] =	sst s0  }
0x18: {  	s0 =	sld [smem:$0x3F9A];
	_ =	swait.ge [sflag:s4], $0x0  }
0x19: {  	s7 =	sld [smem:$0x3F9B]  }
0x1a: {  	s8 =	sadd.s32 $0xFFFFE003, lr  }
0x1b: {  	s9 =	sadd.s32 $0xFFFFFEF7, lr;
	s5 =	simm.s32 $0xFFFFFFFF;
	p2 =	slt.u32 s8, $0xFFFFF086  }
0x1c: {  	p1 =	slt.u32 s9, $0xF7A;
	s5 =	simm.s32 @!p2 $0x0  }
0x1d: {  	s5 =	simm.s32 @p1 $0x1;
	p0 =	seq.s32 s7, s2  }
0x1e: {  	s7 =	smul.u32 @!p0 $0xF7A, s2;
	p2 =	seq.s32 @!p0 s5, $0x0  }
0x1f: {  	s9 =	smul.u32 $0xF7A, s1;
	s8 =	simm.s32 @!p0 $0x1BF5;
	p2 =	por !p2, p0  }
0x20: {  	[sflag:s8] =	ssyncset.s32 @!p0 $0xFFFFF086;
	s6 =	sadd.s32 @!p0 s3, s7;
	s7 =	simm.s32 @!p0 $0x108  }
0x21: {  	s3 =	sadd.s32 s3, s9;
	s6 =	sadd.s32 @!p0 $0x88, s6;
	s7 =	simm.s32 @p2 $0x1082  }
0x22: {  	[simem:s7], [sflag:s8] =	dma.local @!p0 [hbm:s6], $0xF7A  }
0x23: {  	s9 =	sor.u32 $0xD0000000, s2;
	s6 =	simm.s32 $0x108;
	_ =	swait.ge @!p0 [sflag:s8], $0x0  }
0x24: {  	s3 =	sadd.s32 $0x88, s3;
	s6 =	simm.s32 @!p1 $0x1082;
	[sflag:s4] =	ssyncset.s32 $0xFFFFF086  }
0x25: {  	[simem:s6], [sflag:s4] =	dma.local [hbm:s3], $0xF7A  }
0x26: {  	[smem:$0x3F9B] =	sst s1;
	(tag) =	ssettag s2;
	_ =	strace s9  }
0x27: {  	s1 =	sld [smem:$0x3FAB]  }
0x28: {  	s2 =	sld [smem:$0x3FAC]  }
0x29: {  	s4 =	sld [smem:$0x3FAE]  }
0x2a: {  	p0 =	seq.s32 s5, $0x0;
	s5 =	sld [smem:$0x3FAF]  }
0x2b: {  	s6 =	sld [smem:$0x3FB0]  }
0x2c: {  	s7 =	sld [smem:$0x3FB1]  }
0x2d: {  	s3 =	simm.s32 $0x108;
	s8 =	sld [smem:$0x3FB2]  }
0x2e: {  	s3 =	simm.s32 @!p0 $0x1082;
	s9 =	sld [smem:$0x3FB3]  }
0x2f: {  	lr =	sadd.s32 s0, s3;
	s0 =	sld [smem:$0x3FAA]  }
0x30: {  	s3 =	sld [smem:$0x3FAD]  }
0x31: {  	[smem:$0x3FB6] =	sst s10  }
0x32: {  	s10 =	sld [smem:$0x3FB4];
	_ =	sdelay $0x3  }
0x33: {  	p0 =	seq.s32 s10, $0x1;
	s10 =	sld [smem:$0x3FB6];
	_ =	sdelay $0x3  }
0x34: {  	[smem:$0x3FB6] =	sst s10  }
0x35: {  	s10 =	sld [smem:$0x3FB5];
	_ =	sdelay $0x3  }
0x36: {  	p1 =	seq.s32 s10, $0x1;
	s10 =	sld [smem:$0x3FB6];
	_ =	sdelay $0x3  }
0x37: {  	[smem:$0x3FB6] =	sst s10  }
0x38: {  	s10 =	sld [smem:$0x3FB7]  }
0x39: {  	_ = 	snop;
	(pc) =	sbr.ind lr, $3  }
0x3a: {  	_ = 	snop  }
0x3b: {  	_ = 	snop  }
0x3c: {  	p2 =	seq.s32 s10, $0x1;
	s10 =	sld [smem:$0x3FB6]  }
0x3d: {  	_ =	shalt  }
0x3e: {  	_ =	shalt  }
0x3f: {  	_ =	shalt  }
0x40: {  	_ =	shalt  }
0x41: {  	_ =	shalt  }
0x42: {  	_ =	shalt  }
0x43: {  	_ =	shalt  }
0x44: {  	_ =	shalt  }
0x45: {  	_ =	shalt  }
0x46: {  	_ =	shalt  }
0x47: {  	_ =	shalt  }
0x48: {  	_ =	shalt  }
0x49: {  	_ =	shalt  }
0x4a: {  	_ =	shalt  }
0x4b: {  	_ =	shalt  }
0x4c: {  	_ =	shalt  }
0x4d: {  	_ =	shalt  }
0x4e: {  	_ =	shalt  }
0x4f: {  	_ =	shalt  }
0x50: {  	_ =	shalt  }
0x51: {  	_ =	shalt  }
0x52: {  	_ =	shalt  }
0x53: {  	_ =	shalt  }
0x54: {  	_ =	shalt  }
0x55: {  	_ =	shalt  }
0x56: {  	_ =	shalt  }
0x57: {  	_ =	shalt  }
0x58: {  	_ =	shalt  }
0x59: {  	_ =	shalt  }
0x5a: {  	_ =	shalt  }
0x5b: {  	_ =	shalt  }
0x5c: {  	_ =	shalt  }
0x5d: {  	_ =	shalt  }
0x5e: {  	_ =	shalt  }
0x5f: {  	_ =	shalt  }
0x60: {  	_ =	shalt  }
0x61: {  	_ =	shalt  }
0x62: {  	_ =	shalt  }
0x63: {  	_ =	shalt  }
0x64: {  	_ =	shalt  }
0x65: {  	_ =	shalt  }
0x66: {  	_ =	shalt  }
0x67: {  	_ =	shalt  }
0x68: {  	_ =	shalt  }
0x69: {  	_ =	shalt  }
0x6a: {  	_ =	shalt  }
0x6b: {  	_ =	shalt  }
0x6c: {  	_ =	shalt  }
0x6d: {  	_ =	shalt  }
0x6e: {  	_ =	shalt  }
0x6f: {  	_ =	shalt  }
0x70: {  	_ =	shalt  }
0x71: {  	_ =	shalt  }
0x72: {  	_ =	shalt  }
0x73: {  	_ =	shalt  }
0x74: {  	_ =	shalt  }
0x75: {  	_ =	shalt  }
0x76: {  	_ =	shalt  }
0x77: {  	_ =	shalt  }
0x78: {  	_ =	shalt  }
0x79: {  	_ =	shalt  }
0x7a: {  	_ =	shalt  }
0x7b: {  	_ =	shalt  }
0x7c: {  	_ =	shalt  }
0x7d: {  	_ =	shalt  }
0x7e: {  	_ =	shalt  }
0x7f: {  	_ =	shalt  }
0x80: {  	_ =	shalt  }
0x81: {  	_ =	shalt  }
0x82: {  	_ =	shalt  }
0x83: {  	_ =	shalt  }
0x84: {  	_ =	shalt  }
0x85: {  	_ =	shalt  }
0x86: {  	_ =	shalt  }
0x87: {  	_ =	shalt  }
.Lfunc_end0:
.L_simem_size_0:
called_computation.1_lowered:
.L_overlay_start_0:
0x88: {  	s2 =	sld [smem:$0x3FD9]  }
0x89: {  	s3 =	sld [smem:$0x3FFE];
	_ =	sdelay $0x1  }
0x8a: {  	s1 =	srdreg.scid  }
0x8b: {  	s0 =	sand.u32 $0x1, s1  }
0x8c: {  	s14 =	sshll.u32 s0, $0xA;
	s2 =	sadd.s32 s3, s2  }
0x8d: {  	s2 =	sadd.s32 s2, s14  }
0x8e: {  	[smem:$0x3FC2] =	sst s2  }
0x8f: {  	_ = 	snop  }
0x90: {  	s2 =	sld [smem:$0x3FD0]  }
0x91: {  	s15 =	sld [smem:$0x3FC6]  }
0x92: {  	s4 =	sld [smem:$0x3FC5]  }
0x93: {  	s6 =	simm.s32 $0xA;
	s7 =	simm.s32 $0x10;
	s5 =	sld [smem:$0x3FC4]  }
0x94: {  	[smem:s7], [sflag:s6] =	dma.local [hbm:s2], $0x1  }
0x95: {  	_ =	swait.eq [sflag:s6], $0x1  }
0x96: {  	s16 =	sld [smem:$0x10];
	[sflag:s6] =	ssyncset.done $0x0  }
0x97: {  	s17 =	sld [smem:$0x11];
	[sflag:s6] =	ssyncadd.s32 $0xFFFFFFFF  }
0x98: {  	s18 =	sld [smem:$0x12];
	(tm) =	ssettm $0x1  }
0x99: {  	s8 =	sld [smem:$0x3FFB];
	_ =	sdelay $0x3  }
0x9a: {  	_ =	strace s8  }
0x9b: {  	s8 =	sld [smem:$0x3FFC];
	_ =	sdelay $0x3  }
0x9c: {  	_ =	strace s8  }
0x9d: {  	s8 =	sld [smem:$0x3FFD];
	_ =	sdelay $0x3  }
0x9e: {  	_ =	strace s8  }
0x9f: {  	_ =	strace $0x8FFFFFFF  }
0xa0: {  	s19 =	sld [smem:$0x3FDB];
	_ =	sdelay $0x1  }
0xa1: {  	s9 =	simm.s32 $_scs_section_size  }
0xa2: {  	s10 =	simm.s32 $_size__tile_overlayer_lowered;
	s11 =	simm.s32 $_tile_overlayer_lowered  }
0xa3: {  	s22 =	simm.s32 $0x1BFF;
	s21 =	sshll.u32 s11, $0x1;
	s8 =	sadd.s32 s9, s19  }
0xa4: {  	s12 =	simm.s32 $0x0;
	s20 =	sshll.u32 s10, $0x1;
	s10 =	sadd.s32 s21, s8  }
0xa5: {  	[timem:s12], [sflag:s22] =	dma.local [hbm:s10], s20  }
0xa6: {  	_ =	swait.ge [sflag:s22], s20  }
0xa7: {  	s9 =	ssub.s32 $0x0, s20;
	[sflag:s22] =	ssyncset.done $0x0  }
0xa8: {  	[sflag:s22] =	ssyncadd.s32 s9;
	_ =	sdelay $0x1  }
0xa9: {  	s23 =	simm.s32 $0x1B8B  }
0xaa: {  	_ =	swait.ge [sflag:s23], $0x1  }
0xab: {  	[sflag:s23] =	ssyncset.done $0x0  }
0xac: {  	s25 =	simm.s32 $0x1B8E;
	s24 =	sld [smem:$0x3FFE];
	[sflag:s23] =	ssyncadd.s32 $0xFFFFFFFF  }
0xad: {  	s26 =	simm.s32 $execute0_lowered;
	[smem:$0x3FD2] =	sst s25  }
0xae: {  	s10 =	sshll.u32 s26, $0x1;
	_ =	strace $0x80000049;
	[dreg:$0x1] =	wrdreg $0xFFFFFFFF  }
0xaf: {  	s28 =	simm.s32 $_size_execute0_lowered;
	s8 =	sadd.s32 s8, s10;
	[dreg:$0x0] =	wrdreg $0x0  }
0xb0: {  	s10 =	sshll.u32 s28, $0x1;
	[dreg:$0x2] =	wrdreg s8  }
0xb1: {  	[dreg:$0x3] =	wrdreg s10  }
0xb2: {  	[dreg:$0x4] =	wrdreg $0xC0  }
0xb3: {  	_ =	task [dreg:s12], $0x5FFFF  }
0xb4: {  	[dreg:$0x1] =	wrdreg $0xFFFFFFFF  }
0xb5: {  	[dreg:$0x0] =	wrdreg $0x60  }
0xb6: {  	[dreg:$0x2] =	wrdreg s24  }
0xb7: {  	[dreg:$0x3] =	wrdreg s16  }
0xb8: {  	[dreg:$0x4] =	wrdreg s15  }
0xb9: {  	[dreg:$0x5] =	wrdreg s4  }
0xba: {  	[dreg:$0x6] =	wrdreg s5  }
0xbb: {  	[dreg:$0x7] =	wrdreg s17  }
0xbc: {  	[dreg:$0x8] =	wrdreg s18  }
0xbd: {  	[dreg:$0x9] =	wrdreg $0x8000  }
0xbe: {  	[dreg:$0xa] =	wrdreg $0x9  }
0xbf: {  	_ =	task.clear_ibuf [dreg:s12], $0xBFFFF;
	_ =	strace $0x90000049  }
0xc0: {  	s29 =	simm.s32 $0x9;
	_ =	strace $0x8000004B  }
0xc1: {  	_ =	swait.ge [sflag:s29], $0x1  }
0xc2: {  	[sflag:s29] =	ssyncadd.s32 $0xFFFFFFFF  }
0xc3: {  	_ =	strace $0x9000004B  }
0xc4: {  	_ =	sfence  }
0xc5: {  	s30 =	sld [smem:$0x0];
	_ =	sdelay $0x2  }
0xc6: {  	s31 =	sshll.u32 s1, $0xD;
	s1 =	sshrl.u32 s1, $0x2  }
0xc7: {  	s3 =	sand.u32 $0x4000, s31;
	s1 =	sadd.s32 s1, s30  }
0xc8: {  	s0 =	sor.u32 s3, s0;
	s1 =	sshll.u32 s1, $0x11  }
0xc9: {  	s0 =	sor.u32 s1, s0  }
0xca: {  	s0 =	sadd.s32 $0x8F2B, s0  }
0xcb: {  	[sflag:s0] =	ssyncadd.remote.s32 $0x1  }
0xcc: {  	_ =	sfence.sel $0xFFFF  }
0xcd: {  	[dreg:$0x0] =	wrdreg $0xFFFFFFFF;
	(pc) =	sbr.abs _section_cstart, $3  }
0xce: {  	[dreg:$0x1] =	wrdreg $0xFFFFFFFF  }
0xcf: {  	_ =	task.clear_ibuf [dreg:s12], $0x2FFFF;
	_ =	strace $0x9FFFFFFF  }
0xd0: {  	(tm) =	ssettm $0x7FFFFFFF  }
0xd1: {  	_ =	shalt  }
tec
execute0_lowered:
.L_overlay_start_1:
0x0: {  	(tag) =	ssettag $0x1  }
0x1: {  	s0 =	rddreg [dreg:$0x0]  }
0x2: {  	s1 =	rddreg [dreg:$0x2]  }
0x3: {  	s2 =	rddreg [dreg:$0x3]  }
0x4: {  	s3 =	rddreg [dreg:$0x4]  }
0x5: {  	s5 =	rddreg [dreg:$0x5]  }
0x6: {  	s14 =	rddreg [dreg:$0x6]  }
0x7: {  	s6 =	rddreg [dreg:$0x7];
	s7 =	srdreg.scid  }
0x8: {  	s4 =	simm.s32 $0x0;
	s15 =	stileid.u32;
	s28 =	simm.s32 $0x20  }
0x9: {  	s29 =	simm.s32 $0x4E40;
	s30 =	simm.s32 $0x1;
	s7 =	sand.u32 $0x1, s7  }
0xa: {  	[smem:$0x7FF] =	sst s4;
	s11 =	sshll.u32 s15, $0x7;
	s8 =	sshll.u32 s7, $0x4  }
0xb: {  	_ =	strace $0x8000004A;
	s7 =	ssub.s32 $0x2, s7;
	s25 =	sadd.s32 s1, s11  }
0xc: {  	s8 =	sor.u32 s15, s8;
	s10 =	sshrl.u32 s7, $0x1;
	[dreg:$0x9] =	wrdreg s25  }
0xd: {  	s9 =	sshll.u32 s8, $0xF;
	s7 =	ssub.s32 s7, s10;
	s26 =	sshll.u32 s8, $0x6  }
0xe: {  	s10 =	sshll.u32 s8, $0xB;
	s12 =	sshll.u32 s8, $0x8;
	s1 =	sadd.s32 s1, s26  }
0xf: {  	s13 =	sor.u32 $0x200, s10;
	s16 =	sadd.s32 s2, s12;
	[dreg:$0xa] =	wrdreg s1  }
0x10: {  	s18 =	sadd.s32 s3, s12;
	s20 =	sor.u32 $0x400, s10;
	[dreg:$0xb] =	wrdreg s16  }
0x11: {  	s11 =	sadd.s32 s9, s0;
	s14 =	sadd.s32 s14, s10;
	[dreg:$0xc] =	wrdreg s18  }
0x12: {  	s17 =	sshrl.u32 s13, $0x3;
	[dreg:$0x19] =	wrdreg s14;
	s18 =	sadd.s32 $0x14000, s11  }
0x13: {  	s22 =	sor.u32 $0x600, s10;
	s19 =	sadd.s32 s2, s17;
	[dreg:$0x1d] =	wrdreg s18  }
0x14: {  	s21 =	sshrl.u32 s20, $0x3;
	s1 =	sadd.s32 s3, s17;
	[dreg:$0xd] =	wrdreg s19  }
0x15: {  	s23 =	sshrl.u32 s22, $0x3;
	s16 =	sadd.s32 s2, s21;
	[dreg:$0xe] =	wrdreg s1  }
0x16: {  	s31 =	simm.s32 $0x8E40;
	s2 =	sadd.s32 s2, s23;
	[dreg:$0xf] =	wrdreg s16  }
0x17: {  	s24 =	sshll.u32 s8, $0xC;
	s17 =	sadd.s32 $0x13000, s11;
	[dreg:$0x11] =	wrdreg s2  }
0x18: {  	s26 =	sshll.u32 s20, $0x1;
	s1 =	sadd.s32 s3, s21;
	[dreg:$0x1c] =	wrdreg s17  }
0x19: {  	s25 =	sshll.u32 s13, $0x1;
	s2 =	sadd.s32 s5, s26;
	[dreg:$0x10] =	wrdreg s1  }
0x1a: {  	s21 =	sshll.u32 s15, $0xA;
	s15 =	sadd.s32 $0x11000, s11;
	[dreg:$0x15] =	wrdreg s2  }
0x1b: {  	s20 =	sadd.s32 $0x1001000, s0;
	s16 =	sadd.s32 $0x12000, s11;
	[dreg:$0x1a] =	wrdreg s15  }
0x1c: {  	s19 =	sadd.s32 $0x1000, s0;
	s26 =	smax.u32 s7, $0x1;
	[dreg:$0x1b] =	wrdreg s16  }
0x1d: {  	s0 =	sshll.u32 s8, $0x5;
	s1 =	sadd.s32 s3, s23;
	[smem:$0x7F4] =	sst s26  }
0x1e: {  	s3 =	sshll.u32 s22, $0x1;
	s12 =	sadd.s32 s21, s6;
	[dreg:$0x12] =	wrdreg s1  }
0x1f: {  	s23 =	sadd.s32 s0, s6;
	s13 =	sadd.s32 s19, s10;
	[dreg:$0x17] =	wrdreg s12  }
0x20: {  	s2 =	sor.u32 $0x400, s8;
	s22 =	sadd.s32 $0x15000, s11;
	[dreg:$0x18] =	wrdreg s13  }
0x21: {  	s26 =	simm.s32 $0xE40;
	s1 =	sadd.s32 s5, s24;
	[dreg:$0x1e] =	wrdreg s22  }
0x22: {  	s24 =	sadd.s32 $0x16000, s11;
	s6 =	sadd.s32 $0xC00, s23;
	s7 =	sadd.s32 $0x1000, s23  }
0x23: {  	s8 =	sadd.s32 $0x1400, s23;
	s9 =	sadd.s32 $0x1800, s23;
	[dreg:$0x13] =	wrdreg s1  }
0x24: {  	s10 =	sadd.s32 $0x1C00, s23;
	s12 =	sadd.s32 $0x2400, s23;
	[dreg:$0x1f] =	wrdreg s24  }
0x25: {  	s14 =	sadd.s32 $0x2800, s23;
	s15 =	sadd.s32 $0x2C00, s23;
	[smem:$0x7F7] =	sst s6  }
0x26: {  	s16 =	sadd.s32 $0x3000, s23;
	s17 =	sadd.s32 $0x3400, s23;
	[smem:$0x7F8] =	sst s7  }
0x27: {  	v1 =	vlaneseq.u32;
	s18 =	sadd.s32 $0x3800, s23;
	s22 =	sadd.s32 $0x3C00, s23;
	[smem:$0x7F9] =	sst s8  }
0x28: {  	v2 =	vor.u32 s0, v1;
	s13 =	sor.u32 $0x10, s0;
	s0 =	simm.s32 $0x11040;
	[smem:$0x7FA] =	sst s9  }
0x29: {  	v0 =	vmov s2;
	s2 =	simm.s32 $0x2;
	s1 =	sadd.s32 s5, s25;
	[smem:$0x7FB] =	sst s10  }
0x2a: {  	s25 =	sadd.s32 $0x17000, s11;
	[smem:$0x7FD] =	sst s12;
	s24 =	simm.s32 $0x3  }
0x2b: {  	s6 =	simm.s32 $0x19240;
	s7 =	simm.s32 $0x200;
	[dreg:$0x14] =	wrdreg s1  }
0x2c: {  	v4 =	vimm.s32 $0xFFFFFFFF;
	vm0 =	vcmask $0x704;
	s8 =	simm.s32 $0x19440;
	s1 =	sadd.s32 s5, s3;
	[smem:$0x7F2] =	sst s25  }
0x2d: {  	vm1 =	vcmask $0xB08;
	vm2 =	vcmask $0xF0C;
	vm14 =	vcmask $0x3F3C;
	s9 =	simm.s32 $0x19640;
	s3 =	sadd.s32 $0x400, s23;
	[dreg:$0x16] =	wrdreg s1  }
0x2e: {  	vm3 =	vcmask $0x1310;
	vm4 =	vcmask $0x1714;
	vm5 =	vcmask $0x1B18;
	s10 =	simm.s32 $0x0;
	s5 =	sadd.s32 $0x800, s23;
	[smem:$0x7F5] =	sst s3  }
0x2f: {  	vm6 =	vcmask $0x1F1C;
	vm7 =	vcmask $0x2320;
	vm8 =	vcmask $0x2724;
	s25 =	simm.s32 $0x400;
	s1 =	sadd.s32 $0x18000, s11;
	[smem:$0x7F6] =	sst s5  }
0x30: {  	vm9 =	vcmask $0x2B28;
	vm10 =	vcmask $0x2F2C;
	vm11 =	vcmask $0x3330;
	s11 =	sadd.s32 $0x2000, s23;
	s3 =	simm.s32 $0x9040;
	[smem:$0x7F3] =	sst s1  }
0x31: {  	vm12 =	vcmask $0x3734;
	vm13 =	vcmask $0x3B38;
	v3 =	vor.u32 s13, v1;
	s5 =	simm.s32 $0x19040;
	[smem:$0x7FC] =	sst s11;
	s1 =	simm.s32 $0x40  }
.LBB2_1:
0x32: {  	s11 =	rddreg [dreg:$0x9]  }
0x33: {  	[tilespmem:s4], [sflag:$0x3] =	stream.linear.gather [hbm4b:s11+s4], $0x400, $0x38;
	[tilespmem:$0x1B640] =	vst v63  }
0x34: {  	_ =	swait.ge [sflag:s24], $0x400  }
0x35: {  	[sflag:s24] =	ssyncset.done $0x0  }
0x36: {  	[sflag:s24] =	ssyncadd.s32 $0xFFFFFC00  }
0x37: {  	[tilespmem:$0x400] =	vst v4  }
0x38: {  	[tilespmem:$0x410] =	vst v4  }
0x39: {  	[tilespmem:$0x420] =	vst v4  }
0x3a: {  	[tilespmem:$0x430] =	vst v4  }
0x3b: {  	[tilespmem:$0x440] =	vst v4  }
0x3c: {  	[tilespmem:$0x450] =	vst v4  }
0x3d: {  	[tilespmem:$0x460] =	vst v4  }
0x3e: {  	[tilespmem:$0x470] =	vst v4  }
0x3f: {  	[tilespmem:$0x480] =	vst v4  }
0x40: {  	[tilespmem:$0x490] =	vst v4  }
0x41: {  	[tilespmem:$0x4A0] =	vst v4  }
0x42: {  	[tilespmem:$0x4B0] =	vst v4  }
0x43: {  	[tilespmem:$0x4C0] =	vst v4  }
0x44: {  	[tilespmem:$0x4D0] =	vst v4  }
0x45: {  	[tilespmem:$0x4E0] =	vst v4  }
0x46: {  	[tilespmem:$0x4F0] =	vst v4  }
0x47: {  	[tilespmem:$0x500] =	vst v4  }
0x48: {  	[tilespmem:$0x510] =	vst v4  }
0x49: {  	[tilespmem:$0x520] =	vst v4  }
0x4a: {  	[tilespmem:$0x530] =	vst v4  }
0x4b: {  	[tilespmem:$0x540] =	vst v4  }
0x4c: {  	[tilespmem:$0x550] =	vst v4  }
0x4d: {  	[tilespmem:$0x560] =	vst v4  }
0x4e: {  	[tilespmem:$0x570] =	vst v4  }
0x4f: {  	[tilespmem:$0x580] =	vst v4  }
0x50: {  	[tilespmem:$0x590] =	vst v4  }
0x51: {  	[tilespmem:$0x5A0] =	vst v4  }
0x52: {  	[tilespmem:$0x5B0] =	vst v4  }
0x53: {  	[tilespmem:$0x5C0] =	vst v4  }
0x54: {  	[tilespmem:$0x5D0] =	vst v4  }
0x55: {  	[tilespmem:$0x5E0] =	vst v4  }
0x56: {  	[tilespmem:$0x5F0] =	vst v4  }
0x57: {  	[tilespmem:$0x600] =	vst v4  }
0x58: {  	[tilespmem:$0x610] =	vst v4  }
0x59: {  	[tilespmem:$0x620] =	vst v4  }
0x5a: {  	[tilespmem:$0x630] =	vst v4  }
0x5b: {  	[tilespmem:$0x640] =	vst v4  }
0x5c: {  	[tilespmem:$0x650] =	vst v4  }
0x5d: {  	[tilespmem:$0x660] =	vst v4  }
0x5e: {  	[tilespmem:$0x670] =	vst v4  }
0x5f: {  	[tilespmem:$0x680] =	vst v4  }
0x60: {  	[tilespmem:$0x690] =	vst v4  }
0x61: {  	[tilespmem:$0x6A0] =	vst v4  }
0x62: {  	[tilespmem:$0x6B0] =	vst v4  }
0x63: {  	[tilespmem:$0x6C0] =	vst v4  }
0x64: {  	[tilespmem:$0x6D0] =	vst v4  }
0x65: {  	[tilespmem:$0x6E0] =	vst v4  }
0x66: {  	[tilespmem:$0x6F0] =	vst v4  }
0x67: {  	[tilespmem:$0x700] =	vst v4  }
0x68: {  	[tilespmem:$0x710] =	vst v4  }
0x69: {  	[tilespmem:$0x720] =	vst v4  }
0x6a: {  	[tilespmem:$0x730] =	vst v4  }
0x6b: {  	[tilespmem:$0x740] =	vst v4  }
0x6c: {  	[tilespmem:$0x750] =	vst v4  }
0x6d: {  	[tilespmem:$0x760] =	vst v4  }
0x6e: {  	[tilespmem:$0x770] =	vst v4  }
0x6f: {  	[tilespmem:$0x780] =	vst v4  }
0x70: {  	[tilespmem:$0x790] =	vst v4  }
0x71: {  	[tilespmem:$0x7A0] =	vst v4  }
0x72: {  	[tilespmem:$0x7B0] =	vst v4  }
0x73: {  	[tilespmem:$0x7C0] =	vst v4  }
0x74: {  	[tilespmem:$0x7D0] =	vst v4  }
0x75: {  	[tilespmem:$0x7E0] =	vst v4  }
0x76: {  	[tilespmem:$0x7F0] =	vst v4  }
0x77: {  	v5 =	vld [tilespmem:s4+$0x0];
	_ =	sdelay $0x5  }
0x78: {  	s13 =	sadd.s32 $0x0, s21  }
0x79: {  	v6 =	vor.u32 s13, v1  }
0x7a: {  	[tilespmem:v5+s25+$0x0] =	vst.idx.msk $0x1, v6  }
0x7b: {  	[tilespmem:v5+s25+$0x0] =	vst.idx.msk vm0, v6  }
0x7c: {  	[tilespmem:v5+s25+$0x0] =	vst.idx.msk vm1, v6  }
0x7d: {  	[tilespmem:v5+s25+$0x0] =	vst.idx.msk vm2, v6  }
0x7e: {  	[tilespmem:v5+s25+$0x0] =	vst.idx.msk vm3, v6  }
0x7f: {  	[tilespmem:v5+s25+$0x0] =	vst.idx.msk vm4, v6  }
0x80: {  	[tilespmem:v5+s25+$0x0] =	vst.idx.msk vm5, v6  }
0x81: {  	[tilespmem:v5+s25+$0x0] =	vst.idx.msk vm6, v6  }
0x82: {  	[tilespmem:v5+s25+$0x0] =	vst.idx.msk vm7, v6  }
0x83: {  	[tilespmem:v5+s25+$0x0] =	vst.idx.msk vm8, v6  }
0x84: {  	[tilespmem:v5+s25+$0x0] =	vst.idx.msk vm9, v6  }
0x85: {  	[tilespmem:v5+s25+$0x0] =	vst.idx.msk vm10, v6  }
0x86: {  	[tilespmem:v5+s25+$0x0] =	vst.idx.msk vm11, v6  }
0x87: {  	[tilespmem:v5+s25+$0x0] =	vst.idx.msk vm12, v6  }
0x88: {  	s12 =	simm.s32 $0x0;
	s11 =	simm.s32 $0x10;
	[tilespmem:v5+s25+$0x0] =	vst.idx.msk vm13, v6  }
.LBB2_2:
0x89: {  	p0 =	sne.s32 s11, $0x3F0  }
0x8a: {  	[tilespmem:v5+s25+$0x0] =	vst.idx.msk vm14, v6;
	s12 =	sadd.s32 $0x10, s12;
	s13 =	smov.u32 s11;
	s11 =	sadd.s32 $0x10, s11  }
0x8b: {  	v5 =	vld [tilespmem:s12+$0x0];
	_ =	sdelay $0x5  }
0x8c: {  	s13 =	sadd.s32 s21, s13  }
0x8d: {  	v6 =	vor.u32 s13, v1  }
0x8e: {  	[tilespmem:v5+s25+$0x0] =	vst.idx.msk $0x1, v6  }
0x8f: {  	[tilespmem:v5+s25+$0x0] =	vst.idx.msk vm0, v6  }
0x90: {  	[tilespmem:v5+s25+$0x0] =	vst.idx.msk vm1, v6  }
0x91: {  	[tilespmem:v5+s25+$0x0] =	vst.idx.msk vm2, v6  }
0x92: {  	[tilespmem:v5+s25+$0x0] =	vst.idx.msk vm3, v6  }
0x93: {  	[tilespmem:v5+s25+$0x0] =	vst.idx.msk vm4, v6  }
0x94: {  	[tilespmem:v5+s25+$0x0] =	vst.idx.msk vm5, v6  }
0x95: {  	[tilespmem:v5+s25+$0x0] =	vst.idx.msk vm6, v6  }
0x96: {  	[tilespmem:v5+s25+$0x0] =	vst.idx.msk vm7, v6  }
0x97: {  	[tilespmem:v5+s25+$0x0] =	vst.idx.msk vm8, v6  }
.Ltmp0:
0x98: {  	[tilespmem:v5+s25+$0x0] =	vst.idx.msk vm9, v6;
	(pc) =	sbr.rel @p0 .LBB2_2-.Ltmp0, $4  }
0x99: {  	[tilespmem:v5+s25+$0x0] =	vst.idx.msk vm10, v6  }
0x9a: {  	[tilespmem:v5+s25+$0x0] =	vst.idx.msk vm11, v6  }
0x9b: {  	[tilespmem:v5+s25+$0x0] =	vst.idx.msk vm12, v6  }
0x9c: {  	[tilespmem:v5+s25+$0x0] =	vst.idx.msk vm13, v6  }
0x9d: {  	_ =	sdelay $0x4  }
0x9e: {  	[tilespmem:v5+s25+$0x0] =	vst.idx.msk vm14, v6;
	s11 =	rddreg [dreg:$0x17]  }
0x9f: {  	[spmem:s11] =	stream.linear.scatter [tilespmem:s25], [sflag:$0x3], $0x400, $0x38;
	[tilespmem:$0x1B640] =	vst v63  }
0xa0: {  	_ =	swait.ge [sflag:s24], $0x400  }
0xa1: {  	[sflag:s24] =	ssyncset.done $0x0  }
0xa2: {  	[sflag:s24] =	ssyncadd.s32 $0xFFFFFC00  }
0xa3: {  	s12 =	simm.s32 $0xC00;
	[bflag:$0x0] =	sbarrier.arrive $0xFFFF  }
0xa4: {  	[tilespmem:s12], [sflag:$0x3] =	stream.linear.gather [spmem:s23], $0x20, $0x38;
	[tilespmem:$0x1B640] =	vst v63  }
0xa5: {  	_ =	swait.ge [sflag:s24], $0x20  }
0xa6: {  	s13 =	sld [smem:$0x7F5]  }
0xa7: {  	[sflag:s24] =	ssyncset.done $0x0  }
0xa8: {  	s12 =	simm.s32 $0xC20;
	[sflag:s24] =	ssyncadd.s32 $0xFFFFFFE0  }
0xa9: {  	[tilespmem:s12], [sflag:$0x3] =	stream.linear.gather [spmem:s13], $0x20, $0x38;
	[tilespmem:$0x1B640] =	vst v63  }
0xaa: {  	_ =	swait.ge [sflag:s24], $0x20  }
0xab: {  	s12 =	sld [smem:$0x7F6]  }
0xac: {  	[sflag:s24] =	ssyncset.done $0x0  }
0xad: {  	s13 =	simm.s32 $0xC40;
	[sflag:s24] =	ssyncadd.s32 $0xFFFFFFE0  }
0xae: {  	[tilespmem:s13], [sflag:$0x3] =	stream.linear.gather [spmem:s12], $0x20, $0x38;
	[tilespmem:$0x1B640] =	vst v63  }
0xaf: {  	_ =	swait.ge [sflag:s24], $0x20  }
0xb0: {  	s12 =	sld [smem:$0x7F7]  }
0xb1: {  	[sflag:s24] =	ssyncset.done $0x0  }
0xb2: {  	s13 =	simm.s32 $0xC60;
	[sflag:s24] =	ssyncadd.s32 $0xFFFFFFE0  }
0xb3: {  	[tilespmem:s13], [sflag:$0x3] =	stream.linear.gather [spmem:s12], $0x20, $0x38;
	[tilespmem:$0x1B640] =	vst v63  }
0xb4: {  	_ =	swait.ge [sflag:s24], $0x20  }
0xb5: {  	s12 =	sld [smem:$0x7F8]  }
0xb6: {  	[sflag:s24] =	ssyncset.done $0x0  }
0xb7: {  	s13 =	simm.s32 $0xC80;
	[sflag:s24] =	ssyncadd.s32 $0xFFFFFFE0  }
0xb8: {  	[tilespmem:s13], [sflag:$0x3] =	stream.linear.gather [spmem:s12], $0x20, $0x38;
	[tilespmem:$0x1B640] =	vst v63  }
0xb9: {  	_ =	swait.ge [sflag:s24], $0x20  }
0xba: {  	s12 =	sld [smem:$0x7F9]  }
0xbb: {  	[sflag:s24] =	ssyncset.done $0x0  }
0xbc: {  	s13 =	simm.s32 $0xCA0;
	[sflag:s24] =	ssyncadd.s32 $0xFFFFFFE0  }
0xbd: {  	[tilespmem:s13], [sflag:$0x3] =	stream.linear.gather [spmem:s12], $0x20, $0x38;
	[tilespmem:$0x1B640] =	vst v63  }
0xbe: {  	_ =	swait.ge [sflag:s24], $0x20  }
0xbf: {  	s12 =	sld [smem:$0x7FA]  }
0xc0: {  	[sflag:s24] =	ssyncset.done $0x0  }
0xc1: {  	s13 =	simm.s32 $0xCC0;
	[sflag:s24] =	ssyncadd.s32 $0xFFFFFFE0  }
0xc2: {  	[tilespmem:s13], [sflag:$0x3] =	stream.linear.gather [spmem:s12], $0x20, $0x38;
	[tilespmem:$0x1B640] =	vst v63  }
0xc3: {  	_ =	swait.ge [sflag:s24], $0x20  }
0xc4: {  	s12 =	sld [smem:$0x7FB]  }
0xc5: {  	[sflag:s24] =	ssyncset.done $0x0  }
0xc6: {  	s13 =	simm.s32 $0xCE0;
	[sflag:s24] =	ssyncadd.s32 $0xFFFFFFE0  }
0xc7: {  	[tilespmem:s13], [sflag:$0x3] =	stream.linear.gather [spmem:s12], $0x20, $0x38;
	[tilespmem:$0x1B640] =	vst v63  }
0xc8: {  	_ =	swait.ge [sflag:s24], $0x20  }
0xc9: {  	s12 =	sld [smem:$0x7FC]  }
0xca: {  	[sflag:s24] =	ssyncset.done $0x0  }
0xcb: {  	s13 =	simm.s32 $0xD00;
	[sflag:s24] =	ssyncadd.s32 $0xFFFFFFE0  }
0xcc: {  	[tilespmem:s13], [sflag:$0x3] =	stream.linear.gather [spmem:s12], $0x20, $0x38;
	[tilespmem:$0x1B640] =	vst v63  }
0xcd: {  	_ =	swait.ge [sflag:s24], $0x20  }
0xce: {  	s12 =	sld [smem:$0x7FD]  }
0xcf: {  	[sflag:s24] =	ssyncset.done $0x0  }
0xd0: {  	s13 =	simm.s32 $0xD20;
	[sflag:s24] =	ssyncadd.s32 $0xFFFFFFE0  }
0xd1: {  	[tilespmem:s13], [sflag:$0x3] =	stream.linear.gather [spmem:s12], $0x20, $0x38;
	[tilespmem:$0x1B640] =	vst v63  }
0xd2: {  	_ =	swait.ge [sflag:s24], $0x20  }
0xd3: {  	[sflag:s24] =	ssyncset.done $0x0  }
0xd4: {  	s13 =	simm.s32 $0xD40;
	[sflag:s24] =	ssyncadd.s32 $0xFFFFFFE0  }
0xd5: {  	[tilespmem:s13], [sflag:$0x3] =	stream.linear.gather [spmem:s14], $0x20, $0x38;
	[tilespmem:$0x1B640] =	vst v63  }
0xd6: {  	_ =	swait.ge [sflag:s24], $0x20  }
0xd7: {  	[sflag:s24] =	ssyncset.done $0x0  }
0xd8: {  	s12 =	simm.s32 $0xD60;
	[sflag:s24] =	ssyncadd.s32 $0xFFFFFFE0  }
0xd9: {  	[tilespmem:s12], [sflag:$0x3] =	stream.linear.gather [spmem:s15], $0x20, $0x38;
	[tilespmem:$0x1B640] =	vst v63  }
0xda: {  	_ =	swait.ge [sflag:s24], $0x20  }
0xdb: {  	[sflag:s24] =	ssyncset.done $0x0  }
0xdc: {  	s13 =	simm.s32 $0xD80;
	[sflag:s24] =	ssyncadd.s32 $0xFFFFFFE0  }
0xdd: {  	[tilespmem:s13], [sflag:$0x3] =	stream.linear.gather [spmem:s16], $0x20, $0x38;
	[tilespmem:$0x1B640] =	vst v63  }
0xde: {  	_ =	swait.ge [sflag:s24], $0x20  }
0xdf: {  	[sflag:s24] =	ssyncset.done $0x0  }
0xe0: {  	s12 =	simm.s32 $0xDA0;
	[sflag:s24] =	ssyncadd.s32 $0xFFFFFFE0  }
0xe1: {  	[tilespmem:s12], [sflag:$0x3] =	stream.linear.gather [spmem:s17], $0x20, $0x38;
	[tilespmem:$0x1B640] =	vst v63  }
0xe2: {  	_ =	swait.ge [sflag:s24], $0x20  }
0xe3: {  	[sflag:s24] =	ssyncset.done $0x0  }
0xe4: {  	s13 =	simm.s32 $0xDC0;
	[sflag:s24] =	ssyncadd.s32 $0xFFFFFFE0  }
0xe5: {  	[tilespmem:s13], [sflag:$0x3] =	stream.linear.gather [spmem:s18], $0x20, $0x38;
	[tilespmem:$0x1B640] =	vst v63  }
0xe6: {  	_ =	swait.ge [sflag:s24], $0x20  }
0xe7: {  	[sflag:s24] =	ssyncset.done $0x0  }
0xe8: {  	s12 =	simm.s32 $0xDE0;
	[sflag:s24] =	ssyncadd.s32 $0xFFFFFFE0  }
0xe9: {  	[tilespmem:s12], [sflag:$0x3] =	stream.linear.gather [spmem:s22], $0x20, $0x38;
	[tilespmem:$0x1B640] =	vst v63  }
0xea: {  	_ =	swait.ge [sflag:s24], $0x20  }
0xeb: {  	[sflag:s24] =	ssyncset.done $0x0  }
0xec: {  	[sflag:s24] =	ssyncadd.s32 $0xFFFFFFE0  }
0xed: {  	v5 =	vld [tilespmem:$0xC00]  }
0xee: {  	v6 =	vld [tilespmem:$0xC10]  }
0xef: {  	v7 =	vld [tilespmem:$0xC20]  }
0xf0: {  	v8 =	vld [tilespmem:$0xC30]  }
0xf1: {  	v9 =	vld [tilespmem:$0xC40]  }
0xf2: {  	v10 =	vld [tilespmem:$0xC50]  }
0xf3: {  	v11 =	vld [tilespmem:$0xC60]  }
0xf4: {  	v12 =	vld [tilespmem:$0xC70];
	vm15 =	vgt.s32 v5, v7  }
0xf5: {  	v5 =	vsel vm15, v5, v7;
	vm15 =	vgt.s32 v6, v8;
	v7 =	vld [tilespmem:$0xC80]  }
0xf6: {  	v6 =	vsel vm15, v6, v8;
	vm15 =	vgt.s32 v5, v9;
	v8 =	vld [tilespmem:$0xC90]  }
0xf7: {  	v48 =	vld [tilespmem:$0xCA0];
	v5 =	vsel vm15, v5, v9;
	vm15 =	vgt.s32 v6, v10  }
0xf8: {  	v49 =	vld [tilespmem:$0xCB0];
	v6 =	vsel vm15, v6, v10;
	vm15 =	vgt.s32 v5, v11  }
0xf9: {  	v50 =	vld [tilespmem:$0xCC0];
	v5 =	vsel vm15, v5, v11;
	vm15 =	vgt.s32 v6, v12  }
0xfa: {  	v51 =	vld [tilespmem:$0xCD0];
	v6 =	vsel vm15, v6, v12;
	vm15 =	vgt.s32 v5, v7  }
0xfb: {  	v5 =	vsel vm15, v5, v7;
	vm15 =	vgt.s32 v6, v8;
	v7 =	vld [tilespmem:$0xCE0]  }
0xfc: {  	v6 =	vsel vm15, v6, v8;
	vm15 =	vgt.s32 v5, v48;
	v8 =	vld [tilespmem:$0xCF0]  }
0xfd: {  	v52 =	vld [tilespmem:$0xD00];
	v5 =	vsel vm15, v5, v48;
	vm15 =	vgt.s32 v6, v49  }
0xfe: {  	v53 =	vld [tilespmem:$0xD10];
	v6 =	vsel vm15, v6, v49;
	vm15 =	vgt.s32 v5, v50  }
0xff: {  	v54 =	vld [tilespmem:$0xD20];
	v5 =	vsel vm15, v5, v50;
	vm15 =	vgt.s32 v6, v51  }
0x100: {  	v55 =	vld [tilespmem:$0xD30];
	v6 =	vsel vm15, v6, v51;
	vm15 =	vgt.s32 v5, v7  }
0x101: {  	v5 =	vsel vm15, v5, v7;
	vm15 =	vgt.s32 v6, v8;
	v7 =	vld [tilespmem:$0xD40]  }
0x102: {  	v6 =	vsel vm15, v6, v8;
	vm15 =	vgt.s32 v5, v52;
	v8 =	vld [tilespmem:$0xD50]  }
0x103: {  	v56 =	vld [tilespmem:$0xD60];
	v5 =	vsel vm15, v5, v52;
	vm15 =	vgt.s32 v6, v53  }
0x104: {  	v57 =	vld [tilespmem:$0xD70];
	v6 =	vsel vm15, v6, v53;
	vm15 =	vgt.s32 v5, v54  }
0x105: {  	v58 =	vld [tilespmem:$0xD80];
	v5 =	vsel vm15, v5, v54;
	vm15 =	vgt.s32 v6, v55  }
0x106: {  	v59 =	vld [tilespmem:$0xD90];
	v6 =	vsel vm15, v6, v55;
	vm15 =	vgt.s32 v5, v7  }
0x107: {  	v5 =	vsel vm15, v5, v7;
	vm15 =	vgt.s32 v6, v8;
	v7 =	vld [tilespmem:$0xDA0]  }
0x108: {  	v6 =	vsel vm15, v6, v8;
	vm15 =	vgt.s32 v5, v56;
	v8 =	vld [tilespmem:$0xDB0]  }
0x109: {  	v60 =	vld [tilespmem:$0xDC0];
	v5 =	vsel vm15, v5, v56;
	vm15 =	vgt.s32 v6, v57  }
0x10a: {  	v61 =	vld [tilespmem:$0xDD0];
	v6 =	vsel vm15, v6, v57;
	vm15 =	vgt.s32 v5, v58  }
0x10b: {  	v62 =	vld [tilespmem:$0xDE0];
	v5 =	vsel vm15, v5, v58;
	vm15 =	vgt.s32 v6, v59  }
0x10c: {  	v63 =	vld [tilespmem:$0xDF0];
	v6 =	vsel vm15, v6, v59;
	vm15 =	vgt.s32 v5, v7  }
0x10d: {  	v5 =	vsel vm15, v5, v7;
	vm15 =	vgt.s32 v6, v8  }
0x10e: {  	v6 =	vsel vm15, v6, v8;
	vm15 =	vgt.s32 v5, v60  }
0x10f: {  	v5 =	vsel vm15, v5, v60;
	vm15 =	vgt.s32 v6, v61  }
0x110: {  	v6 =	vsel vm15, v6, v61;
	vm15 =	vgt.s32 v5, v62  }
0x111: {  	v5 =	vsel vm15, v5, v62;
	vm15 =	vgt.s32 v6, v63  }
0x112: {  	v7 =	vimm.s32 $0x0;
	v6 =	vsel vm15, v6, v63;
	vm15 =	vlt.s32 v5, $0x0  }
0x113: {  	v7 =	vsel vm15, $0xFFFFFFFF, v7  }
0x114: {  	v5 =	vsel vm15, $0x0, v5;
	[tilespmem:$0x1FFF0] =	vst v7  }
0x115: {  	[tilespmem:$0xE00] =	vst v5;
	v5 =	vld [tilespmem:$0x1FFF0];
	_ =	sdelay $0x2  }
0x116: {  	vm15 =	vlt.s32 v6, $0x0  }
0x117: {  	v6 =	vsel vm15, $0x0, v6  }
0x118: {  	[tilespmem:$0xE10] =	vst v6;
	v6 =	vsel vm15, v0, v3;
	vm0 =	vnez.u8 v5  }
0x119: {  	[tilespmem:$0xE30] =	vst v6;
	v5 =	vsel vm0, v0, v2  }
0x11a: {  	s11 =	simm.s32 $0x0;
	s13 =	rddreg [dreg:$0x18];
	[tilespmem:$0xE20] =	vst v5  }
0x11b: {  	[tilespmem:s26], [sflag:$0x3] =	stream.linear.gather [hbm4b:s13+s11], $0x4000, $0x38;
	[tilespmem:$0x1B640] =	vst v63  }
0x11c: {  	_ =	swait.ge [sflag:s24], $0x4000  }
0x11d: {  	[sflag:s24] =	ssyncset.done $0x0  }
0x11e: {  	s13 =	rddreg [dreg:$0x19];
	[sflag:s24] =	ssyncadd.s32 $0xFFFFC000  }
0x11f: {  	[hbm4b:s13+s11] =	stream.linear.scatter [tilespmem:s26], [sflag:$0x3], $0x4000, $0x38;
	[tilespmem:$0x1B640] =	vst v63  }
0x120: {  	_ =	swait.ge [sflag:s24], $0x4000  }
0x121: {  	[sflag:s24] =	ssyncset.done $0x0  }
0x122: {  	[sflag:s24] =	ssyncadd.s32 $0xFFFFC000  }
0x123: {  	s13 =	simm.s32 $0xE00;
	s12 =	rddreg [dreg:$0x1]  }
0x124: {  	[tilespmem:s29], [sflag:$0x1] =	stream.indirect.gather [hbm4b:s12+s28], $0x200, s13, s28, $0xb8;
	[tilespmem:$0x1B640] =	vst v63  }
0x125: {  	_ =	swait.ge [sflag:s30], $0x4000  }
0x126: {  	[sflag:s30] =	ssyncset.done $0x0  }
0x127: {  	[sflag:s30] =	ssyncadd.s32 $0xFFFFC000  }
0x128: {  	s13 =	simm.s32 $0xE20;
	s12 =	rddreg [dreg:$0x6]  }
0x129: {  	[hbm4b:s12+s28] =	stream.indirect.scatter [tilespmem:s29], [sflag:$0x1], $0x200, s13, s28, $0xb8;
	[tilespmem:$0x1B640] =	vst v63  }
0x12a: {  	_ =	swait.ge [sflag:s30], $0x4000  }
0x12b: {  	[sflag:s30] =	ssyncset.done $0x0  }
0x12c: {  	s13 =	rddreg [dreg:$0xa];
	[sflag:s30] =	ssyncadd.s32 $0xFFFFC000  }
0x12d: {  	[tilespmem:s31], [sflag:$0x3] =	stream.linear.gather [hbm4b:s13+s11], $0x200, $0x38;
	[tilespmem:$0x1B640] =	vst v63  }
0x12e: {  	_ =	swait.ge [sflag:s24], $0x200  }
0x12f: {  	[sflag:s24] =	ssyncset.done $0x0  }
0x130: {  	[sflag:s24] =	ssyncadd.s32 $0xFFFFFE00  }
0x131: {  	[tilespmem:s3], [sflag:$0x1] =	stream.indirect.gather [hbm4b:s19+s1], $0x200, s31, s1, $0xb8;
	[tilespmem:$0x1B640] =	vst v63  }
0x132: {  	_ =	swait.ge [sflag:s30], $0x8000  }
0x133: {  	[sflag:s30] =	ssyncset.done $0x0  }
0x134: {  	s13 =	simm.s32 $0x8E80;
	[sflag:s30] =	ssyncadd.s32 $0xFFFF8000  }
0x135: {  	[tilespmem:s0], [sflag:$0x2] =	stream.indirect.gather [hbm4b:s19+s1], $0x200, s13, s1, $0xb8;
	[tilespmem:$0x1B640] =	vst v63  }
0x136: {  	s13 =	rddreg [dreg:$0x1a]  }
0x137: {  	[hbm4b:s13+s11] =	stream.linear.scatter [tilespmem:s3], [sflag:$0x3], $0x8000, $0x38;
	[tilespmem:$0x1B640] =	vst v63  }
0x138: {  	_ =	swait.ge [sflag:s24], $0x8000  }
0x139: {  	[sflag:s24] =	ssyncset.done $0x0  }
0x13a: {  	[sflag:s24] =	ssyncadd.s32 $0xFFFF8000  }
0x13b: {  	_ =	swait.ge [sflag:s2], $0x8000  }
0x13c: {  	[sflag:s2] =	ssyncset.done $0x0  }
0x13d: {  	s13 =	simm.s32 $0x8EC0;
	[sflag:s2] =	ssyncadd.s32 $0xFFFF8000  }
0x13e: {  	[tilespmem:s3], [sflag:$0x1] =	stream.indirect.gather [hbm4b:s19+s1], $0x200, s13, s1, $0xb8;
	[tilespmem:$0x1B640] =	vst v63  }
0x13f: {  	s13 =	rddreg [dreg:$0x1b]  }
0x140: {  	[hbm4b:s13+s11] =	stream.linear.scatter [tilespmem:s0], [sflag:$0x3], $0x8000, $0x38;
	[tilespmem:$0x1B640] =	vst v63  }
0x141: {  	_ =	swait.ge [sflag:s24], $0x8000  }
0x142: {  	[sflag:s24] =	ssyncset.done $0x0  }
0x143: {  	[sflag:s24] =	ssyncadd.s32 $0xFFFF8000  }
0x144: {  	_ =	swait.ge [sflag:s30], $0x8000  }
0x145: {  	[sflag:s30] =	ssyncset.done $0x0  }
0x146: {  	s13 =	simm.s32 $0x8F00;
	[sflag:s30] =	ssyncadd.s32 $0xFFFF8000  }
0x147: {  	[tilespmem:s0], [sflag:$0x2] =	stream.indirect.gather [hbm4b:s19+s1], $0x200, s13, s1, $0xb8;
	[tilespmem:$0x1B640] =	vst v63  }
0x148: {  	s13 =	rddreg [dreg:$0x1c]  }
0x149: {  	[hbm4b:s13+s11] =	stream.linear.scatter [tilespmem:s3], [sflag:$0x3], $0x8000, $0x38;
	[tilespmem:$0x1B640] =	vst v63  }
0x14a: {  	_ =	swait.ge [sflag:s24], $0x8000  }
0x14b: {  	[sflag:s24] =	ssyncset.done $0x0  }
0x14c: {  	[sflag:s24] =	ssyncadd.s32 $0xFFFF8000  }
0x14d: {  	_ =	swait.ge [sflag:s2], $0x8000  }
0x14e: {  	[sflag:s2] =	ssyncset.done $0x0  }
0x14f: {  	s13 =	simm.s32 $0x8F40;
	[sflag:s2] =	ssyncadd.s32 $0xFFFF8000  }
0x150: {  	[tilespmem:s3], [sflag:$0x1] =	stream.indirect.gather [hbm4b:s19+s1], $0x200, s13, s1, $0xb8;
	[tilespmem:$0x1B640] =	vst v63  }
0x151: {  	s13 =	rddreg [dreg:$0x1d]  }
0x152: {  	[hbm4b:s13+s11] =	stream.linear.scatter [tilespmem:s0], [sflag:$0x3], $0x8000, $0x38;
	[tilespmem:$0x1B640] =	vst v63  }
0x153: {  	_ =	swait.ge [sflag:s24], $0x8000  }
0x154: {  	[sflag:s24] =	ssyncset.done $0x0  }
0x155: {  	[sflag:s24] =	ssyncadd.s32 $0xFFFF8000  }
0x156: {  	_ =	swait.ge [sflag:s30], $0x8000  }
0x157: {  	[sflag:s30] =	ssyncset.done $0x0  }
0x158: {  	s13 =	simm.s32 $0x8F80;
	[sflag:s30] =	ssyncadd.s32 $0xFFFF8000  }
0x159: {  	[tilespmem:s0], [sflag:$0x2] =	stream.indirect.gather [hbm4b:s19+s1], $0x200, s13, s1, $0xb8;
	[tilespmem:$0x1B640] =	vst v63  }
0x15a: {  	s13 =	rddreg [dreg:$0x1e]  }
0x15b: {  	[hbm4b:s13+s11] =	stream.linear.scatter [tilespmem:s3], [sflag:$0x3], $0x8000, $0x38;
	[tilespmem:$0x1B640] =	vst v63  }
0x15c: {  	_ =	swait.ge [sflag:s24], $0x8000  }
0x15d: {  	[sflag:s24] =	ssyncset.done $0x0  }
0x15e: {  	[sflag:s24] =	ssyncadd.s32 $0xFFFF8000  }
0x15f: {  	_ =	swait.ge [sflag:s2], $0x8000  }
0x160: {  	[sflag:s2] =	ssyncset.done $0x0  }
0x161: {  	s13 =	simm.s32 $0x8FC0;
	[sflag:s2] =	ssyncadd.s32 $0xFFFF8000  }
0x162: {  	[tilespmem:s3], [sflag:$0x1] =	stream.indirect.gather [hbm4b:s19+s1], $0x200, s13, s1, $0xb8;
	[tilespmem:$0x1B640] =	vst v63  }
0x163: {  	s13 =	rddreg [dreg:$0x1f]  }
0x164: {  	[hbm4b:s13+s11] =	stream.linear.scatter [tilespmem:s0], [sflag:$0x3], $0x8000, $0x38;
	[tilespmem:$0x1B640] =	vst v63  }
0x165: {  	_ =	swait.ge [sflag:s24], $0x8000  }
0x166: {  	[sflag:s24] =	ssyncset.done $0x0  }
0x167: {  	[sflag:s24] =	ssyncadd.s32 $0xFFFF8000  }
0x168: {  	_ =	swait.ge [sflag:s30], $0x8000  }
0x169: {  	[sflag:s30] =	ssyncset.done $0x0  }
0x16a: {  	s13 =	simm.s32 $0x9000;
	[sflag:s30] =	ssyncadd.s32 $0xFFFF8000  }
0x16b: {  	[tilespmem:s0], [sflag:$0x2] =	stream.indirect.gather [hbm4b:s19+s1], $0x200, s13, s1, $0xb8;
	[tilespmem:$0x1B640] =	vst v63  }
0x16c: {  	s13 =	sld [smem:$0x7F2];
	_ =	sdelay $0x2  }
0x16d: {  	[hbm4b:s13+s11] =	stream.linear.scatter [tilespmem:s3], [sflag:$0x3], $0x8000, $0x38;
	[tilespmem:$0x1B640] =	vst v63  }
0x16e: {  	_ =	swait.ge [sflag:s24], $0x8000  }
0x16f: {  	[sflag:s24] =	ssyncset.done $0x0  }
0x170: {  	[sflag:s24] =	ssyncadd.s32 $0xFFFF8000  }
0x171: {  	_ =	swait.ge [sflag:s2], $0x8000  }
0x172: {  	s13 =	sld [smem:$0x7F3]  }
0x173: {  	[sflag:s2] =	ssyncset.done $0x0  }
0x174: {  	[sflag:s2] =	ssyncadd.s32 $0xFFFF8000  }
0x175: {  	[hbm4b:s13+s11] =	stream.linear.scatter [tilespmem:s0], [sflag:$0x3], $0x8000, $0x38;
	[tilespmem:$0x1B640] =	vst v63  }
0x176: {  	_ =	swait.ge [sflag:s24], $0x8000  }
0x177: {  	[sflag:s24] =	ssyncset.done $0x0  }
0x178: {  	s13 =	rddreg [dreg:$0xb];
	[sflag:s24] =	ssyncadd.s32 $0xFFFF8000  }
0x179: {  	[tilespmem:s5], [sflag:$0x3] =	stream.linear.gather [hbm4b:s13+s11], $0x200, $0x38;
	[tilespmem:$0x1B640] =	vst v63  }
0x17a: {  	_ =	swait.ge [sflag:s24], $0x200  }
0x17b: {  	[sflag:s24] =	ssyncset.done $0x0  }
0x17c: {  	s13 =	rddreg [dreg:$0xc];
	[sflag:s24] =	ssyncadd.s32 $0xFFFFFE00  }
0x17d: {  	[tilespmem:s6], [sflag:$0x3] =	stream.linear.gather [hbm4b:s13+s11], $0x200, $0x38;
	[tilespmem:$0x1B640] =	vst v63  }
0x17e: {  	_ =	swait.ge [sflag:s24], $0x200  }
0x17f: {  	[sflag:s24] =	ssyncset.done $0x0  }
0x180: {  	s11 =	simm.s32 $0x0;
	[sflag:s24] =	ssyncadd.s32 $0xFFFFFE00  }
0x181: {  	v5 =	vld [tilespmem:s11+$0x19040]  }
0x182: {  	s12 =	simm.s32 $0x40;
	v6 =	vld [tilespmem:s11+$0x19240]  }
.LBB2_4:
0x183: {  	p0 =	sne.s32 s12, $0x7C0  }
.Ltmp1:
0x184: {  	_ = 	snop;
	(pc) =	sbr.rel @p0 .LBB2_4-.Ltmp1, $4  }
0x185: {  	_ = 	snop  }
0x186: {  	s13 =	sshra.s32 s12, $0x2;
	s12 =	sadd.s32 $0x40, s12;
	v7 =	vshll.u32 v5, $0xA  }
0x187: {  	v5 =	vld [tilespmem:s13+$0x19040];
	v7 =	vadd.s32 v6, v7  }
0x188: {  	v6 =	vld [tilespmem:s13+$0x19240];
	[tilespmem:s11+$0x19440] =	vst v7;
	s11 =	smov.u32 s13  }
0x189: {  	_ =	sdelay $0x2  }
0x18a: {  	v5 =	vshll.u32 v5, $0xA  }
0x18b: {  	v5 =	vadd.s32 v6, v5  }
0x18c: {  	[tilespmem:s11+$0x19440] =	vst v5  }
0x18d: {  	[tilespmem:s9], [sflag:$0x1] =	stream.indirect.gather [hbm4b:s20+s7], $0x10, s8, s7, $0xb8;
	[tilespmem:$0x1B640] =	vst v63  }
0x18e: {  	_ =	swait.ge [sflag:s30], $0x2000  }
0x18f: {  	[sflag:s30] =	ssyncset.done $0x0  }
0x190: {  	s11 =	simm.s32 $0x0;
	s12 =	rddreg [dreg:$0x13];
	[sflag:s30] =	ssyncadd.s32 $0xFFFFE000  }
0x191: {  	[hbm4b:s12+s11] =	stream.linear.scatter [tilespmem:s9], [sflag:$0x3], $0x2000, $0x38;
	[tilespmem:$0x1B640] =	vst v63  }
0x192: {  	_ =	swait.ge [sflag:s24], $0x2000  }
0x193: {  	[sflag:s24] =	ssyncset.done $0x0  }
0x194: {  	s13 =	rddreg [dreg:$0xd];
	[sflag:s24] =	ssyncadd.s32 $0xFFFFE000  }
0x195: {  	[tilespmem:s5], [sflag:$0x3] =	stream.linear.gather [hbm4b:s13+s11], $0x200, $0x38;
	[tilespmem:$0x1B640] =	vst v63  }
0x196: {  	_ =	swait.ge [sflag:s24], $0x200  }
0x197: {  	[sflag:s24] =	ssyncset.done $0x0  }
0x198: {  	s13 =	rddreg [dreg:$0xe];
	[sflag:s24] =	ssyncadd.s32 $0xFFFFFE00  }
0x199: {  	[tilespmem:s6], [sflag:$0x3] =	stream.linear.gather [hbm4b:s13+s11], $0x200, $0x38;
	[tilespmem:$0x1B640] =	vst v63  }
0x19a: {  	_ =	swait.ge [sflag:s24], $0x200  }
0x19b: {  	[sflag:s24] =	ssyncset.done $0x0  }
0x19c: {  	s11 =	simm.s32 $0x0;
	[sflag:s24] =	ssyncadd.s32 $0xFFFFFE00  }
0x19d: {  	v5 =	vld [tilespmem:s11+$0x19040]  }
0x19e: {  	s12 =	simm.s32 $0x40;
	v6 =	vld [tilespmem:s11+$0x19240]  }
.LBB2_6:
0x19f: {  	p0 =	sne.s32 s12, $0x7C0  }
.Ltmp2:
0x1a0: {  	_ = 	snop;
	(pc) =	sbr.rel @p0 .LBB2_6-.Ltmp2, $4  }
0x1a1: {  	_ = 	snop  }
0x1a2: {  	s13 =	sshra.s32 s12, $0x2;
	s12 =	sadd.s32 $0x40, s12;
	v7 =	vshll.u32 v5, $0xA  }
0x1a3: {  	v5 =	vld [tilespmem:s13+$0x19040];
	v7 =	vadd.s32 v6, v7  }
0x1a4: {  	v6 =	vld [tilespmem:s13+$0x19240];
	[tilespmem:s11+$0x19440] =	vst v7;
	s11 =	smov.u32 s13  }
0x1a5: {  	_ =	sdelay $0x2  }
0x1a6: {  	v5 =	vshll.u32 v5, $0xA  }
0x1a7: {  	v5 =	vadd.s32 v6, v5  }
0x1a8: {  	[tilespmem:s11+$0x19440] =	vst v5  }
0x1a9: {  	[tilespmem:s9], [sflag:$0x1] =	stream.indirect.gather [hbm4b:s20+s7], $0x10, s8, s7, $0xb8;
	[tilespmem:$0x1B640] =	vst v63  }
0x1aa: {  	_ =	swait.ge [sflag:s30], $0x2000  }
0x1ab: {  	[sflag:s30] =	ssyncset.done $0x0  }
0x1ac: {  	s11 =	simm.s32 $0x0;
	s12 =	rddreg [dreg:$0x14];
	[sflag:s30] =	ssyncadd.s32 $0xFFFFE000  }
0x1ad: {  	[hbm4b:s12+s11] =	stream.linear.scatter [tilespmem:s9], [sflag:$0x3], $0x2000, $0x38;
	[tilespmem:$0x1B640] =	vst v63  }
0x1ae: {  	_ =	swait.ge [sflag:s24], $0x2000  }
0x1af: {  	[sflag:s24] =	ssyncset.done $0x0  }
0x1b0: {  	s13 =	rddreg [dreg:$0xf];
	[sflag:s24] =	ssyncadd.s32 $0xFFFFE000  }
0x1b1: {  	[tilespmem:s5], [sflag:$0x3] =	stream.linear.gather [hbm4b:s13+s11], $0x200, $0x38;
	[tilespmem:$0x1B640] =	vst v63  }
0x1b2: {  	_ =	swait.ge [sflag:s24], $0x200  }
0x1b3: {  	[sflag:s24] =	ssyncset.done $0x0  }
0x1b4: {  	s13 =	rddreg [dreg:$0x10];
	[sflag:s24] =	ssyncadd.s32 $0xFFFFFE00  }
0x1b5: {  	[tilespmem:s6], [sflag:$0x3] =	stream.linear.gather [hbm4b:s13+s11], $0x200, $0x38;
	[tilespmem:$0x1B640] =	vst v63  }
0x1b6: {  	_ =	swait.ge [sflag:s24], $0x200  }
0x1b7: {  	[sflag:s24] =	ssyncset.done $0x0  }
0x1b8: {  	s11 =	simm.s32 $0x0;
	[sflag:s24] =	ssyncadd.s32 $0xFFFFFE00  }
0x1b9: {  	v5 =	vld [tilespmem:s11+$0x19040]  }
0x1ba: {  	vm0 =	vcmask $0x704;
	s12 =	simm.s32 $0x40;
	v6 =	vld [tilespmem:s11+$0x19240]  }
.LBB2_8:
0x1bb: {  	p0 =	sne.s32 s12, $0x7C0  }
.Ltmp3:
0x1bc: {  	_ = 	snop;
	(pc) =	sbr.rel @p0 .LBB2_8-.Ltmp3, $4  }
0x1bd: {  	_ = 	snop  }
0x1be: {  	s13 =	sshra.s32 s12, $0x2;
	s12 =	sadd.s32 $0x40, s12;
	v7 =	vshll.u32 v5, $0xA  }
0x1bf: {  	v5 =	vld [tilespmem:s13+$0x19040];
	v7 =	vadd.s32 v6, v7  }
0x1c0: {  	v6 =	vld [tilespmem:s13+$0x19240];
	[tilespmem:s11+$0x19440] =	vst v7;
	s11 =	smov.u32 s13  }
0x1c1: {  	_ =	sdelay $0x2  }
0x1c2: {  	v5 =	vshll.u32 v5, $0xA  }
0x1c3: {  	v5 =	vadd.s32 v6, v5  }
0x1c4: {  	[tilespmem:s11+$0x19440] =	vst v5  }
0x1c5: {  	[tilespmem:s9], [sflag:$0x1] =	stream.indirect.gather [hbm4b:s20+s7], $0x10, s8, s7, $0xb8;
	[tilespmem:$0x1B640] =	vst v63  }
0x1c6: {  	_ =	swait.ge [sflag:s30], $0x2000  }
0x1c7: {  	[sflag:s30] =	ssyncset.done $0x0  }
0x1c8: {  	s11 =	simm.s32 $0x0;
	s12 =	rddreg [dreg:$0x15];
	[sflag:s30] =	ssyncadd.s32 $0xFFFFE000  }
0x1c9: {  	[hbm4b:s12+s11] =	stream.linear.scatter [tilespmem:s9], [sflag:$0x3], $0x2000, $0x38;
	[tilespmem:$0x1B640] =	vst v63  }
0x1ca: {  	_ =	swait.ge [sflag:s24], $0x2000  }
0x1cb: {  	[sflag:s24] =	ssyncset.done $0x0  }
0x1cc: {  	s13 =	rddreg [dreg:$0x11];
	[sflag:s24] =	ssyncadd.s32 $0xFFFFE000  }
0x1cd: {  	[tilespmem:s5], [sflag:$0x3] =	stream.linear.gather [hbm4b:s13+s11], $0x200, $0x38;
	[tilespmem:$0x1B640] =	vst v63  }
0x1ce: {  	_ =	swait.ge [sflag:s24], $0x200  }
0x1cf: {  	[sflag:s24] =	ssyncset.done $0x0  }
0x1d0: {  	s13 =	rddreg [dreg:$0x12];
	[sflag:s24] =	ssyncadd.s32 $0xFFFFFE00  }
0x1d1: {  	[tilespmem:s6], [sflag:$0x3] =	stream.linear.gather [hbm4b:s13+s11], $0x200, $0x38;
	[tilespmem:$0x1B640] =	vst v63  }
0x1d2: {  	_ =	swait.ge [sflag:s24], $0x200  }
0x1d3: {  	[sflag:s24] =	ssyncset.done $0x0  }
0x1d4: {  	s11 =	simm.s32 $0x0;
	[sflag:s24] =	ssyncadd.s32 $0xFFFFFE00  }
0x1d5: {  	v5 =	vld [tilespmem:s11+$0x19040]  }
0x1d6: {  	s12 =	simm.s32 $0x40;
	v6 =	vld [tilespmem:s11+$0x19240]  }
.LBB2_10:
0x1d7: {  	p0 =	sne.s32 s12, $0x7C0  }
.Ltmp4:
0x1d8: {  	_ = 	snop;
	(pc) =	sbr.rel @p0 .LBB2_10-.Ltmp4, $4  }
0x1d9: {  	_ = 	snop  }
0x1da: {  	s13 =	sshra.s32 s12, $0x2;
	s12 =	sadd.s32 $0x40, s12;
	v7 =	vshll.u32 v5, $0xA  }
0x1db: {  	v5 =	vld [tilespmem:s13+$0x19040];
	v7 =	vadd.s32 v6, v7  }
0x1dc: {  	v6 =	vld [tilespmem:s13+$0x19240];
	[tilespmem:s11+$0x19440] =	vst v7;
	s11 =	smov.u32 s13  }
0x1dd: {  	_ =	sdelay $0x2  }
0x1de: {  	v5 =	vshll.u32 v5, $0xA  }
0x1df: {  	v5 =	vadd.s32 v6, v5  }
0x1e0: {  	[tilespmem:s11+$0x19440] =	vst v5  }
0x1e1: {  	[tilespmem:s9], [sflag:$0x1] =	stream.indirect.gather [hbm4b:s20+s7], $0x10, s8, s7, $0xb8;
	[tilespmem:$0x1B640] =	vst v63  }
0x1e2: {  	_ =	swait.ge [sflag:s30], $0x2000  }
0x1e3: {  	[sflag:s30] =	ssyncset.done $0x0  }
0x1e4: {  	s12 =	rddreg [dreg:$0x16];
	[sflag:s30] =	ssyncadd.s32 $0xFFFFE000  }
0x1e5: {  	[hbm4b:s12+s4] =	stream.linear.scatter [tilespmem:s9], [sflag:$0x3], $0x2000, $0x38;
	[tilespmem:$0x1B640] =	vst v63  }
0x1e6: {  	_ =	swait.ge [sflag:s24], $0x2000  }
0x1e7: {  	s13 =	sld [smem:$0x7F4];
	_ =	sdelay $0x1  }
0x1e8: {  	s10 =	sadd.s32 $0x1, s10  }
0x1e9: {  	p0 =	sne.s32 s10, s13  }
.Ltmp5:
0x1ea: {  	_ = 	snop;
	(pc) =	sbr.rel @p0 .LBB2_1-.Ltmp5, $3  }
0x1eb: {  	_ =	sdelay $0x1  }
0x1ec: {  	[sflag:s24] =	ssyncset.done $0x0  }
0x1ed: {  	[sflag:s24] =	ssyncadd.s32 $0xFFFFE000  }
0x1ee: {  	_ =	sfence.sel $0x180000  }
0x1ef: {  	[bflag:$0x0] =	sbarrier.arrive $0xFFFF  }
0x1f0: {  	_ =	strace $0x9000004A  }
0x1f1: {  	s0 =	stileid.u32;
	[bflag:$0x2] =	sbarrier.arrive $0xFFFF  }
0x1f2: {  	p0 =	sne.s32 s0, $0x0;
	s0 =	rddreg [dreg:$0x8]  }
0x1f3: {  	s0 =	sadd.s32 @!p0 $0x100000, s0  }
0x1f4: {  	[sflag:s0] =	ssyncadd.tile.s32 @!p0 $0x1;
	_ =	shalt  }
.Lfunc_end2:
_tile_overlayer_lowered:
.L_overlay_start_2:
0x1f5: {  	(tag) =	ssettag $0x2  }
0x1f6: {  	s0 =	rddreg [dreg:$0x0];
	s2 =	stileid.u32  }
0x1f7: {  	s1 =	rddreg [dreg:$0x1];
	p0 =	sne.s32 s2, $0x0  }
0x1f8: {  	s3 =	rddreg [dreg:$0x2];
	[bflag:$0x3] =	sbarrier.arrive $0xFFFF;
	s2 =	simm.s32 @!p0 $0x1C03  }
0x1f9: {  	[timem:s3], [sflag:s2] =	dma.local @!p0 [hbm:s0], s1  }
0x1fa: {  	s0 =	simm.s32 @!p0 $0x3  }
0x1fb: {  	_ =	swait.ge @!p0 [sflag:s0], s1  }
0x1fc: {  	s1 =	ssub.s32 @!p0 $0x0, s1;
	[sflag:s0] =	ssyncset.done @!p0 $0x0  }
0x1fd: {  	[sflag:s0] =	ssyncadd.s32 @!p0 s1  }
0x1fe: {  	[bflag:$0x3] =	sbarrier.arrive $0xFFFF  }
0x1ff: {  	_ =	shalt  }

// kernel: sparse-core-data-format-call.cloned.1.call-start
scs
called_computation_lowered:
.L_overlay_start_0:
0x0: {  	s2 =	sld [smem:$0x3FD9]  }
0x1: {  	s3 =	sld [smem:$0x3FFE];
	_ =	sdelay $0x1  }
0x2: {  	s1 =	srdreg.scid  }
0x3: {  	s0 =	sand.u32 $0x1, s1  }
0x4: {  	s16 =	sshll.u32 s0, $0xA;
	s2 =	sadd.s32 s3, s2  }
0x5: {  	s2 =	sadd.s32 s2, s16  }
0x6: {  	[smem:$0x3FC2] =	sst s2  }
0x7: {  	_ = 	snop  }
0x8: {  	s2 =	sld [smem:$0x3FD0];
	_ =	sdelay $0x2  }
0x9: {  	s4 =	simm.s32 $0xA;
	s5 =	simm.s32 $0x10;
	s17 =	sld [smem:$0x3FC7]  }
0xa: {  	[smem:s5], [sflag:s4] =	dma.local [hbm:s2], $0x1  }
0xb: {  	_ =	swait.eq [sflag:s4], $0x1  }
0xc: {  	[sflag:s4] =	ssyncset.done $0x0  }
0xd: {  	[sflag:s4] =	ssyncadd.s32 $0xFFFFFFFF  }
0xe: {  	s18 =	sld [smem:$0x10];
	(tm) =	ssettm $0x1  }
0xf: {  	s19 =	sld [smem:$0x3FFB];
	_ =	sdelay $0x3  }
0x10: {  	_ =	strace s19  }
0x11: {  	s4 =	sld [smem:$0x3FFC];
	_ =	sdelay $0x3  }
0x12: {  	_ =	strace s4  }
0x13: {  	s4 =	sld [smem:$0x3FFD];
	_ =	sdelay $0x3  }
0x14: {  	_ =	strace s4  }
0x15: {  	_ =	strace $0x8FFFFFFF  }
0x16: {  	s20 =	sld [smem:$0x3FDB];
	_ =	sdelay $0x1  }
0x17: {  	s21 =	simm.s32 $_scs_section_size  }
0x18: {  	s6 =	simm.s32 $_size__tile_overlayer_lowered;
	s7 =	simm.s32 $_tile_overlayer_lowered  }
0x19: {  	s24 =	simm.s32 $0x1BFF;
	s23 =	sshll.u32 s7, $0x1;
	s4 =	sadd.s32 s21, s20  }
0x1a: {  	s8 =	simm.s32 $0x0;
	s22 =	sshll.u32 s6, $0x1;
	s6 =	sadd.s32 s23, s4  }
0x1b: {  	[timem:s8], [sflag:s24] =	dma.local [hbm:s6], s22  }
0x1c: {  	_ =	swait.ge [sflag:s24], s22  }
0x1d: {  	s5 =	ssub.s32 $0x0, s22;
	[sflag:s24] =	ssyncset.done $0x0  }
0x1e: {  	[sflag:s24] =	ssyncadd.s32 s5;
	_ =	sdelay $0x1  }
0x1f: {  	s25 =	simm.s32 $0x1B8B  }
0x20: {  	_ =	swait.ge [sflag:s25], $0x1  }
0x21: {  	[sflag:s25] =	ssyncset.done $0x0  }
0x22: {  	s26 =	simm.s32 $0x1B8E;
	[sflag:s25] =	ssyncadd.s32 $0xFFFFFFFF  }
0x23: {  	s27 =	simm.s32 $execute0_lowered;
	[smem:$0x3FD2] =	sst s26  }
0x24: {  	s5 =	sshll.u32 s27, $0x1;
	_ =	strace $0x80000046;
	[dreg:$0x1] =	wrdreg $0xFFFFFFFF  }
0x25: {  	s28 =	simm.s32 $_size_execute0_lowered;
	s4 =	sadd.s32 s4, s5;
	[dreg:$0x0] =	wrdreg $0x0  }
0x26: {  	s5 =	sshll.u32 s28, $0x1;
	[dreg:$0x2] =	wrdreg s4  }
0x27: {  	[dreg:$0x3] =	wrdreg s5  }
0x28: {  	[dreg:$0x4] =	wrdreg $0xC0  }
0x29: {  	_ =	task [dreg:s8], $0x5FFFF  }
0x2a: {  	[dreg:$0x1] =	wrdreg $0xFFFFFFFF  }
0x2b: {  	[dreg:$0x0] =	wrdreg $0x60  }
0x2c: {  	[dreg:$0x2] =	wrdreg s17  }
0x2d: {  	[dreg:$0x3] =	wrdreg s18  }
0x2e: {  	[dreg:$0x4] =	wrdreg $0x9  }
0x2f: {  	_ =	task.clear_ibuf [dreg:s8], $0x5FFFF;
	_ =	strace $0x90000046  }
0x30: {  	s29 =	simm.s32 $0x9;
	_ =	strace $0x80000048  }
0x31: {  	_ =	swait.ge [sflag:s29], $0x1  }
0x32: {  	[sflag:s29] =	ssyncadd.s32 $0xFFFFFFFF  }
0x33: {  	_ =	strace $0x90000048  }
0x34: {  	_ =	sfence  }
0x35: {  	s30 =	sld [smem:$0x0];
	_ =	sdelay $0x2  }
0x36: {  	s31 =	sshll.u32 s1, $0xD;
	s1 =	sshrl.u32 s1, $0x2  }
0x37: {  	s3 =	sand.u32 $0x4000, s31;
	s1 =	sadd.s32 s1, s30  }
0x38: {  	s0 =	sor.u32 s3, s0;
	s1 =	sshll.u32 s1, $0x11  }
0x39: {  	s0 =	sor.u32 s1, s0  }
0x3a: {  	s0 =	sadd.s32 $0x8F2B, s0  }
0x3b: {  	[sflag:s0] =	ssyncadd.remote.s32 $0x1  }
0x3c: {  	_ =	sfence.sel $0xFFFF  }
0x3d: {  	[dreg:$0x0] =	wrdreg $0xFFFFFFFF;
	(pc) =	sbr.abs _section_cstart, $3  }
0x3e: {  	[dreg:$0x1] =	wrdreg $0xFFFFFFFF  }
0x3f: {  	_ =	task.clear_ibuf [dreg:s8], $0x2FFFF;
	_ =	strace $0x9FFFFFFF  }
0x40: {  	(tm) =	ssettm $0x7FFFFFFF  }
0x41: {  	_ =	shalt  }
tec
execute0_lowered:
.L_overlay_start_1:
0x0: {  	(tag) =	ssettag $0x1  }
0x1: {  	s0 =	srdreg.scid  }
0x2: {  	s1 =	sshll.u32 s0, $0x4  }
0x3: {  	s2 =	rddreg [dreg:$0x0];
	s0 =	stileid.u32;
	s1 =	sand.u32 $0x10, s1  }
0x4: {  	s4 =	rddreg [dreg:$0x1];
	s1 =	sor.u32 s0, s1  }
0x5: {  	s7 =	simm.s32 $0x1;
	s8 =	simm.s32 $0x2;
	s3 =	sshll.u32 s1, $0x2  }
0x6: {  	s9 =	simm.s32 $0x0;
	s12 =	simm.s32 $0x0;
	s6 =	ssub.s32 $0x800, s3  }
.Ltmp0:
0x7: {  	s11 =	simm.s32 $0x0;
	s5 =	sand.u32 $0x7C, s6;
	(pc) =	sbr.rel .LBB1_1-.Ltmp0, $4  }
0x8: {  	s1 =	rddreg [dreg:$0x2];
	_ =	strace $0x80000047;
	p0 =	sne.s32 s5, $0x0  }
0x9: {  	s6 =	sshrl.u32 s6, $0x7;
	s5 =	simm.s32 $0x1;
	s7 =	simm.s32 @!p0 $0x0  }
0xa: {  	s10 =	smov.u32 s3;
	[sflag:s5] =	ssyncpa.u1 $0x0;
	s6 =	sadd.s32 s7, s6  }
0xb: {  	[sflag:s8] =	ssyncpa.u1 $0x0;
	s8 =	simm.s32 $0x0;
	s7 =	sadd.s32 $0x1, s6  }
.LBB1_9:
0xc: {  	s14 =	sadd.s32 $0x80, s10  }
0xd: {  	p1 =	sgt.s32 s14, $0x7FF  }
0xe: {  	s14 =	smov.u32 @p1 s3;
	p1 =	sne.s32 s11, s7  }
.Ltmp1:
0xf: {  	p0 =	slt.u32 s11, $0x2;
	(pc) =	sbr.rel @!p1 .LBB1_10-.Ltmp1, $4  }
0x10: {  	s13 =	simm.s32 @!p0 $0x2  }
0x11: {  	s15 =	sadd.s32 $0x1, s11;
	_ =	swait.ge @!p0 [sflag:s13], $0x4000  }
0x12: {  	s12 =	smov.u32 s10;
	s9 =	sadd.s32 $0x4000, s9;
	[sflag:s13] =	ssyncset.done @!p0 $0x0  }
0x13: {  	s11 =	smov.u32 s15;
	s10 =	smov.u32 s14;
	[sflag:s13] =	ssyncadd.s32 @!p0 $0xFFFFC000  }
.LBB1_1:
0x14: {  	p0 =	sge.u32 s11, s6  }
0x15: {  	s13 =	sxor.u32 @!p0 $0xFFFFFFFF, s11  }
0x16: {  	s31 =	sadd.s32 $0xFFFFFFFF, s11;
	s14 =	sshll.u32 @!p0 s10, $0x9;
	s13 =	sshll.u32 @!p0 s13, $0xE  }
0x17: {  	s15 =	simm.s32 @!p0 $0x0;
	s14 =	sadd.s32 @!p0 s2, s14;
	s13 =	sand.u32 @!p0 $0x4000, s13  }
0x18: {  	[tilespmem:s13], [sflag:$0x1] =	stream.linear.gather @!p0 [hbm4b:s14+s15], $0x4000, $0x38;
	[tilespmem:$0x10000] =	vst v63  }
0x19: {  	p0 =	sge.u32 s31, s6  }
.Ltmp2:
0x1a: {  	_ = 	snop;
	(pc) =	sbr.rel @p0 .LBB1_9-.Ltmp2, $1  }
0x1b: {  	_ =	sdelay $0x3  }
0x1c: {  	s14 =	sand.u32 $0x4000, s9  }
0x1d: {  	_ =	swait.ge [sflag:s5], $0x4000;
	s15 =	sshll.u32 s11, $0xE;
	s16 =	simm.s32 $0x0  }
0x1e: {  	s13 =	sor.u32 $0x40, s14;
	[sflag:s5] =	ssyncset.done $0x0;
	s15 =	sand.u32 $0x4000, s15  }
0x1f: {  	s14 =	sor.u32 $0x8040, s14;
	[sflag:s5] =	ssyncadd.s32 $0xFFFFC000;
	s15 =	sor.u32 $0x8000, s15  }
.LBB1_3:
0x20: {  	s17 =	smov.u32 s14;
	s18 =	smov.u32 s13;
	s19 =	simm.s32 $0x0  }
.LBB1_4:
0x21: {  	v0 =	vmov s17;
	v2 =	vld [tilespmem:s18+$0x30]  }
0x22: {  	v4 =	vld [tilespmem:s18+$0xFFFFFFD0]  }
0x23: {  	v6 =	vld [tilespmem:s18+$0xFFFFFFE0]  }
0x24: {  	v7 =	vld [tilespmem:s18+$0xFFFFFFF0]  }
0x25: {  	s20 =	simm.s32 $0x0;
	v1 =	vld [tilespmem:s18+$0x0]  }
0x26: {  	v3 =	vld [tilespmem:s18+$0x10];
	[tilespmem:v0+s20+$0x30 ss:$0x1] =	vst.idx.msk $0xffff, v2  }
0x27: {  	v5 =	vld [tilespmem:s18+$0x20];
	[tilespmem:v0+s20+$0xFFFFFFD0 ss:$0x1] =	vst.idx.msk $0xffff, v4  }
0x28: {  	s21 =	sadd.s32 $0x80, s18;
	v2 =	vld [tilespmem:s18+$0xFFFFFFC0];
	[tilespmem:v0+s20+$0xFFFFFFE0 ss:$0x1] =	vst.idx.msk $0xffff, v6  }
0x29: {  	s22 =	simm.s32 $0x800;
	s23 =	simm.s32 $0x1000;
	v4 =	vld [tilespmem:s21+$0x30];
	[tilespmem:v0+s20+$0xFFFFFFF0 ss:$0x1] =	vst.idx.msk $0xffff, v7  }
.LBB1_5:
0x2a: {  	p0 =	sne.s32 s23, $0x3800;
	v6 =	vld [tilespmem:s21+$0xFFFFFFD0];
	[tilespmem:v0+s20+$0x0 ss:$0x1] =	vst.idx.msk $0xffff, v1  }
0x2b: {  	v7 =	vld [tilespmem:s21+$0xFFFFFFE0];
	[tilespmem:v0+s20+$0x10 ss:$0x1] =	vst.idx.msk $0xffff, v3  }
0x2c: {  	v8 =	vld [tilespmem:s21+$0xFFFFFFF0];
	[tilespmem:v0+s20+$0x20 ss:$0x1] =	vst.idx.msk $0xffff, v5  }
.Ltmp3:
0x2d: {  	v1 =	vld [tilespmem:s21+$0x0];
	[tilespmem:v0+s20+$0xFFFFFFC0 ss:$0x1] =	vst.idx.msk $0xffff, v2;
	s20 =	sshra.s32 s22, $0x2;
	s22 =	smov.u32 s23;
	(pc) =	sbr.rel @p0 .LBB1_5-.Ltmp3, $4  }
0x2e: {  	v3 =	vld [tilespmem:s21+$0x10];
	[tilespmem:v0+s20+$0x30 ss:$0x1] =	vst.idx.msk $0xffff, v4  }
0x2f: {  	[tilespmem:v0+s20+$0xFFFFFFD0 ss:$0x1] =	vst.idx.msk $0xffff, v6;
	v5 =	vld [tilespmem:s21+$0x20]  }
0x30: {  	v2 =	vld [tilespmem:s21+$0xFFFFFFC0];
	[tilespmem:v0+s20+$0xFFFFFFE0 ss:$0x1] =	vst.idx.msk $0xffff, v7;
	s21 =	sadd.s32 $0x80, s21  }
0x31: {  	s23 =	sadd.s32 $0x800, s23;
	v4 =	vld [tilespmem:s21+$0x30];
	[tilespmem:v0+s20+$0xFFFFFFF0 ss:$0x1] =	vst.idx.msk $0xffff, v8  }
0x32: {  	_ =	sdelay $0x3  }
0x33: {  	v6 =	vld [tilespmem:s21+$0xFFFFFFD0];
	[tilespmem:v0+s20+$0x0 ss:$0x1] =	vst.idx.msk $0xffff, v1  }
0x34: {  	v58 =	vld [tilespmem:s21+$0xFFFFFFE0];
	[tilespmem:v0+s20+$0x10 ss:$0x1] =	vst.idx.msk $0xffff, v3  }
0x35: {  	v59 =	vld [tilespmem:s21+$0xFFFFFFF0];
	[tilespmem:v0+s20+$0x20 ss:$0x1] =	vst.idx.msk $0xffff, v5  }
0x36: {  	s22 =	sshra.s32 s22, $0x2;
	v60 =	vld [tilespmem:s21+$0x0];
	[tilespmem:v0+s20+$0xFFFFFFC0 ss:$0x1] =	vst.idx.msk $0xffff, v2  }
0x37: {  	v61 =	vld [tilespmem:s21+$0x10];
	[tilespmem:v0+s22+$0x30 ss:$0x1] =	vst.idx.msk $0xffff, v4  }
0x38: {  	v62 =	vld [tilespmem:s21+$0x20];
	s19 =	sadd.s32 $0x1, s19;
	[tilespmem:v0+s22+$0xFFFFFFD0 ss:$0x1] =	vst.idx.msk $0xffff, v6  }
0x39: {  	v63 =	vld [tilespmem:s21+$0xFFFFFFC0];
	p0 =	sne.s32 s19, $0x4;
	[tilespmem:v0+s22+$0xFFFFFFE0 ss:$0x1] =	vst.idx.msk $0xffff, v58  }
.Ltmp4:
0x3a: {  	[tilespmem:v0+s22+$0xFFFFFFF0 ss:$0x1] =	vst.idx.msk $0xffff, v59;
	(pc) =	sbr.rel @p0 .LBB1_4-.Ltmp4, $4  }
0x3b: {  	[tilespmem:v0+s22+$0x0 ss:$0x1] =	vst.idx.msk $0xffff, v60  }
0x3c: {  	[tilespmem:v0+s22+$0x10 ss:$0x1] =	vst.idx.msk $0xffff, v61  }
0x3d: {  	[tilespmem:v0+s22+$0x20 ss:$0x1] =	vst.idx.msk $0xffff, v62  }
0x3e: {  	s18 =	sadd.s32 $0x400, s18;
	s17 =	sadd.s32 $0x80, s17;
	[tilespmem:v0+s22+$0xFFFFFFC0 ss:$0x1] =	vst.idx.msk $0xffff, v63  }
0x3f: {  	s16 =	sadd.s32 $0x1, s16  }
0x40: {  	p0 =	sne.s32 s16, $0x4  }
.Ltmp5:
0x41: {  	_ = 	snop;
	(pc) =	sbr.rel @p0 .LBB1_3-.Ltmp5, $2  }
0x42: {  	_ =	sdelay $0x2  }
0x43: {  	s13 =	sadd.s32 $0x1000, s13;
	s14 =	sadd.s32 $0x1000, s14  }
.Ltmp6:
0x44: {  	(pc) =	sbr.rel .LBB1_9-.Ltmp6, $4  }
0x45: {  	_ = 	snop  }
0x46: {  	s12 =	sshll.u32 s12, $0x9  }
0x47: {  	s12 =	sadd.s32 s4, s12  }
0x48: {  	[hbm4b:s12+s8] =	stream.linear.scatter [tilespmem:s15], [sflag:$0x2], $0x4000, $0x38;
	[tilespmem:$0x10000] =	vst v63  }
.LBB1_10:
0x49: {  	_ =	sfence.sel $0x180000  }
0x4a: {  	s2 =	simm.s32 $0x1;
	[bflag:$0x0] =	sbarrier.arrive $0xFFFF  }
0x4b: {  	s31 =	simm.s32 $0x2;
	[sflag:s2] =	ssyncpa.u1 $0x1  }
0x4c: {  	[sflag:s31] =	ssyncpa.u1 $0x1  }
0x4d: {  	p0 =	sne.s32 s0, $0x0;
	_ =	strace $0x90000047  }
0x4e: {  	s0 =	sadd.s32 @!p0 $0x100000, s1;
	[bflag:$0x2] =	sbarrier.arrive $0xFFFF  }
0x4f: {  	[sflag:s0] =	ssyncadd.tile.s32 @!p0 $0x1;
	_ =	shalt  }
.Lfunc_end1:
_tile_overlayer_lowered:
.L_overlay_start_2:
0x50: {  	(tag) =	ssettag $0x2  }
0x51: {  	s0 =	rddreg [dreg:$0x0];
	s2 =	stileid.u32  }
0x52: {  	s1 =	rddreg [dreg:$0x1];
	p0 =	sne.s32 s2, $0x0  }
0x53: {  	s3 =	rddreg [dreg:$0x2];
	[bflag:$0x3] =	sbarrier.arrive $0xFFFF;
	s2 =	simm.s32 @!p0 $0x1C01  }
0x54: {  	[timem:s3], [sflag:s2] =	dma.local @!p0 [hbm:s0], s1  }
0x55: {  	s0 =	simm.s32 @!p0 $0x1  }
0x56: {  	_ =	swait.ge @!p0 [sflag:s0], s1  }
0x57: {  	s1 =	ssub.s32 @!p0 $0x0, s1;
	[sflag:s0] =	ssyncset.done @!p0 $0x0  }
0x58: {  	[sflag:s0] =	ssyncadd.s32 @!p0 s1  }
0x59: {  	[bflag:$0x3] =	sbarrier.arrive $0xFFFF  }
0x5a: {  	_ =	shalt  }

</sc_bundles>
